<compile_context>
chip_gen: v7x
topology: tpu7x:2x2x1
jax: 0.10.2.dev20260603
libtpu: 0.0.44.dev20260713+nightly
codegen_flags: <defaults>
</compile_context>

<pallas_src>
import jax
import jax.numpy as jnp
from jax import lax
from jax.experimental import pallas as pl
from jax.experimental.pallas import tpu as pltpu
from jax.experimental.pallas import tpu_sc as plsc

N = 10000
E = 320000
C = 128
NC = 2
NS = 16
NW = NC * NS
NP = 10240
ROWS_PER_TILE = NP // NS
CH = 128
HW = 16
EPW = E // NW
BN = 2000
NK = 80
EP = NK * NW * CH
NSLOT = 2


def _sne_body(x_ref, ntc_ref, ntt_ref, o_ref):
    iota16 = lax.broadcasted_iota(jnp.int32, (1, 16), 1)
    onehot = (ntc_ref[...] == iota16).astype(jnp.float32)
    o_ref[...] = x_ref[...] + jnp.dot(onehot, ntt_ref[...],
                                      preferred_element_type=jnp.float32)


_sne_call = pl.pallas_call(
    _sne_body,
    grid=(N // BN,),
    in_specs=[
        pl.BlockSpec((BN, C), lambda i: (i, 0)),
        pl.BlockSpec((BN, 1), lambda i: (i, 0)),
        pl.BlockSpec((16, C), lambda i: (0, 0)),
    ],
    out_specs=pl.BlockSpec((BN, C), lambda i: (i, 0)),
    out_shape=jax.ShapeDtypeStruct((N, C), jnp.float32),
)


def _seg_body(sne_hbm, src_hbm, dst_hbm, et_hbm, oht_hbm, zrow_hbm, zhist_hbm,
              s_out, hist_out,
              acc_sh, hist_sh, sidx_v, didx_v, etx_v, rows_v, oh_v,
              sem_i0, sem_i1, sem_g0, sem_g1, sem_s0, sem_s1):
    c_id = lax.axis_index("c")
    s_id = lax.axis_index("s")
    wid = s_id * NC + c_id

    base = s_id * ROWS_PER_TILE
    pltpu.sync_copy(zrow_hbm, rows_v.at[0])
    for b in range(NSLOT):
        pltpu.sync_copy(zhist_hbm, oh_v.at[b])
    for j in range(ROWS_PER_TILE // CH):
        rb = base + j * CH
        pltpu.sync_copy(rows_v.at[0], acc_sh.at[pl.ds(rb, CH)])
        pltpu.sync_copy(oh_v.at[0], hist_sh.at[pl.ds(rb, CH)])

    plsc.subcore_barrier()

    sem_i = (sem_i0, sem_i1)
    sem_g = (sem_g0, sem_g1)
    sem_s = (sem_s0, sem_s1)
    cpy = pltpu.async_copy

    def chunk_body(g, carry):
        di, dg, ds_ = [], [], []
        for b in range(NSLOT):
            off = (wid + (NSLOT * g + b) * NW) * CH
            di.append((
                cpy(src_hbm.at[pl.ds(off, CH)], sidx_v.at[b], sem_i[b]),
                cpy(dst_hbm.at[pl.ds(off, CH)], didx_v.at[b], sem_i[b]),
                cpy(et_hbm.at[pl.ds(off, CH)], etx_v.at[b], sem_i[b]),
            ))
        for b in range(NSLOT):
            for d in di[b]:
                d.wait()
            dg.append((
                cpy(sne_hbm.at[sidx_v.at[b]], rows_v.at[b], sem_g[b]),
            ))
        ones = jnp.ones((16,), jnp.float32)
        z16 = jnp.zeros((16,), jnp.float32)
        for b in range(NSLOT):
            for gg in range(CH // 16):
                ev = lax.iota(jnp.int32, 16) + (gg * 16)
                etv = etx_v[b, pl.ds(gg * 16, 16)]
                plsc.store_scatter(oh_v.at[b], [ev, etv], ones)
        for b in range(NSLOT):
            for d in dg[b]:
                d.wait()
            ds_.append((
                cpy(rows_v.at[b], acc_sh.at[didx_v.at[b]], sem_s[b],
                    add=True),
                cpy(oh_v.at[b], hist_sh.at[didx_v.at[b]], sem_s[b],
                    add=True),
            ))
        for b in range(NSLOT):
            for d in ds_[b]:
                d.wait()
        for b in range(NSLOT):
            for gg in range(CH // 16):
                ev = lax.iota(jnp.int32, 16) + (gg * 16)
                etv = etx_v[b, pl.ds(gg * 16, 16)]
                plsc.store_scatter(oh_v.at[b], [ev, etv], z16)
        return carry

    lax.fori_loop(0, NK // NSLOT, chunk_body, 0)

    plsc.subcore_barrier()

    for j in range(ROWS_PER_TILE // CH):
        rb = base + j * CH
        pltpu.sync_copy(acc_sh.at[pl.ds(rb, CH)], rows_v.at[0])
        pltpu.sync_copy(rows_v.at[0], s_out.at[c_id, pl.ds(rb, CH)])
        pltpu.sync_copy(hist_sh.at[pl.ds(rb, CH)], oh_v.at[0])
        pltpu.sync_copy(oh_v.at[0], hist_out.at[c_id, pl.ds(rb, CH)])


_seg_call = pl.kernel(
    _seg_body,
    out_type=[
        jax.ShapeDtypeStruct((NC, NP, C), jnp.float32),
        jax.ShapeDtypeStruct((NC, NP, HW), jnp.float32),
    ],
    mesh=plsc.VectorSubcoreMesh(core_axis_name="c", subcore_axis_name="s"),
    scratch_types=[
        pltpu.VMEM_SHARED((NP, C), jnp.float32),
        pltpu.VMEM_SHARED((NP, HW), jnp.float32),
        pltpu.VMEM((NSLOT, CH), jnp.int32),
        pltpu.VMEM((NSLOT, CH), jnp.int32),
        pltpu.VMEM((NSLOT, CH), jnp.int32),
        pltpu.VMEM((NSLOT, CH, C), jnp.float32),
        pltpu.VMEM((NSLOT, CH, HW), jnp.float32),
        pltpu.SemaphoreType.DMA,
        pltpu.SemaphoreType.DMA,
        pltpu.SemaphoreType.DMA,
        pltpu.SemaphoreType.DMA,
        pltpu.SemaphoreType.DMA,
        pltpu.SemaphoreType.DMA,
    ],
    compiler_params=pltpu.CompilerParams(needs_layout_passes=False, use_tc_tiling_on_sc=False),
)


def _combine_body(sne_ref, s_ref, h_ref, ett_ref,
                  w1_ref, w2_ref, wrt_ref, wnb_ref, wrb_ref, a12_ref,
                  out_a1_ref, out_a2_ref, out_ge_ref):
    S = s_ref[0] + s_ref[1]
    ethist = h_ref[0, :, :8] + h_ref[1, :, :8]
    cnt = jnp.sum(ethist, axis=1, keepdims=True)
    denom = jnp.maximum(cnt, 1.0)
    efm = (S - jnp.dot(ethist, ett_ref[...],
                       preferred_element_type=jnp.float32)) / denom
    sne = sne_ref[...]
    wc = w2_ref[...] + wrt_ref[...]
    h = (jnp.dot(sne, w1_ref[...], preferred_element_type=jnp.float32)
         + jnp.dot(efm, wc, preferred_element_type=jnp.float32)
         + wnb_ref[...]
         + jnp.where(cnt > 0.0, 1.0, 0.0) * wrb_ref[...])
    a12 = jnp.dot(h, a12_ref[...], preferred_element_type=jnp.float32)
    out_a1_ref[...] = a12[:, 0:1]
    out_a2_ref[...] = a12[:, 1:2]

    @pl.when(pl.program_id(0) == 0)
    def _():
        out_ge_ref[...] = jnp.zeros_like(out_ge_ref)

    out_ge_ref[...] += jnp.sum(h, axis=0, keepdims=True) * (1.0 / N)


_combine_call = pl.pallas_call(
    _combine_body,
    grid=(N // BN,),
    in_specs=[
        pl.BlockSpec((BN, C), lambda i: (i, 0)),
        pl.BlockSpec((NC, BN, C), lambda i: (0, i, 0)),
        pl.BlockSpec((NC, BN, HW), lambda i: (0, i, 0)),
        pl.BlockSpec((8, C), lambda i: (0, 0)),
        pl.BlockSpec((C, C), lambda i: (0, 0)),
        pl.BlockSpec((C, C), lambda i: (0, 0)),
        pl.BlockSpec((C, C), lambda i: (0, 0)),
        pl.BlockSpec((1, C), lambda i: (0, 0)),
        pl.BlockSpec((1, C), lambda i: (0, 0)),
        pl.BlockSpec((C, 2), lambda i: (0, 0)),
    ],
    out_specs=[
        pl.BlockSpec((BN, 1), lambda i: (i, 0)),
        pl.BlockSpec((BN, 1), lambda i: (i, 0)),
        pl.BlockSpec((1, C), lambda i: (0, 0)),
    ],
    out_shape=[
        jax.ShapeDtypeStruct((N, 1), jnp.float32),
        jax.ShapeDtypeStruct((N, 1), jnp.float32),
        jax.ShapeDtypeStruct((1, C), jnp.float32),
    ],
)


def _logits_body(a1_hbm, a2_hbm, src_hbm, dst_hbm, out_hbm,
                 a1_v, a2_v, sidx_v, didx_v, lg_v):
    c_id = lax.axis_index("c")
    s_id = lax.axis_index("s")
    wid = s_id * NC + c_id
    eoff = wid * EPW
    pltpu.sync_copy(a1_hbm, a1_v)
    pltpu.sync_copy(a2_hbm, a2_v)
    pltpu.sync_copy(src_hbm.at[pl.ds(eoff, EPW)], sidx_v)
    pltpu.sync_copy(dst_hbm.at[pl.ds(eoff, EPW)], didx_v)

    def body(g, carry):
        o = pl.multiple_of(g * 16, 16)
        sv = sidx_v[pl.ds(o, 16)]
        dv = didx_v[pl.ds(o, 16)]
        lg_v[pl.ds(o, 16)] = (plsc.load_gather(a1_v, [sv])
                              + plsc.load_gather(a2_v, [dv]))
        return carry

    lax.fori_loop(0, EPW // 16, body, 0)
    pltpu.sync_copy(lg_v, out_hbm.at[pl.ds(eoff, EPW)])


_logits_call = pl.kernel(
    _logits_body,
    out_type=jax.ShapeDtypeStruct((E,), jnp.float32),
    mesh=plsc.VectorSubcoreMesh(core_axis_name="c", subcore_axis_name="s"),
    scratch_types=[
        pltpu.VMEM((N,), jnp.float32),
        pltpu.VMEM((N,), jnp.float32),
        pltpu.VMEM((EPW,), jnp.int32),
        pltpu.VMEM((EPW,), jnp.int32),
        pltpu.VMEM((EPW,), jnp.float32),
    ],
    compiler_params=pltpu.CompilerParams(needs_layout_passes=False, use_tc_tiling_on_sc=False),
)


def _softmax_body(l_ref, o_ref):
    l = l_ref[...]
    m = jnp.max(l)
    e = jnp.exp(l - m)
    o_ref[...] = e / jnp.sum(e)


_softmax_call = pl.pallas_call(
    _softmax_body,
    out_shape=jax.ShapeDtypeStruct((E // C, C), jnp.float32),
)


def kernel(x, edge_index, node_type, edge_type, node_type_table,
           edge_type_table, WN_w, WN_b, WR_w, WR_b, A_w, A_b):
    src = edge_index[0].astype(jnp.int32)
    dst = edge_index[1].astype(jnp.int32)
    nt_i = node_type.astype(jnp.int32)
    et_i = edge_type.astype(jnp.int32)

    sne = _sne_call(x, nt_i.reshape(N, 1), node_type_table)

    padi = jnp.arange(EP - E, dtype=jnp.int32)
    srcp = jnp.concatenate([src, padi % N])
    dstp = jnp.concatenate([dst, N + padi % (NP - N)])
    etp = jnp.concatenate([et_i, padi % 8])
    oht = jnp.eye(8, HW, dtype=jnp.float32)
    zrow = jnp.zeros((CH, C), jnp.float32)
    zhist = jnp.zeros((CH, HW), jnp.float32)
    s_part, hist_part = _seg_call(sne, srcp, dstp, etp, oht, zrow, zhist)

    w1 = WN_w[:, :C].T
    w2 = WN_w[:, C:].T
    wrt = WR_w.T
    a12 = A_w[0].reshape(2, C).T
    a1_out, a2_out, ge = _combine_call(sne, s_part, hist_part, edge_type_table,
                                       w1, w2, wrt,
                                       WN_b.reshape(1, C), WR_b.reshape(1, C),
                                       a12)

    logits = _logits_call(a1_out.reshape(N), a2_out.reshape(N), src, dst)
    aw = _softmax_call(logits.reshape(E // C, C)).reshape(E)
    return ge.reshape(C), aw

# --- scband reference (transcript-rebuilt; emitter-appended) ---
"""Pipeline reference for scband-relational-graph-convolution-31782757991165 (READ-ONLY COPY).

The authoritative reference and input builder live on the scoring server;
editing this copy changes nothing except your own understanding.
"""

import jax, jax.numpy as jnp
import numpy as np

N = 10000
E = 320000
C = 128
OUT = 128
NUM_NODE_TYPES = 16
NUM_EDGE_TYPES = 8


def setup_inputs(seed: int = 0) -> dict:
    key = jax.random.key(seed)
    ks = jax.random.split(key, 12)
    x = jax.random.normal(ks[0], (N, C), dtype=jnp.float32)
    edge_index = jax.random.randint(ks[1], (2, E), 0, N)
    node_type = jax.random.randint(ks[2], (N,), 0, NUM_NODE_TYPES)
    edge_type = jax.random.randint(ks[3], (E,), 0, NUM_EDGE_TYPES)
    node_type_table = jax.random.normal(ks[4], (NUM_NODE_TYPES, C), dtype=jnp.float32) * 0.02
    edge_type_table = jax.random.normal(ks[5], (NUM_EDGE_TYPES, C), dtype=jnp.float32) * 0.02
    WN_w = jax.random.normal(ks[6], (OUT, 2 * C), dtype=jnp.float32) * (1.0 / np.sqrt(2 * C))
    WN_b = jnp.zeros((OUT,), dtype=jnp.float32)
    WR_w = jax.random.normal(ks[7], (OUT, C), dtype=jnp.float32) * (1.0 / np.sqrt(C))
    WR_b = jnp.zeros((OUT,), dtype=jnp.float32)
    A_w = jax.random.normal(ks[8], (1, 2 * OUT), dtype=jnp.float32) * (1.0 / np.sqrt(2 * OUT))
    A_b = jnp.zeros((1,), dtype=jnp.float32)
    return {
        "x": x,
        "edge_index": edge_index,
        "node_type": node_type,
        "edge_type": edge_type,
        "node_type_table": node_type_table,
        "edge_type_table": edge_type_table,
        "WN_w": WN_w,
        "WN_b": WN_b,
        "WR_w": WR_w,
        "WR_b": WR_b,
        "A_w": A_w,
        "A_b": A_b,
    }


def reference(x, edge_index, node_type, edge_type, node_type_table, edge_type_table,
              WN_w, WN_b, WR_w, WR_b, A_w, A_b):
    n = x.shape[0]
    src = edge_index[0]
    dst = edge_index[1]
    # embedding lookups (gather)
    node_type_embeddings = node_type_table[node_type]
    edge_type_embeddings = edge_type_table[edge_type]
    # node-level source embedding
    source_node_embedding = x + node_type_embeddings
    # per-edge relational embedding: source node embedding gathered at edge src minus edge-type embedding
    edge_embedding = source_node_embedding[src] - edge_type_embeddings
    # edge transform + scatter-mean aggregation onto dst nodes
    edge_msg = edge_embedding @ WR_w.T + WR_b
    seg_sum = jax.ops.segment_sum(edge_msg, dst, num_segments=n)
    cnt = jax.ops.segment_sum(jnp.ones((edge_msg.shape[0],), dtype=jnp.float32), dst, num_segments=n)
    denom = jnp.maximum(cnt, 1.0)[:, None]
    aggregated_edge_embeddings = seg_sum / denom
    # node-level combined features: source embedding concatenated with mean incoming raw edge embedding
    edge_feat_sum = jax.ops.segment_sum(edge_embedding, dst, num_segments=n)
    edge_feat_mean = edge_feat_sum / denom
    x_combined = jnp.concatenate([source_node_embedding, edge_feat_mean], axis=-1)
    h = x_combined @ WN_w.T + WN_b + aggregated_edge_embeddings
    # dropout is identity in eval mode
    attn_in = jnp.concatenate([h[src], h[dst]], axis=1)
    attention_weights = (attn_in @ A_w.T + A_b)[:, 0]
    attention_weights = jax.nn.softmax(attention_weights, axis=0)
    graph_embedding = jnp.mean(h, axis=0)
    return (graph_embedding, attention_weights)

if __name__ == "__main__":
    import jax
    _d = setup_inputs()
    print(jax.jit(kernel)(*tuple(_d.values())))

</pallas_src>

<mosaic_0001>
#map = affine_map<(d0, d1) -> (0, 0)>
#map1 = affine_map<(d0, d1) -> (0)>
#map2 = affine_map<(d0, d1) -> (0, 0, 0)>
module attributes {stable_mosaic.version = 14 : i64} {
  func.func @_seg_body(%arg0: i32, %arg1: i32, %arg2: memref<10000x128xf32, #tpu.memory_space<hbm>>, %arg3: memref<327680xi32, #tpu.memory_space<hbm>>, %arg4: memref<327680xi32, #tpu.memory_space<hbm>>, %arg5: memref<327680xi32, #tpu.memory_space<hbm>>, %arg6: memref<8x16xf32, #tpu.memory_space<hbm>>, %arg7: memref<128x128xf32, #tpu.memory_space<hbm>>, %arg8: memref<128x16xf32, #tpu.memory_space<hbm>>, %arg9: memref<2x10240x128xf32, #tpu.memory_space<hbm>>, %arg10: memref<2x10240x16xf32, #tpu.memory_space<hbm>>, %arg11: memref<10240x128xf32, #tpu.memory_space<vmem_shared>>, %arg12: memref<10240x16xf32, #tpu.memory_space<vmem_shared>>, %arg13: memref<2x128xi32, #tpu.memory_space<vmem>>, %arg14: memref<2x128xi32, #tpu.memory_space<vmem>>, %arg15: memref<2x128xi32, #tpu.memory_space<vmem>>, %arg16: memref<2x128x128xf32, #tpu.memory_space<vmem>>, %arg17: memref<2x128x16xf32, #tpu.memory_space<vmem>>, %arg18: memref<!tpu.dma_semaphore, #tpu.memory_space<semaphore_mem>>, %arg19: memref<!tpu.dma_semaphore, #tpu.memory_space<semaphore_mem>>, %arg20: memref<!tpu.dma_semaphore, #tpu.memory_space<semaphore_mem>>, %arg21: memref<!tpu.dma_semaphore, #tpu.memory_space<semaphore_mem>>, %arg22: memref<!tpu.dma_semaphore, #tpu.memory_space<semaphore_mem>>, %arg23: memref<!tpu.dma_semaphore, #tpu.memory_space<semaphore_mem>>) attributes {dimension_semantics = [#tpu.dimension_semantics<core_parallel>, #tpu.dimension_semantics<subcore_parallel>], iteration_bounds = array<i64: 2, 16>, scalar_prefetch = 0 : i64, scratch_operands = 13 : i64, tpu.core_type = #tpu.core_type<sc_vector_subcore>, window_params = [{transform_indices = #map}, {transform_indices = #map1}, {transform_indices = #map1}, {transform_indices = #map1}, {transform_indices = #map}, {transform_indices = #map}, {transform_indices = #map}, {transform_indices = #map2}, {transform_indices = #map2}]} {
    %mul3A = arith.constant 2 : i32
    %mul3A_0 = arith.muli %arg1, %mul3A : i32
    %add3A = arith.addi %mul3A_0, %arg0 : i32
    %mul3A_1 = arith.constant 640 : i32
    %mul3A_2 = arith.muli %arg1, %mul3A_1 : i32
    %run_scoped3A = arith.constant 0 : i32
    "tpu.region"() ({
      %run_scoped3A_61 = tpu.sem_alloc : memref<!tpu.dma_semaphore, #tpu.memory_space<semaphore_mem>>
      %dma_start3A = arith.constant 0 : i32
      %dma_start3A_62 = arith.constant 0 : i32
      %dma_start3A_63 = tpu.memref_slice %arg16[%run_scoped3A, %dma_start3A, %dma_start3A_62] : memref<2x128x128xf32, #tpu.memory_space<vmem>> -> memref<1x128x128xf32, #tpu.memory_space<vmem>>
      %dma_start3A_64 = tpu.memref_squeeze %dma_start3A_63 : memref<1x128x128xf32, #tpu.memory_space<vmem>> -> memref<128x128xf32, #tpu.memory_space<vmem>>
      %dma_start3A_65 = arith.constant 0 : i32
      %dma_start3A_66 = arith.constant 0 : i32
      %dma_start3A_67 = tpu.memref_slice %arg16[%run_scoped3A, %dma_start3A_65, %dma_start3A_66] : memref<2x128x128xf32, #tpu.memory_space<vmem>> -> memref<1x128x128xf32, #tpu.memory_space<vmem>>
      %dma_start3A_68 = tpu.memref_squeeze %dma_start3A_67 : memref<1x128x128xf32, #tpu.memory_space<vmem>> -> memref<128x128xf32, #tpu.memory_space<vmem>>
      tpu.enqueue_dma source(%arg7 : memref<128x128xf32, #tpu.memory_space<hbm>>) target(%dma_start3A_68 : memref<128x128xf32, #tpu.memory_space<vmem>>) target_semaphore(%run_scoped3A_61 : memref<!tpu.dma_semaphore, #tpu.memory_space<semaphore_mem>>)
      %dma_wait3A = arith.constant 0 : i32
      %dma_wait3A_69 = arith.constant 0 : i32
      %dma_wait3A_70 = tpu.memref_slice %arg16[%run_scoped3A, %dma_wait3A, %dma_wait3A_69] : memref<2x128x128xf32, #tpu.memory_space<vmem>> -> memref<1x128x128xf32, #tpu.memory_space<vmem>>
      %dma_wait3A_71 = tpu.memref_squeeze %dma_wait3A_70 : memref<1x128x128xf32, #tpu.memory_space<vmem>> -> memref<128x128xf32, #tpu.memory_space<vmem>>
      %dma_wait3A_72 = arith.constant 0 : i32
      %dma_wait3A_73 = arith.constant 0 : i32
      %dma_wait3A_74 = tpu.memref_slice %arg16[%run_scoped3A, %dma_wait3A_72, %dma_wait3A_73] : memref<2x128x128xf32, #tpu.memory_space<vmem>> -> memref<1x128x128xf32, #tpu.memory_space<vmem>>
      %dma_wait3A_75 = tpu.memref_squeeze %dma_wait3A_74 : memref<1x128x128xf32, #tpu.memory_space<vmem>> -> memref<128x128xf32, #tpu.memory_space<vmem>>
      tpu.wait_dma2 semaphore(%run_scoped3A_61 : memref<!tpu.dma_semaphore, #tpu.memory_space<semaphore_mem>>) src(%arg7 : memref<128x128xf32, #tpu.memory_space<hbm>>) dst(%dma_wait3A_75 : memref<128x128xf32, #tpu.memory_space<vmem>>)
      tpu.yield
    }) : () -> ()
    %run_scoped3A_3 = arith.constant 0 : i32
    "tpu.region"() ({
      %run_scoped3A_61 = tpu.sem_alloc : memref<!tpu.dma_semaphore, #tpu.memory_space<semaphore_mem>>
      %dma_start3A = arith.constant 0 : i32
      %dma_start3A_62 = arith.constant 0 : i32
      %dma_start3A_63 = tpu.memref_slice %arg17[%run_scoped3A_3, %dma_start3A, %dma_start3A_62] : memref<2x128x16xf32, #tpu.memory_space<vmem>> -> memref<1x128x16xf32, #tpu.memory_space<vmem>>
      %dma_start3A_64 = tpu.memref_squeeze %dma_start3A_63 : memref<1x128x16xf32, #tpu.memory_space<vmem>> -> memref<128x16xf32, #tpu.memory_space<vmem>>
      %dma_start3A_65 = arith.constant 0 : i32
      %dma_start3A_66 = arith.constant 0 : i32
      %dma_start3A_67 = tpu.memref_slice %arg17[%run_scoped3A_3, %dma_start3A_65, %dma_start3A_66] : memref<2x128x16xf32, #tpu.memory_space<vmem>> -> memref<1x128x16xf32, #tpu.memory_space<vmem>>
      %dma_start3A_68 = tpu.memref_squeeze %dma_start3A_67 : memref<1x128x16xf32, #tpu.memory_space<vmem>> -> memref<128x16xf32, #tpu.memory_space<vmem>>
      tpu.enqueue_dma source(%arg8 : memref<128x16xf32, #tpu.memory_space<hbm>>) target(%dma_start3A_68 : memref<128x16xf32, #tpu.memory_space<vmem>>) target_semaphore(%run_scoped3A_61 : memref<!tpu.dma_semaphore, #tpu.memory_space<semaphore_mem>>)
      %dma_wait3A = arith.constant 0 : i32
      %dma_wait3A_69 = arith.constant 0 : i32
      %dma_wait3A_70 = tpu.memref_slice %arg17[%run_scoped3A_3, %dma_wait3A, %dma_wait3A_69] : memref<2x128x16xf32, #tpu.memory_space<vmem>> -> memref<1x128x16xf32, #tpu.memory_space<vmem>>
      %dma_wait3A_71 = tpu.memref_squeeze %dma_wait3A_70 : memref<1x128x16xf32, #tpu.memory_space<vmem>> -> memref<128x16xf32, #tpu.memory_space<vmem>>
      %dma_wait3A_72 = arith.constant 0 : i32
      %dma_wait3A_73 = arith.constant 0 : i32
      %dma_wait3A_74 = tpu.memref_slice %arg17[%run_scoped3A_3, %dma_wait3A_72, %dma_wait3A_73] : memref<2x128x16xf32, #tpu.memory_space<vmem>> -> memref<1x128x16xf32, #tpu.memory_space<vmem>>
      %dma_wait3A_75 = tpu.memref_squeeze %dma_wait3A_74 : memref<1x128x16xf32, #tpu.memory_space<vmem>> -> memref<128x16xf32, #tpu.memory_space<vmem>>
      tpu.wait_dma2 semaphore(%run_scoped3A_61 : memref<!tpu.dma_semaphore, #tpu.memory_space<semaphore_mem>>) src(%arg8 : memref<128x16xf32, #tpu.memory_space<hbm>>) dst(%dma_wait3A_75 : memref<128x16xf32, #tpu.memory_space<vmem>>)
      tpu.yield
    }) : () -> ()
    %run_scoped3A_4 = arith.constant 1 : i32
    "tpu.region"() ({
      %run_scoped3A_61 = tpu.sem_alloc : memref<!tpu.dma_semaphore, #tpu.memory_space<semaphore_mem>>
      %dma_start3A = arith.constant 0 : i32
      %dma_start3A_62 = arith.constant 0 : i32
      %dma_start3A_63 = tpu.memref_slice %arg17[%run_scoped3A_4, %dma_start3A, %dma_start3A_62] : memref<2x128x16xf32, #tpu.memory_space<vmem>> -> memref<1x128x16xf32, #tpu.memory_space<vmem>>
      %dma_start3A_64 = tpu.memref_squeeze %dma_start3A_63 : memref<1x128x16xf32, #tpu.memory_space<vmem>> -> memref<128x16xf32, #tpu.memory_space<vmem>>
      %dma_start3A_65 = arith.constant 0 : i32
      %dma_start3A_66 = arith.constant 0 : i32
      %dma_start3A_67 = tpu.memref_slice %arg17[%run_scoped3A_4, %dma_start3A_65, %dma_start3A_66] : memref<2x128x16xf32, #tpu.memory_space<vmem>> -> memref<1x128x16xf32, #tpu.memory_space<vmem>>
      %dma_start3A_68 = tpu.memref_squeeze %dma_start3A_67 : memref<1x128x16xf32, #tpu.memory_space<vmem>> -> memref<128x16xf32, #tpu.memory_space<vmem>>
      tpu.enqueue_dma source(%arg8 : memref<128x16xf32, #tpu.memory_space<hbm>>) target(%dma_start3A_68 : memref<128x16xf32, #tpu.memory_space<vmem>>) target_semaphore(%run_scoped3A_61 : memref<!tpu.dma_semaphore, #tpu.memory_space<semaphore_mem>>)
      %dma_wait3A = arith.constant 0 : i32
      %dma_wait3A_69 = arith.constant 0 : i32
      %dma_wait3A_70 = tpu.memref_slice %arg17[%run_scoped3A_4, %dma_wait3A, %dma_wait3A_69] : memref<2x128x16xf32, #tpu.memory_space<vmem>> -> memref<1x128x16xf32, #tpu.memory_space<vmem>>
      %dma_wait3A_71 = tpu.memref_squeeze %dma_wait3A_70 : memref<1x128x16xf32, #tpu.memory_space<vmem>> -> memref<128x16xf32, #tpu.memory_space<vmem>>
      %dma_wait3A_72 = arith.constant 0 : i32
      %dma_wait3A_73 = arith.constant 0 : i32
      %dma_wait3A_74 = tpu.memref_slice %arg17[%run_scoped3A_4, %dma_wait3A_72, %dma_wait3A_73] : memref<2x128x16xf32, #tpu.memory_space<vmem>> -> memref<1x128x16xf32, #tpu.memory_space<vmem>>
      %dma_wait3A_75 = tpu.memref_squeeze %dma_wait3A_74 : memref<1x128x16xf32, #tpu.memory_space<vmem>> -> memref<128x16xf32, #tpu.memory_space<vmem>>
      tpu.wait_dma2 semaphore(%run_scoped3A_61 : memref<!tpu.dma_semaphore, #tpu.memory_space<semaphore_mem>>) src(%arg8 : memref<128x16xf32, #tpu.memory_space<hbm>>) dst(%dma_wait3A_75 : memref<128x16xf32, #tpu.memory_space<vmem>>)
      tpu.yield
    }) : () -> ()
    %add3A_5 = arith.constant 0 : i32
    %add3A_6 = arith.addi %mul3A_2, %add3A_5 : i32
    %run_scoped3A_7 = arith.constant 0 : i32
    "tpu.region"() ({
      %run_scoped3A_61 = tpu.sem_alloc : memref<!tpu.dma_semaphore, #tpu.memory_space<semaphore_mem>>
      %dma_start3A = arith.constant 0 : i32
      %dma_start3A_62 = arith.constant 0 : i32
      %dma_start3A_63 = tpu.memref_slice %arg16[%run_scoped3A_7, %dma_start3A, %dma_start3A_62] : memref<2x128x128xf32, #tpu.memory_space<vmem>> -> memref<1x128x128xf32, #tpu.memory_space<vmem>>
      %dma_start3A_64 = tpu.memref_squeeze %dma_start3A_63 : memref<1x128x128xf32, #tpu.memory_space<vmem>> -> memref<128x128xf32, #tpu.memory_space<vmem>>
      %dma_start3A_65 = arith.constant 0 : i32
      %dma_start3A_66 = tpu.memref_slice %arg11[%add3A_6, %dma_start3A_65] : memref<10240x128xf32, #tpu.memory_space<vmem_shared>> -> memref<128x128xf32, #tpu.memory_space<vmem_shared>>
      %dma_start3A_67 = arith.constant 0 : i32
      %dma_start3A_68 = tpu.memref_slice %arg11[%add3A_6, %dma_start3A_67] : memref<10240x128xf32, #tpu.memory_space<vmem_shared>> -> memref<128x128xf32, #tpu.memory_space<vmem_shared>>
      %dma_start3A_69 = arith.constant 0 : i32
      %dma_start3A_70 = arith.constant 0 : i32
      %dma_start3A_71 = tpu.memref_slice %arg16[%run_scoped3A_7, %dma_start3A_69, %dma_start3A_70] : memref<2x128x128xf32, #tpu.memory_space<vmem>> -> memref<1x128x128xf32, #tpu.memory_space<vmem>>
      %dma_start3A_72 = tpu.memref_squeeze %dma_start3A_71 : memref<1x128x128xf32, #tpu.memory_space<vmem>> -> memref<128x128xf32, #tpu.memory_space<vmem>>
      tpu.enqueue_dma source(%dma_start3A_72 : memref<128x128xf32, #tpu.memory_space<vmem>>) target(%dma_start3A_68 : memref<128x128xf32, #tpu.memory_space<vmem_shared>>) target_semaphore(%run_scoped3A_61 : memref<!tpu.dma_semaphore, #tpu.memory_space<semaphore_mem>>)
      %dma_wait3A = arith.constant 0 : i32
      %dma_wait3A_73 = arith.constant 0 : i32
      %dma_wait3A_74 = tpu.memref_slice %arg16[%run_scoped3A_7, %dma_wait3A, %dma_wait3A_73] : memref<2x128x128xf32, #tpu.memory_space<vmem>> -> memref<1x128x128xf32, #tpu.memory_space<vmem>>
      %dma_wait3A_75 = tpu.memref_squeeze %dma_wait3A_74 : memref<1x128x128xf32, #tpu.memory_space<vmem>> -> memref<128x128xf32, #tpu.memory_space<vmem>>
      %dma_wait3A_76 = arith.constant 0 : i32
      %dma_wait3A_77 = tpu.memref_slice %arg11[%add3A_6, %dma_wait3A_76] : memref<10240x128xf32, #tpu.memory_space<vmem_shared>> -> memref<128x128xf32, #tpu.memory_space<vmem_shared>>
      %dma_wait3A_78 = arith.constant 0 : i32
      %dma_wait3A_79 = tpu.memref_slice %arg11[%add3A_6, %dma_wait3A_78] : memref<10240x128xf32, #tpu.memory_space<vmem_shared>> -> memref<128x128xf32, #tpu.memory_space<vmem_shared>>
      %dma_wait3A_80 = arith.constant 0 : i32
      %dma_wait3A_81 = arith.constant 0 : i32
      %dma_wait3A_82 = tpu.memref_slice %arg16[%run_scoped3A_7, %dma_wait3A_80, %dma_wait3A_81] : memref<2x128x128xf32, #tpu.memory_space<vmem>> -> memref<1x128x128xf32, #tpu.memory_space<vmem>>
      %dma_wait3A_83 = tpu.memref_squeeze %dma_wait3A_82 : memref<1x128x128xf32, #tpu.memory_space<vmem>> -> memref<128x128xf32, #tpu.memory_space<vmem>>
      tpu.wait_dma2 semaphore(%run_scoped3A_61 : memref<!tpu.dma_semaphore, #tpu.memory_space<semaphore_mem>>) src(%dma_wait3A_83 : memref<128x128xf32, #tpu.memory_space<vmem>>) dst(%dma_wait3A_79 : memref<128x128xf32, #tpu.memory_space<vmem_shared>>)
      tpu.yield
    }) : () -> ()
    %run_scoped3A_8 = arith.constant 0 : i32
    "tpu.region"() ({
      %run_scoped3A_61 = tpu.sem_alloc : memref<!tpu.dma_semaphore, #tpu.memory_space<semaphore_mem>>
      %dma_start3A = arith.constant 0 : i32
      %dma_start3A_62 = arith.constant 0 : i32
      %dma_start3A_63 = tpu.memref_slice %arg17[%run_scoped3A_8, %dma_start3A, %dma_start3A_62] : memref<2x128x16xf32, #tpu.memory_space<vmem>> -> memref<1x128x16xf32, #tpu.memory_space<vmem>>
      %dma_start3A_64 = tpu.memref_squeeze %dma_start3A_63 : memref<1x128x16xf32, #tpu.memory_space<vmem>> -> memref<128x16xf32, #tpu.memory_space<vmem>>
      %dma_start3A_65 = arith.constant 0 : i32
      %dma_start3A_66 = tpu.memref_slice %arg12[%add3A_6, %dma_start3A_65] : memref<10240x16xf32, #tpu.memory_space<vmem_shared>> -> memref<128x16xf32, #tpu.memory_space<vmem_shared>>
      %dma_start3A_67 = arith.constant 0 : i32
      %dma_start3A_68 = tpu.memref_slice %arg12[%add3A_6, %dma_start3A_67] : memref<10240x16xf32, #tpu.memory_space<vmem_shared>> -> memref<128x16xf32, #tpu.memory_space<vmem_shared>>
      %dma_start3A_69 = arith.constant 0 : i32
      %dma_start3A_70 = arith.constant 0 : i32
      %dma_start3A_71 = tpu.memref_slice %arg17[%run_scoped3A_8, %dma_start3A_69, %dma_start3A_70] : memref<2x128x16xf32, #tpu.memory_space<vmem>> -> memref<1x128x16xf32, #tpu.memory_space<vmem>>
      %dma_start3A_72 = tpu.memref_squeeze %dma_start3A_71 : memref<1x128x16xf32, #tpu.memory_space<vmem>> -> memref<128x16xf32, #tpu.memory_space<vmem>>
      tpu.enqueue_dma source(%dma_start3A_72 : memref<128x16xf32, #tpu.memory_space<vmem>>) target(%dma_start3A_68 : memref<128x16xf32, #tpu.memory_space<vmem_shared>>) target_semaphore(%run_scoped3A_61 : memref<!tpu.dma_semaphore, #tpu.memory_space<semaphore_mem>>)
      %dma_wait3A = arith.constant 0 : i32
      %dma_wait3A_73 = arith.constant 0 : i32
      %dma_wait3A_74 = tpu.memref_slice %arg17[%run_scoped3A_8, %dma_wait3A, %dma_wait3A_73] : memref<2x128x16xf32, #tpu.memory_space<vmem>> -> memref<1x128x16xf32, #tpu.memory_space<vmem>>
      %dma_wait3A_75 = tpu.memref_squeeze %dma_wait3A_74 : memref<1x128x16xf32, #tpu.memory_space<vmem>> -> memref<128x16xf32, #tpu.memory_space<vmem>>
      %dma_wait3A_76 = arith.constant 0 : i32
      %dma_wait3A_77 = tpu.memref_slice %arg12[%add3A_6, %dma_wait3A_76] : memref<10240x16xf32, #tpu.memory_space<vmem_shared>> -> memref<128x16xf32, #tpu.memory_space<vmem_shared>>
      %dma_wait3A_78 = arith.constant 0 : i32
      %dma_wait3A_79 = tpu.memref_slice %arg12[%add3A_6, %dma_wait3A_78] : memref<10240x16xf32, #tpu.memory_space<vmem_shared>> -> memref<128x16xf32, #tpu.memory_space<vmem_shared>>
      %dma_wait3A_80 = arith.constant 0 : i32
      %dma_wait3A_81 = arith.constant 0 : i32
      %dma_wait3A_82 = tpu.memref_slice %arg17[%run_scoped3A_8, %dma_wait3A_80, %dma_wait3A_81] : memref<2x128x16xf32, #tpu.memory_space<vmem>> -> memref<1x128x16xf32, #tpu.memory_space<vmem>>
      %dma_wait3A_83 = tpu.memref_squeeze %dma_wait3A_82 : memref<1x128x16xf32, #tpu.memory_space<vmem>> -> memref<128x16xf32, #tpu.memory_space<vmem>>
      tpu.wait_dma2 semaphore(%run_scoped3A_61 : memref<!tpu.dma_semaphore, #tpu.memory_space<semaphore_mem>>) src(%dma_wait3A_83 : memref<128x16xf32, #tpu.memory_space<vmem>>) dst(%dma_wait3A_79 : memref<128x16xf32, #tpu.memory_space<vmem_shared>>)
      tpu.yield
    }) : () -> ()
    %add3A_9 = arith.constant 128 : i32
    %add3A_10 = arith.addi %mul3A_2, %add3A_9 : i32
    %run_scoped3A_11 = arith.constant 0 : i32
    "tpu.region"() ({
      %run_scoped3A_61 = tpu.sem_alloc : memref<!tpu.dma_semaphore, #tpu.memory_space<semaphore_mem>>
      %dma_start3A = arith.constant 0 : i32
      %dma_start3A_62 = arith.constant 0 : i32
      %dma_start3A_63 = tpu.memref_slice %arg16[%run_scoped3A_11, %dma_start3A, %dma_start3A_62] : memref<2x128x128xf32, #tpu.memory_space<vmem>> -> memref<1x128x128xf32, #tpu.memory_space<vmem>>
      %dma_start3A_64 = tpu.memref_squeeze %dma_start3A_63 : memref<1x128x128xf32, #tpu.memory_space<vmem>> -> memref<128x128xf32, #tpu.memory_space<vmem>>
      %dma_start3A_65 = arith.constant 0 : i32
      %dma_start3A_66 = tpu.memref_slice %arg11[%add3A_10, %dma_start3A_65] : memref<10240x128xf32, #tpu.memory_space<vmem_shared>> -> memref<128x128xf32, #tpu.memory_space<vmem_shared>>
      %dma_start3A_67 = arith.constant 0 : i32
      %dma_start3A_68 = tpu.memref_slice %arg11[%add3A_10, %dma_start3A_67] : memref<10240x128xf32, #tpu.memory_space<vmem_shared>> -> memref<128x128xf32, #tpu.memory_space<vmem_shared>>
      %dma_start3A_69 = arith.constant 0 : i32
      %dma_start3A_70 = arith.constant 0 : i32
      %dma_start3A_71 = tpu.memref_slice %arg16[%run_scoped3A_11, %dma_start3A_69, %dma_start3A_70] : memref<2x128x128xf32, #tpu.memory_space<vmem>> -> memref<1x128x128xf32, #tpu.memory_space<vmem>>
      %dma_start3A_72 = tpu.memref_squeeze %dma_start3A_71 : memref<1x128x128xf32, #tpu.memory_space<vmem>> -> memref<128x128xf32, #tpu.memory_space<vmem>>
      tpu.enqueue_dma source(%dma_start3A_72 : memref<128x128xf32, #tpu.memory_space<vmem>>) target(%dma_start3A_68 : memref<128x128xf32, #tpu.memory_space<vmem_shared>>) target_semaphore(%run_scoped3A_61 : memref<!tpu.dma_semaphore, #tpu.memory_space<semaphore_mem>>)
      %dma_wait3A = arith.constant 0 : i32
      %dma_wait3A_73 = arith.constant 0 : i32
      %dma_wait3A_74 = tpu.memref_slice %arg16[%run_scoped3A_11, %dma_wait3A, %dma_wait3A_73] : memref<2x128x128xf32, #tpu.memory_space<vmem>> -> memref<1x128x128xf32, #tpu.memory_space<vmem>>
      %dma_wait3A_75 = tpu.memref_squeeze %dma_wait3A_74 : memref<1x128x128xf32, #tpu.memory_space<vmem>> -> memref<128x128xf32, #tpu.memory_space<vmem>>
      %dma_wait3A_76 = arith.constant 0 : i32
      %dma_wait3A_77 = tpu.memref_slice %arg11[%add3A_10, %dma_wait3A_76] : memref<10240x128xf32, #tpu.memory_space<vmem_shared>> -> memref<128x128xf32, #tpu.memory_space<vmem_shared>>
      %dma_wait3A_78 = arith.constant 0 : i32
      %dma_wait3A_79 = tpu.memref_slice %arg11[%add3A_10, %dma_wait3A_78] : memref<10240x128xf32, #tpu.memory_space<vmem_shared>> -> memref<128x128xf32, #tpu.memory_space<vmem_shared>>
      %dma_wait3A_80 = arith.constant 0 : i32
      %dma_wait3A_81 = arith.constant 0 : i32
      %dma_wait3A_82 = tpu.memref_slice %arg16[%run_scoped3A_11, %dma_wait3A_80, %dma_wait3A_81] : memref<2x128x128xf32, #tpu.memory_space<vmem>> -> memref<1x128x128xf32, #tpu.memory_space<vmem>>
      %dma_wait3A_83 = tpu.memref_squeeze %dma_wait3A_82 : memref<1x128x128xf32, #tpu.memory_space<vmem>> -> memref<128x128xf32, #tpu.memory_space<vmem>>
      tpu.wait_dma2 semaphore(%run_scoped3A_61 : memref<!tpu.dma_semaphore, #tpu.memory_space<semaphore_mem>>) src(%dma_wait3A_83 : memref<128x128xf32, #tpu.memory_space<vmem>>) dst(%dma_wait3A_79 : memref<128x128xf32, #tpu.memory_space<vmem_shared>>)
      tpu.yield
    }) : () -> ()
    %run_scoped3A_12 = arith.constant 0 : i32
    "tpu.region"() ({
      %run_scoped3A_61 = tpu.sem_alloc : memref<!tpu.dma_semaphore, #tpu.memory_space<semaphore_mem>>
      %dma_start3A = arith.constant 0 : i32
      %dma_start3A_62 = arith.constant 0 : i32
      %dma_start3A_63 = tpu.memref_slice %arg17[%run_scoped3A_12, %dma_start3A, %dma_start3A_62] : memref<2x128x16xf32, #tpu.memory_space<vmem>> -> memref<1x128x16xf32, #tpu.memory_space<vmem>>
      %dma_start3A_64 = tpu.memref_squeeze %dma_start3A_63 : memref<1x128x16xf32, #tpu.memory_space<vmem>> -> memref<128x16xf32, #tpu.memory_space<vmem>>
      %dma_start3A_65 = arith.constant 0 : i32
      %dma_start3A_66 = tpu.memref_slice %arg12[%add3A_10, %dma_start3A_65] : memref<10240x16xf32, #tpu.memory_space<vmem_shared>> -> memref<128x16xf32, #tpu.memory_space<vmem_shared>>
      %dma_start3A_67 = arith.constant 0 : i32
      %dma_start3A_68 = tpu.memref_slice %arg12[%add3A_10, %dma_start3A_67] : memref<10240x16xf32, #tpu.memory_space<vmem_shared>> -> memref<128x16xf32, #tpu.memory_space<vmem_shared>>
      %dma_start3A_69 = arith.constant 0 : i32
      %dma_start3A_70 = arith.constant 0 : i32
      %dma_start3A_71 = tpu.memref_slice %arg17[%run_scoped3A_12, %dma_start3A_69, %dma_start3A_70] : memref<2x128x16xf32, #tpu.memory_space<vmem>> -> memref<1x128x16xf32, #tpu.memory_space<vmem>>
      %dma_start3A_72 = tpu.memref_squeeze %dma_start3A_71 : memref<1x128x16xf32, #tpu.memory_space<vmem>> -> memref<128x16xf32, #tpu.memory_space<vmem>>
      tpu.enqueue_dma source(%dma_start3A_72 : memref<128x16xf32, #tpu.memory_space<vmem>>) target(%dma_start3A_68 : memref<128x16xf32, #tpu.memory_space<vmem_shared>>) target_semaphore(%run_scoped3A_61 : memref<!tpu.dma_semaphore, #tpu.memory_space<semaphore_mem>>)
      %dma_wait3A = arith.constant 0 : i32
      %dma_wait3A_73 = arith.constant 0 : i32
      %dma_wait3A_74 = tpu.memref_slice %arg17[%run_scoped3A_12, %dma_wait3A, %dma_wait3A_73] : memref<2x128x16xf32, #tpu.memory_space<vmem>> -> memref<1x128x16xf32, #tpu.memory_space<vmem>>
      %dma_wait3A_75 = tpu.memref_squeeze %dma_wait3A_74 : memref<1x128x16xf32, #tpu.memory_space<vmem>> -> memref<128x16xf32, #tpu.memory_space<vmem>>
      %dma_wait3A_76 = arith.constant 0 : i32
      %dma_wait3A_77 = tpu.memref_slice %arg12[%add3A_10, %dma_wait3A_76] : memref<10240x16xf32, #tpu.memory_space<vmem_shared>> -> memref<128x16xf32, #tpu.memory_space<vmem_shared>>
      %dma_wait3A_78 = arith.constant 0 : i32
      %dma_wait3A_79 = tpu.memref_slice %arg12[%add3A_10, %dma_wait3A_78] : memref<10240x16xf32, #tpu.memory_space<vmem_shared>> -> memref<128x16xf32, #tpu.memory_space<vmem_shared>>
      %dma_wait3A_80 = arith.constant 0 : i32
      %dma_wait3A_81 = arith.constant 0 : i32
      %dma_wait3A_82 = tpu.memref_slice %arg17[%run_scoped3A_12, %dma_wait3A_80, %dma_wait3A_81] : memref<2x128x16xf32, #tpu.memory_space<vmem>> -> memref<1x128x16xf32, #tpu.memory_space<vmem>>
      %dma_wait3A_83 = tpu.memref_squeeze %dma_wait3A_82 : memref<1x128x16xf32, #tpu.memory_space<vmem>> -> memref<128x16xf32, #tpu.memory_space<vmem>>
      tpu.wait_dma2 semaphore(%run_scoped3A_61 : memref<!tpu.dma_semaphore, #tpu.memory_space<semaphore_mem>>) src(%dma_wait3A_83 : memref<128x16xf32, #tpu.memory_space<vmem>>) dst(%dma_wait3A_79 : memref<128x16xf32, #tpu.memory_space<vmem_shared>>)
      tpu.yield
    }) : () -> ()
    %add3A_13 = arith.constant 256 : i32
    %add3A_14 = arith.addi %mul3A_2, %add3A_13 : i32
    %run_scoped3A_15 = arith.constant 0 : i32
    "tpu.region"() ({
      %run_scoped3A_61 = tpu.sem_alloc : memref<!tpu.dma_semaphore, #tpu.memory_space<semaphore_mem>>
      %dma_start3A = arith.constant 0 : i32
      %dma_start3A_62 = arith.constant 0 : i32
      %dma_start3A_63 = tpu.memref_slice %arg16[%run_scoped3A_15, %dma_start3A, %dma_start3A_62] : memref<2x128x128xf32, #tpu.memory_space<vmem>> -> memref<1x128x128xf32, #tpu.memory_space<vmem>>
      %dma_start3A_64 = tpu.memref_squeeze %dma_start3A_63 : memref<1x128x128xf32, #tpu.memory_space<vmem>> -> memref<128x128xf32, #tpu.memory_space<vmem>>
      %dma_start3A_65 = arith.constant 0 : i32
      %dma_start3A_66 = tpu.memref_slice %arg11[%add3A_14, %dma_start3A_65] : memref<10240x128xf32, #tpu.memory_space<vmem_shared>> -> memref<128x128xf32, #tpu.memory_space<vmem_shared>>
      %dma_start3A_67 = arith.constant 0 : i32
      %dma_start3A_68 = tpu.memref_slice %arg11[%add3A_14, %dma_start3A_67] : memref<10240x128xf32, #tpu.memory_space<vmem_shared>> -> memref<128x128xf32, #tpu.memory_space<vmem_shared>>
      %dma_start3A_69 = arith.constant 0 : i32
      %dma_start3A_70 = arith.constant 0 : i32
      %dma_start3A_71 = tpu.memref_slice %arg16[%run_scoped3A_15, %dma_start3A_69, %dma_start3A_70] : memref<2x128x128xf32, #tpu.memory_space<vmem>> -> memref<1x128x128xf32, #tpu.memory_space<vmem>>
      %dma_start3A_72 = tpu.memref_squeeze %dma_start3A_71 : memref<1x128x128xf32, #tpu.memory_space<vmem>> -> memref<128x128xf32, #tpu.memory_space<vmem>>
      tpu.enqueue_dma source(%dma_start3A_72 : memref<128x128xf32, #tpu.memory_space<vmem>>) target(%dma_start3A_68 : memref<128x128xf32, #tpu.memory_space<vmem_shared>>) target_semaphore(%run_scoped3A_61 : memref<!tpu.dma_semaphore, #tpu.memory_space<semaphore_mem>>)
      %dma_wait3A = arith.constant 0 : i32
      %dma_wait3A_73 = arith.constant 0 : i32
      %dma_wait3A_74 = tpu.memref_slice %arg16[%run_scoped3A_15, %dma_wait3A, %dma_wait3A_73] : memref<2x128x128xf32, #tpu.memory_space<vmem>> -> memref<1x128x128xf32, #tpu.memory_space<vmem>>
      %dma_wait3A_75 = tpu.memref_squeeze %dma_wait3A_74 : memref<1x128x128xf32, #tpu.memory_space<vmem>> -> memref<128x128xf32, #tpu.memory_space<vmem>>
      %dma_wait3A_76 = arith.constant 0 : i32
      %dma_wait3A_77 = tpu.memref_slice %arg11[%add3A_14, %dma_wait3A_76] : memref<10240x128xf32, #tpu.memory_space<vmem_shared>> -> memref<128x128xf32, #tpu.memory_space<vmem_shared>>
      %dma_wait3A_78 = arith.constant 0 : i32
      %dma_wait3A_79 = tpu.memref_slice %arg11[%add3A_14, %dma_wait3A_78] : memref<10240x128xf32, #tpu.memory_space<vmem_shared>> -> memref<128x128xf32, #tpu.memory_space<vmem_shared>>
      %dma_wait3A_80 = arith.constant 0 : i32
      %dma_wait3A_81 = arith.constant 0 : i32
      %dma_wait3A_82 = tpu.memref_slice %arg16[%run_scoped3A_15, %dma_wait3A_80, %dma_wait3A_81] : memref<2x128x128xf32, #tpu.memory_space<vmem>> -> memref<1x128x128xf32, #tpu.memory_space<vmem>>
      %dma_wait3A_83 = tpu.memref_squeeze %dma_wait3A_82 : memref<1x128x128xf32, #tpu.memory_space<vmem>> -> memref<128x128xf32, #tpu.memory_space<vmem>>
      tpu.wait_dma2 semaphore(%run_scoped3A_61 : memref<!tpu.dma_semaphore, #tpu.memory_space<semaphore_mem>>) src(%dma_wait3A_83 : memref<128x128xf32, #tpu.memory_space<vmem>>) dst(%dma_wait3A_79 : memref<128x128xf32, #tpu.memory_space<vmem_shared>>)
      tpu.yield
    }) : () -> ()
    %run_scoped3A_16 = arith.constant 0 : i32
    "tpu.region"() ({
      %run_scoped3A_61 = tpu.sem_alloc : memref<!tpu.dma_semaphore, #tpu.memory_space<semaphore_mem>>
      %dma_start3A = arith.constant 0 : i32
      %dma_start3A_62 = arith.constant 0 : i32
      %dma_start3A_63 = tpu.memref_slice %arg17[%run_scoped3A_16, %dma_start3A, %dma_start3A_62] : memref<2x128x16xf32, #tpu.memory_space<vmem>> -> memref<1x128x16xf32, #tpu.memory_space<vmem>>
      %dma_start3A_64 = tpu.memref_squeeze %dma_start3A_63 : memref<1x128x16xf32, #tpu.memory_space<vmem>> -> memref<128x16xf32, #tpu.memory_space<vmem>>
      %dma_start3A_65 = arith.constant 0 : i32
      %dma_start3A_66 = tpu.memref_slice %arg12[%add3A_14, %dma_start3A_65] : memref<10240x16xf32, #tpu.memory_space<vmem_shared>> -> memref<128x16xf32, #tpu.memory_space<vmem_shared>>
      %dma_start3A_67 = arith.constant 0 : i32
      %dma_start3A_68 = tpu.memref_slice %arg12[%add3A_14, %dma_start3A_67] : memref<10240x16xf32, #tpu.memory_space<vmem_shared>> -> memref<128x16xf32, #tpu.memory_space<vmem_shared>>
      %dma_start3A_69 = arith.constant 0 : i32
      %dma_start3A_70 = arith.constant 0 : i32
      %dma_start3A_71 = tpu.memref_slice %arg17[%run_scoped3A_16, %dma_start3A_69, %dma_start3A_70] : memref<2x128x16xf32, #tpu.memory_space<vmem>> -> memref<1x128x16xf32, #tpu.memory_space<vmem>>
      %dma_start3A_72 = tpu.memref_squeeze %dma_start3A_71 : memref<1x128x16xf32, #tpu.memory_space<vmem>> -> memref<128x16xf32, #tpu.memory_space<vmem>>
      tpu.enqueue_dma source(%dma_start3A_72 : memref<128x16xf32, #tpu.memory_space<vmem>>) target(%dma_start3A_68 : memref<128x16xf32, #tpu.memory_space<vmem_shared>>) target_semaphore(%run_scoped3A_61 : memref<!tpu.dma_semaphore, #tpu.memory_space<semaphore_mem>>)
      %dma_wait3A = arith.constant 0 : i32
      %dma_wait3A_73 = arith.constant 0 : i32
      %dma_wait3A_74 = tpu.memref_slice %arg17[%run_scoped3A_16, %dma_wait3A, %dma_wait3A_73] : memref<2x128x16xf32, #tpu.memory_space<vmem>> -> memref<1x128x16xf32, #tpu.memory_space<vmem>>
      %dma_wait3A_75 = tpu.memref_squeeze %dma_wait3A_74 : memref<1x128x16xf32, #tpu.memory_space<vmem>> -> memref<128x16xf32, #tpu.memory_space<vmem>>
      %dma_wait3A_76 = arith.constant 0 : i32
      %dma_wait3A_77 = tpu.memref_slice %arg12[%add3A_14, %dma_wait3A_76] : memref<10240x16xf32, #tpu.memory_space<vmem_shared>> -> memref<128x16xf32, #tpu.memory_space<vmem_shared>>
      %dma_wait3A_78 = arith.constant 0 : i32
      %dma_wait3A_79 = tpu.memref_slice %arg12[%add3A_14, %dma_wait3A_78] : memref<10240x16xf32, #tpu.memory_space<vmem_shared>> -> memref<128x16xf32, #tpu.memory_space<vmem_shared>>
      %dma_wait3A_80 = arith.constant 0 : i32
      %dma_wait3A_81 = arith.constant 0 : i32
      %dma_wait3A_82 = tpu.memref_slice %arg17[%run_scoped3A_16, %dma_wait3A_80, %dma_wait3A_81] : memref<2x128x16xf32, #tpu.memory_space<vmem>> -> memref<1x128x16xf32, #tpu.memory_space<vmem>>
      %dma_wait3A_83 = tpu.memref_squeeze %dma_wait3A_82 : memref<1x128x16xf32, #tpu.memory_space<vmem>> -> memref<128x16xf32, #tpu.memory_space<vmem>>
      tpu.wait_dma2 semaphore(%run_scoped3A_61 : memref<!tpu.dma_semaphore, #tpu.memory_space<semaphore_mem>>) src(%dma_wait3A_83 : memref<128x16xf32, #tpu.memory_space<vmem>>) dst(%dma_wait3A_79 : memref<128x16xf32, #tpu.memory_space<vmem_shared>>)
      tpu.yield
    }) : () -> ()
    %add3A_17 = arith.constant 384 : i32
    %add3A_18 = arith.addi %mul3A_2, %add3A_17 : i32
    %run_scoped3A_19 = arith.constant 0 : i32
    "tpu.region"() ({
      %run_scoped3A_61 = tpu.sem_alloc : memref<!tpu.dma_semaphore, #tpu.memory_space<semaphore_mem>>
      %dma_start3A = arith.constant 0 : i32
      %dma_start3A_62 = arith.constant 0 : i32
      %dma_start3A_63 = tpu.memref_slice %arg16[%run_scoped3A_19, %dma_start3A, %dma_start3A_62] : memref<2x128x128xf32, #tpu.memory_space<vmem>> -> memref<1x128x128xf32, #tpu.memory_space<vmem>>
      %dma_start3A_64 = tpu.memref_squeeze %dma_start3A_63 : memref<1x128x128xf32, #tpu.memory_space<vmem>> -> memref<128x128xf32, #tpu.memory_space<vmem>>
      %dma_start3A_65 = arith.constant 0 : i32
      %dma_start3A_66 = tpu.memref_slice %arg11[%add3A_18, %dma_start3A_65] : memref<10240x128xf32, #tpu.memory_space<vmem_shared>> -> memref<128x128xf32, #tpu.memory_space<vmem_shared>>
      %dma_start3A_67 = arith.constant 0 : i32
      %dma_start3A_68 = tpu.memref_slice %arg11[%add3A_18, %dma_start3A_67] : memref<10240x128xf32, #tpu.memory_space<vmem_shared>> -> memref<128x128xf32, #tpu.memory_space<vmem_shared>>
      %dma_start3A_69 = arith.constant 0 : i32
      %dma_start3A_70 = arith.constant 0 : i32
      %dma_start3A_71 = tpu.memref_slice %arg16[%run_scoped3A_19, %dma_start3A_69, %dma_start3A_70] : memref<2x128x128xf32, #tpu.memory_space<vmem>> -> memref<1x128x128xf32, #tpu.memory_space<vmem>>
      %dma_start3A_72 = tpu.memref_squeeze %dma_start3A_71 : memref<1x128x128xf32, #tpu.memory_space<vmem>> -> memref<128x128xf32, #tpu.memory_space<vmem>>
      tpu.enqueue_dma source(%dma_start3A_72 : memref<128x128xf32, #tpu.memory_space<vmem>>) target(%dma_start3A_68 : memref<128x128xf32, #tpu.memory_space<vmem_shared>>) target_semaphore(%run_scoped3A_61 : memref<!tpu.dma_semaphore, #tpu.memory_space<semaphore_mem>>)
      %dma_wait3A = arith.constant 0 : i32
      %dma_wait3A_73 = arith.constant 0 : i32
      %dma_wait3A_74 = tpu.memref_slice %arg16[%run_scoped3A_19, %dma_wait3A, %dma_wait3A_73] : memref<2x128x128xf32, #tpu.memory_space<vmem>> -> memref<1x128x128xf32, #tpu.memory_space<vmem>>
      %dma_wait3A_75 = tpu.memref_squeeze %dma_wait3A_74 : memref<1x128x128xf32, #tpu.memory_space<vmem>> -> memref<128x128xf32, #tpu.memory_space<vmem>>
      %dma_wait3A_76 = arith.constant 0 : i32
      %dma_wait3A_77 = tpu.memref_slice %arg11[%add3A_18, %dma_wait3A_76] : memref<10240x128xf32, #tpu.memory_space<vmem_shared>> -> memref<128x128xf32, #tpu.memory_space<vmem_shared>>
      %dma_wait3A_78 = arith.constant 0 : i32
      %dma_wait3A_79 = tpu.memref_slice %arg11[%add3A_18, %dma_wait3A_78] : memref<10240x128xf32, #tpu.memory_space<vmem_shared>> -> memref<128x128xf32, #tpu.memory_space<vmem_shared>>
      %dma_wait3A_80 = arith.constant 0 : i32
      %dma_wait3A_81 = arith.constant 0 : i32
      %dma_wait3A_82 = tpu.memref_slice %arg16[%run_scoped3A_19, %dma_wait3A_80, %dma_wait3A_81] : memref<2x128x128xf32, #tpu.memory_space<vmem>> -> memref<1x128x128xf32, #tpu.memory_space<vmem>>
      %dma_wait3A_83 = tpu.memref_squeeze %dma_wait3A_82 : memref<1x128x128xf32, #tpu.memory_space<vmem>> -> memref<128x128xf32, #tpu.memory_space<vmem>>
      tpu.wait_dma2 semaphore(%run_scoped3A_61 : memref<!tpu.dma_semaphore, #tpu.memory_space<semaphore_mem>>) src(%dma_wait3A_83 : memref<128x128xf32, #tpu.memory_space<vmem>>) dst(%dma_wait3A_79 : memref<128x128xf32, #tpu.memory_space<vmem_shared>>)
      tpu.yield
    }) : () -> ()
    %run_scoped3A_20 = arith.constant 0 : i32
    "tpu.region"() ({
      %run_scoped3A_61 = tpu.sem_alloc : memref<!tpu.dma_semaphore, #tpu.memory_space<semaphore_mem>>
      %dma_start3A = arith.constant 0 : i32
      %dma_start3A_62 = arith.constant 0 : i32
      %dma_start3A_63 = tpu.memref_slice %arg17[%run_scoped3A_20, %dma_start3A, %dma_start3A_62] : memref<2x128x16xf32, #tpu.memory_space<vmem>> -> memref<1x128x16xf32, #tpu.memory_space<vmem>>
      %dma_start3A_64 = tpu.memref_squeeze %dma_start3A_63 : memref<1x128x16xf32, #tpu.memory_space<vmem>> -> memref<128x16xf32, #tpu.memory_space<vmem>>
      %dma_start3A_65 = arith.constant 0 : i32
      %dma_start3A_66 = tpu.memref_slice %arg12[%add3A_18, %dma_start3A_65] : memref<10240x16xf32, #tpu.memory_space<vmem_shared>> -> memref<128x16xf32, #tpu.memory_space<vmem_shared>>
      %dma_start3A_67 = arith.constant 0 : i32
      %dma_start3A_68 = tpu.memref_slice %arg12[%add3A_18, %dma_start3A_67] : memref<10240x16xf32, #tpu.memory_space<vmem_shared>> -> memref<128x16xf32, #tpu.memory_space<vmem_shared>>
      %dma_start3A_69 = arith.constant 0 : i32
      %dma_start3A_70 = arith.constant 0 : i32
      %dma_start3A_71 = tpu.memref_slice %arg17[%run_scoped3A_20, %dma_start3A_69, %dma_start3A_70] : memref<2x128x16xf32, #tpu.memory_space<vmem>> -> memref<1x128x16xf32, #tpu.memory_space<vmem>>
      %dma_start3A_72 = tpu.memref_squeeze %dma_start3A_71 : memref<1x128x16xf32, #tpu.memory_space<vmem>> -> memref<128x16xf32, #tpu.memory_space<vmem>>
      tpu.enqueue_dma source(%dma_start3A_72 : memref<128x16xf32, #tpu.memory_space<vmem>>) target(%dma_start3A_68 : memref<128x16xf32, #tpu.memory_space<vmem_shared>>) target_semaphore(%run_scoped3A_61 : memref<!tpu.dma_semaphore, #tpu.memory_space<semaphore_mem>>)
      %dma_wait3A = arith.constant 0 : i32
      %dma_wait3A_73 = arith.constant 0 : i32
      %dma_wait3A_74 = tpu.memref_slice %arg17[%run_scoped3A_20, %dma_wait3A, %dma_wait3A_73] : memref<2x128x16xf32, #tpu.memory_space<vmem>> -> memref<1x128x16xf32, #tpu.memory_space<vmem>>
      %dma_wait3A_75 = tpu.memref_squeeze %dma_wait3A_74 : memref<1x128x16xf32, #tpu.memory_space<vmem>> -> memref<128x16xf32, #tpu.memory_space<vmem>>
      %dma_wait3A_76 = arith.constant 0 : i32
      %dma_wait3A_77 = tpu.memref_slice %arg12[%add3A_18, %dma_wait3A_76] : memref<10240x16xf32, #tpu.memory_space<vmem_shared>> -> memref<128x16xf32, #tpu.memory_space<vmem_shared>>
      %dma_wait3A_78 = arith.constant 0 : i32
      %dma_wait3A_79 = tpu.memref_slice %arg12[%add3A_18, %dma_wait3A_78] : memref<10240x16xf32, #tpu.memory_space<vmem_shared>> -> memref<128x16xf32, #tpu.memory_space<vmem_shared>>
      %dma_wait3A_80 = arith.constant 0 : i32
      %dma_wait3A_81 = arith.constant 0 : i32
      %dma_wait3A_82 = tpu.memref_slice %arg17[%run_scoped3A_20, %dma_wait3A_80, %dma_wait3A_81] : memref<2x128x16xf32, #tpu.memory_space<vmem>> -> memref<1x128x16xf32, #tpu.memory_space<vmem>>
      %dma_wait3A_83 = tpu.memref_squeeze %dma_wait3A_82 : memref<1x128x16xf32, #tpu.memory_space<vmem>> -> memref<128x16xf32, #tpu.memory_space<vmem>>
      tpu.wait_dma2 semaphore(%run_scoped3A_61 : memref<!tpu.dma_semaphore, #tpu.memory_space<semaphore_mem>>) src(%dma_wait3A_83 : memref<128x16xf32, #tpu.memory_space<vmem>>) dst(%dma_wait3A_79 : memref<128x16xf32, #tpu.memory_space<vmem_shared>>)
      tpu.yield
    }) : () -> ()
    %add3A_21 = arith.constant 512 : i32
    %add3A_22 = arith.addi %mul3A_2, %add3A_21 : i32
    %run_scoped3A_23 = arith.constant 0 : i32
    "tpu.region"() ({
      %run_scoped3A_61 = tpu.sem_alloc : memref<!tpu.dma_semaphore, #tpu.memory_space<semaphore_mem>>
      %dma_start3A = arith.constant 0 : i32
      %dma_start3A_62 = arith.constant 0 : i32
      %dma_start3A_63 = tpu.memref_slice %arg16[%run_scoped3A_23, %dma_start3A, %dma_start3A_62] : memref<2x128x128xf32, #tpu.memory_space<vmem>> -> memref<1x128x128xf32, #tpu.memory_space<vmem>>
      %dma_start3A_64 = tpu.memref_squeeze %dma_start3A_63 : memref<1x128x128xf32, #tpu.memory_space<vmem>> -> memref<128x128xf32, #tpu.memory_space<vmem>>
      %dma_start3A_65 = arith.constant 0 : i32
      %dma_start3A_66 = tpu.memref_slice %arg11[%add3A_22, %dma_start3A_65] : memref<10240x128xf32, #tpu.memory_space<vmem_shared>> -> memref<128x128xf32, #tpu.memory_space<vmem_shared>>
      %dma_start3A_67 = arith.constant 0 : i32
      %dma_start3A_68 = tpu.memref_slice %arg11[%add3A_22, %dma_start3A_67] : memref<10240x128xf32, #tpu.memory_space<vmem_shared>> -> memref<128x128xf32, #tpu.memory_space<vmem_shared>>
      %dma_start3A_69 = arith.constant 0 : i32
      %dma_start3A_70 = arith.constant 0 : i32
      %dma_start3A_71 = tpu.memref_slice %arg16[%run_scoped3A_23, %dma_start3A_69, %dma_start3A_70] : memref<2x128x128xf32, #tpu.memory_space<vmem>> -> memref<1x128x128xf32, #tpu.memory_space<vmem>>
      %dma_start3A_72 = tpu.memref_squeeze %dma_start3A_71 : memref<1x128x128xf32, #tpu.memory_space<vmem>> -> memref<128x128xf32, #tpu.memory_space<vmem>>
      tpu.enqueue_dma source(%dma_start3A_72 : memref<128x128xf32, #tpu.memory_space<vmem>>) target(%dma_start3A_68 : memref<128x128xf32, #tpu.memory_space<vmem_shared>>) target_semaphore(%run_scoped3A_61 : memref<!tpu.dma_semaphore, #tpu.memory_space<semaphore_mem>>)
      %dma_wait3A = arith.constant 0 : i32
      %dma_wait3A_73 = arith.constant 0 : i32
      %dma_wait3A_74 = tpu.memref_slice %arg16[%run_scoped3A_23, %dma_wait3A, %dma_wait3A_73] : memref<2x128x128xf32, #tpu.memory_space<vmem>> -> memref<1x128x128xf32, #tpu.memory_space<vmem>>
      %dma_wait3A_75 = tpu.memref_squeeze %dma_wait3A_74 : memref<1x128x128xf32, #tpu.memory_space<vmem>> -> memref<128x128xf32, #tpu.memory_space<vmem>>
      %dma_wait3A_76 = arith.constant 0 : i32
      %dma_wait3A_77 = tpu.memref_slice %arg11[%add3A_22, %dma_wait3A_76] : memref<10240x128xf32, #tpu.memory_space<vmem_shared>> -> memref<128x128xf32, #tpu.memory_space<vmem_shared>>
      %dma_wait3A_78 = arith.constant 0 : i32
      %dma_wait3A_79 = tpu.memref_slice %arg11[%add3A_22, %dma_wait3A_78] : memref<10240x128xf32, #tpu.memory_space<vmem_shared>> -> memref<128x128xf32, #tpu.memory_space<vmem_shared>>
      %dma_wait3A_80 = arith.constant 0 : i32
      %dma_wait3A_81 = arith.constant 0 : i32
      %dma_wait3A_82 = tpu.memref_slice %arg16[%run_scoped3A_23, %dma_wait3A_80, %dma_wait3A_81] : memref<2x128x128xf32, #tpu.memory_space<vmem>> -> memref<1x128x128xf32, #tpu.memory_space<vmem>>
      %dma_wait3A_83 = tpu.memref_squeeze %dma_wait3A_82 : memref<1x128x128xf32, #tpu.memory_space<vmem>> -> memref<128x128xf32, #tpu.memory_space<vmem>>
      tpu.wait_dma2 semaphore(%run_scoped3A_61 : memref<!tpu.dma_semaphore, #tpu.memory_space<semaphore_mem>>) src(%dma_wait3A_83 : memref<128x128xf32, #tpu.memory_space<vmem>>) dst(%dma_wait3A_79 : memref<128x128xf32, #tpu.memory_space<vmem_shared>>)
      tpu.yield
    }) : () -> ()
    %run_scoped3A_24 = arith.constant 0 : i32
    "tpu.region"() ({
      %run_scoped3A_61 = tpu.sem_alloc : memref<!tpu.dma_semaphore, #tpu.memory_space<semaphore_mem>>
      %dma_start3A = arith.constant 0 : i32
      %dma_start3A_62 = arith.constant 0 : i32
      %dma_start3A_63 = tpu.memref_slice %arg17[%run_scoped3A_24, %dma_start3A, %dma_start3A_62] : memref<2x128x16xf32, #tpu.memory_space<vmem>> -> memref<1x128x16xf32, #tpu.memory_space<vmem>>
      %dma_start3A_64 = tpu.memref_squeeze %dma_start3A_63 : memref<1x128x16xf32, #tpu.memory_space<vmem>> -> memref<128x16xf32, #tpu.memory_space<vmem>>
      %dma_start3A_65 = arith.constant 0 : i32
      %dma_start3A_66 = tpu.memref_slice %arg12[%add3A_22, %dma_start3A_65] : memref<10240x16xf32, #tpu.memory_space<vmem_shared>> -> memref<128x16xf32, #tpu.memory_space<vmem_shared>>
      %dma_start3A_67 = arith.constant 0 : i32
      %dma_start3A_68 = tpu.memref_slice %arg12[%add3A_22, %dma_start3A_67] : memref<10240x16xf32, #tpu.memory_space<vmem_shared>> -> memref<128x16xf32, #tpu.memory_space<vmem_shared>>
      %dma_start3A_69 = arith.constant 0 : i32
      %dma_start3A_70 = arith.constant 0 : i32
      %dma_start3A_71 = tpu.memref_slice %arg17[%run_scoped3A_24, %dma_start3A_69, %dma_start3A_70] : memref<2x128x16xf32, #tpu.memory_space<vmem>> -> memref<1x128x16xf32, #tpu.memory_space<vmem>>
      %dma_start3A_72 = tpu.memref_squeeze %dma_start3A_71 : memref<1x128x16xf32, #tpu.memory_space<vmem>> -> memref<128x16xf32, #tpu.memory_space<vmem>>
      tpu.enqueue_dma source(%dma_start3A_72 : memref<128x16xf32, #tpu.memory_space<vmem>>) target(%dma_start3A_68 : memref<128x16xf32, #tpu.memory_space<vmem_shared>>) target_semaphore(%run_scoped3A_61 : memref<!tpu.dma_semaphore, #tpu.memory_space<semaphore_mem>>)
      %dma_wait3A = arith.constant 0 : i32
      %dma_wait3A_73 = arith.constant 0 : i32
      %dma_wait3A_74 = tpu.memref_slice %arg17[%run_scoped3A_24, %dma_wait3A, %dma_wait3A_73] : memref<2x128x16xf32, #tpu.memory_space<vmem>> -> memref<1x128x16xf32, #tpu.memory_space<vmem>>
      %dma_wait3A_75 = tpu.memref_squeeze %dma_wait3A_74 : memref<1x128x16xf32, #tpu.memory_space<vmem>> -> memref<128x16xf32, #tpu.memory_space<vmem>>
      %dma_wait3A_76 = arith.constant 0 : i32
      %dma_wait3A_77 = tpu.memref_slice %arg12[%add3A_22, %dma_wait3A_76] : memref<10240x16xf32, #tpu.memory_space<vmem_shared>> -> memref<128x16xf32, #tpu.memory_space<vmem_shared>>
      %dma_wait3A_78 = arith.constant 0 : i32
      %dma_wait3A_79 = tpu.memref_slice %arg12[%add3A_22, %dma_wait3A_78] : memref<10240x16xf32, #tpu.memory_space<vmem_shared>> -> memref<128x16xf32, #tpu.memory_space<vmem_shared>>
      %dma_wait3A_80 = arith.constant 0 : i32
      %dma_wait3A_81 = arith.constant 0 : i32
      %dma_wait3A_82 = tpu.memref_slice %arg17[%run_scoped3A_24, %dma_wait3A_80, %dma_wait3A_81] : memref<2x128x16xf32, #tpu.memory_space<vmem>> -> memref<1x128x16xf32, #tpu.memory_space<vmem>>
      %dma_wait3A_83 = tpu.memref_squeeze %dma_wait3A_82 : memref<1x128x16xf32, #tpu.memory_space<vmem>> -> memref<128x16xf32, #tpu.memory_space<vmem>>
      tpu.wait_dma2 semaphore(%run_scoped3A_61 : memref<!tpu.dma_semaphore, #tpu.memory_space<semaphore_mem>>) src(%dma_wait3A_83 : memref<128x16xf32, #tpu.memory_space<vmem>>) dst(%dma_wait3A_79 : memref<128x16xf32, #tpu.memory_space<vmem_shared>>)
      tpu.yield
    }) : () -> ()
    %barrier3A = arith.constant 0 : index
    tpu.barrier barrier_id(%barrier3A)
    %scan3A = arith.constant 0 : i32
    %scan3A_25 = arith.constant 0 : i32
    %scan3A_26 = arith.constant 40 : i32
    %scan3A_27 = arith.addi %scan3A_25, %scan3A_26 : i32
    %scan3A_28 = arith.constant 1 : i32
    scf.for %scan3A_61 = %scan3A_25 to %scan3A_27 step %scan3A_28  : i32 {
      %mul3A_62 = arith.constant 2 : i32
      %mul3A_63 = arith.muli %mul3A_62, %scan3A_61 : i32
      %add3A_64 = arith.constant 0 : i32
      %add3A_65 = arith.addi %mul3A_63, %add3A_64 : i32
      %mul3A_66 = arith.constant 32 : i32
      %mul3A_67 = arith.muli %add3A_65, %mul3A_66 : i32
      %add3A_68 = arith.addi %add3A, %mul3A_67 : i32
      %mul3A_69 = arith.constant 128 : i32
      %mul3A_70 = arith.muli %add3A_68, %mul3A_69 : i32
      %dma_start3A = arith.constant 0 : i32
      %dma_start3A_71 = arith.constant 0 : i32
      %dma_start3A_72 = tpu.memref_slice %arg13[%dma_start3A, %dma_start3A_71] : memref<2x128xi32, #tpu.memory_space<vmem>> -> memref<1x128xi32, #tpu.memory_space<vmem>>
      %dma_start3A_73 = tpu.memref_squeeze %dma_start3A_72 : memref<1x128xi32, #tpu.memory_space<vmem>> -> memref<128xi32, #tpu.memory_space<vmem>>
      %dma_start3A_74 = tpu.memref_slice %arg3[%mul3A_70] : memref<327680xi32, #tpu.memory_space<hbm>> -> memref<128xi32, #tpu.memory_space<hbm>>
      %dma_start3A_75 = arith.constant 0 : i32
      %dma_start3A_76 = tpu.memref_slice %arg13[%dma_start3A, %dma_start3A_75] : memref<2x128xi32, #tpu.memory_space<vmem>> -> memref<1x128xi32, #tpu.memory_space<vmem>>
      %dma_start3A_77 = tpu.memref_squeeze %dma_start3A_76 : memref<1x128xi32, #tpu.memory_space<vmem>> -> memref<128xi32, #tpu.memory_space<vmem>>
      %dma_start3A_78 = tpu.memref_slice %arg3[%mul3A_70] : memref<327680xi32, #tpu.memory_space<hbm>> -> memref<128xi32, #tpu.memory_space<hbm>>
      tpu.enqueue_dma source(%dma_start3A_78 : memref<128xi32, #tpu.memory_space<hbm>>) target(%dma_start3A_77 : memref<128xi32, #tpu.memory_space<vmem>>) target_semaphore(%arg18 : memref<!tpu.dma_semaphore, #tpu.memory_space<semaphore_mem>>)
      %dma_start3A_79 = arith.constant 0 : i32
      %dma_start3A_80 = arith.constant 0 : i32
      %dma_start3A_81 = tpu.memref_slice %arg14[%dma_start3A_79, %dma_start3A_80] : memref<2x128xi32, #tpu.memory_space<vmem>> -> memref<1x128xi32, #tpu.memory_space<vmem>>
      %dma_start3A_82 = tpu.memref_squeeze %dma_start3A_81 : memref<1x128xi32, #tpu.memory_space<vmem>> -> memref<128xi32, #tpu.memory_space<vmem>>
      %dma_start3A_83 = tpu.memref_slice %arg4[%mul3A_70] : memref<327680xi32, #tpu.memory_space<hbm>> -> memref<128xi32, #tpu.memory_space<hbm>>
      %dma_start3A_84 = arith.constant 0 : i32
      %dma_start3A_85 = tpu.memref_slice %arg14[%dma_start3A_79, %dma_start3A_84] : memref<2x128xi32, #tpu.memory_space<vmem>> -> memref<1x128xi32, #tpu.memory_space<vmem>>
      %dma_start3A_86 = tpu.memref_squeeze %dma_start3A_85 : memref<1x128xi32, #tpu.memory_space<vmem>> -> memref<128xi32, #tpu.memory_space<vmem>>
      %dma_start3A_87 = tpu.memref_slice %arg4[%mul3A_70] : memref<327680xi32, #tpu.memory_space<hbm>> -> memref<128xi32, #tpu.memory_space<hbm>>
      tpu.enqueue_dma source(%dma_start3A_87 : memref<128xi32, #tpu.memory_space<hbm>>) target(%dma_start3A_86 : memref<128xi32, #tpu.memory_space<vmem>>) target_semaphore(%arg18 : memref<!tpu.dma_semaphore, #tpu.memory_space<semaphore_mem>>)
      %dma_start3A_88 = arith.constant 0 : i32
      %dma_start3A_89 = arith.constant 0 : i32
      %dma_start3A_90 = tpu.memref_slice %arg15[%dma_start3A_88, %dma_start3A_89] : memref<2x128xi32, #tpu.memory_space<vmem>> -> memref<1x128xi32, #tpu.memory_space<vmem>>
      %dma_start3A_91 = tpu.memref_squeeze %dma_start3A_90 : memref<1x128xi32, #tpu.memory_space<vmem>> -> memref<128xi32, #tpu.memory_space<vmem>>
      %dma_start3A_92 = tpu.memref_slice %arg5[%mul3A_70] : memref<327680xi32, #tpu.memory_space<hbm>> -> memref<128xi32, #tpu.memory_space<hbm>>
      %dma_start3A_93 = arith.constant 0 : i32
      %dma_start3A_94 = tpu.memref_slice %arg15[%dma_start3A_88, %dma_start3A_93] : memref<2x128xi32, #tpu.memory_space<vmem>> -> memref<1x128xi32, #tpu.memory_space<vmem>>
      %dma_start3A_95 = tpu.memref_squeeze %dma_start3A_94 : memref<1x128xi32, #tpu.memory_space<vmem>> -> memref<128xi32, #tpu.memory_space<vmem>>
      %dma_start3A_96 = tpu.memref_slice %arg5[%mul3A_70] : memref<327680xi32, #tpu.memory_space<hbm>> -> memref<128xi32, #tpu.memory_space<hbm>>
      tpu.enqueue_dma source(%dma_start3A_96 : memref<128xi32, #tpu.memory_space<hbm>>) target(%dma_start3A_95 : memref<128xi32, #tpu.memory_space<vmem>>) target_semaphore(%arg18 : memref<!tpu.dma_semaphore, #tpu.memory_space<semaphore_mem>>)
      %mul3A_97 = arith.constant 2 : i32
      %mul3A_98 = arith.muli %mul3A_97, %scan3A_61 : i32
      %add3A_99 = arith.constant 1 : i32
      %add3A_100 = arith.addi %mul3A_98, %add3A_99 : i32
      %mul3A_101 = arith.constant 32 : i32
      %mul3A_102 = arith.muli %add3A_100, %mul3A_101 : i32
      %add3A_103 = arith.addi %add3A, %mul3A_102 : i32
      %mul3A_104 = arith.constant 128 : i32
      %mul3A_105 = arith.muli %add3A_103, %mul3A_104 : i32
      %dma_start3A_106 = arith.constant 1 : i32
      %dma_start3A_107 = arith.constant 0 : i32
      %dma_start3A_108 = tpu.memref_slice %arg13[%dma_start3A_106, %dma_start3A_107] : memref<2x128xi32, #tpu.memory_space<vmem>> -> memref<1x128xi32, #tpu.memory_space<vmem>>
      %dma_start3A_109 = tpu.memref_squeeze %dma_start3A_108 : memref<1x128xi32, #tpu.memory_space<vmem>> -> memref<128xi32, #tpu.memory_space<vmem>>
      %dma_start3A_110 = tpu.memref_slice %arg3[%mul3A_105] : memref<327680xi32, #tpu.memory_space<hbm>> -> memref<128xi32, #tpu.memory_space<hbm>>
      %dma_start3A_111 = arith.constant 0 : i32
      %dma_start3A_112 = tpu.memref_slice %arg13[%dma_start3A_106, %dma_start3A_111] : memref<2x128xi32, #tpu.memory_space<vmem>> -> memref<1x128xi32, #tpu.memory_space<vmem>>
      %dma_start3A_113 = tpu.memref_squeeze %dma_start3A_112 : memref<1x128xi32, #tpu.memory_space<vmem>> -> memref<128xi32, #tpu.memory_space<vmem>>
      %dma_start3A_114 = tpu.memref_slice %arg3[%mul3A_105] : memref<327680xi32, #tpu.memory_space<hbm>> -> memref<128xi32, #tpu.memory_space<hbm>>
      tpu.enqueue_dma source(%dma_start3A_114 : memref<128xi32, #tpu.memory_space<hbm>>) target(%dma_start3A_113 : memref<128xi32, #tpu.memory_space<vmem>>) target_semaphore(%arg19 : memref<!tpu.dma_semaphore, #tpu.memory_space<semaphore_mem>>)
      %dma_start3A_115 = arith.constant 1 : i32
      %dma_start3A_116 = arith.constant 0 : i32
      %dma_start3A_117 = tpu.memref_slice %arg14[%dma_start3A_115, %dma_start3A_116] : memref<2x128xi32, #tpu.memory_space<vmem>> -> memref<1x128xi32, #tpu.memory_space<vmem>>
      %dma_start3A_118 = tpu.memref_squeeze %dma_start3A_117 : memref<1x128xi32, #tpu.memory_space<vmem>> -> memref<128xi32, #tpu.memory_space<vmem>>
      %dma_start3A_119 = tpu.memref_slice %arg4[%mul3A_105] : memref<327680xi32, #tpu.memory_space<hbm>> -> memref<128xi32, #tpu.memory_space<hbm>>
      %dma_start3A_120 = arith.constant 0 : i32
      %dma_start3A_121 = tpu.memref_slice %arg14[%dma_start3A_115, %dma_start3A_120] : memref<2x128xi32, #tpu.memory_space<vmem>> -> memref<1x128xi32, #tpu.memory_space<vmem>>
      %dma_start3A_122 = tpu.memref_squeeze %dma_start3A_121 : memref<1x128xi32, #tpu.memory_space<vmem>> -> memref<128xi32, #tpu.memory_space<vmem>>
      %dma_start3A_123 = tpu.memref_slice %arg4[%mul3A_105] : memref<327680xi32, #tpu.memory_space<hbm>> -> memref<128xi32, #tpu.memory_space<hbm>>
      tpu.enqueue_dma source(%dma_start3A_123 : memref<128xi32, #tpu.memory_space<hbm>>) target(%dma_start3A_122 : memref<128xi32, #tpu.memory_space<vmem>>) target_semaphore(%arg19 : memref<!tpu.dma_semaphore, #tpu.memory_space<semaphore_mem>>)
      %dma_start3A_124 = arith.constant 1 : i32
      %dma_start3A_125 = arith.constant 0 : i32
      %dma_start3A_126 = tpu.memref_slice %arg15[%dma_start3A_124, %dma_start3A_125] : memref<2x128xi32, #tpu.memory_space<vmem>> -> memref<1x128xi32, #tpu.memory_space<vmem>>
      %dma_start3A_127 = tpu.memref_squeeze %dma_start3A_126 : memref<1x128xi32, #tpu.memory_space<vmem>> -> memref<128xi32, #tpu.memory_space<vmem>>
      %dma_start3A_128 = tpu.memref_slice %arg5[%mul3A_105] : memref<327680xi32, #tpu.memory_space<hbm>> -> memref<128xi32, #tpu.memory_space<hbm>>
      %dma_start3A_129 = arith.constant 0 : i32
      %dma_start3A_130 = tpu.memref_slice %arg15[%dma_start3A_124, %dma_start3A_129] : memref<2x128xi32, #tpu.memory_space<vmem>> -> memref<1x128xi32, #tpu.memory_space<vmem>>
      %dma_start3A_131 = tpu.memref_squeeze %dma_start3A_130 : memref<1x128xi32, #tpu.memory_space<vmem>> -> memref<128xi32, #tpu.memory_space<vmem>>
      %dma_start3A_132 = tpu.memref_slice %arg5[%mul3A_105] : memref<327680xi32, #tpu.memory_space<hbm>> -> memref<128xi32, #tpu.memory_space<hbm>>
      tpu.enqueue_dma source(%dma_start3A_132 : memref<128xi32, #tpu.memory_space<hbm>>) target(%dma_start3A_131 : memref<128xi32, #tpu.memory_space<vmem>>) target_semaphore(%arg19 : memref<!tpu.dma_semaphore, #tpu.memory_space<semaphore_mem>>)
      %dma_wait3A = arith.constant 0 : i32
      %dma_wait3A_133 = arith.constant 0 : i32
      %dma_wait3A_134 = tpu.memref_slice %arg13[%dma_wait3A, %dma_wait3A_133] : memref<2x128xi32, #tpu.memory_space<vmem>> -> memref<1x128xi32, #tpu.memory_space<vmem>>
      %dma_wait3A_135 = tpu.memref_squeeze %dma_wait3A_134 : memref<1x128xi32, #tpu.memory_space<vmem>> -> memref<128xi32, #tpu.memory_space<vmem>>
      %dma_wait3A_136 = tpu.memref_slice %arg3[%mul3A_70] : memref<327680xi32, #tpu.memory_space<hbm>> -> memref<128xi32, #tpu.memory_space<hbm>>
      %dma_wait3A_137 = arith.constant 0 : i32
      %dma_wait3A_138 = tpu.memref_slice %arg13[%dma_wait3A, %dma_wait3A_137] : memref<2x128xi32, #tpu.memory_space<vmem>> -> memref<1x128xi32, #tpu.memory_space<vmem>>
      %dma_wait3A_139 = tpu.memref_squeeze %dma_wait3A_138 : memref<1x128xi32, #tpu.memory_space<vmem>> -> memref<128xi32, #tpu.memory_space<vmem>>
      %dma_wait3A_140 = tpu.memref_slice %arg3[%mul3A_70] : memref<327680xi32, #tpu.memory_space<hbm>> -> memref<128xi32, #tpu.memory_space<hbm>>
      tpu.wait_dma2 semaphore(%arg18 : memref<!tpu.dma_semaphore, #tpu.memory_space<semaphore_mem>>) src(%dma_wait3A_140 : memref<128xi32, #tpu.memory_space<hbm>>) dst(%dma_wait3A_139 : memref<128xi32, #tpu.memory_space<vmem>>)
      %dma_wait3A_141 = arith.constant 0 : i32
      %dma_wait3A_142 = arith.constant 0 : i32
      %dma_wait3A_143 = tpu.memref_slice %arg14[%dma_wait3A_141, %dma_wait3A_142] : memref<2x128xi32, #tpu.memory_space<vmem>> -> memref<1x128xi32, #tpu.memory_space<vmem>>
      %dma_wait3A_144 = tpu.memref_squeeze %dma_wait3A_143 : memref<1x128xi32, #tpu.memory_space<vmem>> -> memref<128xi32, #tpu.memory_space<vmem>>
      %dma_wait3A_145 = tpu.memref_slice %arg4[%mul3A_70] : memref<327680xi32, #tpu.memory_space<hbm>> -> memref<128xi32, #tpu.memory_space<hbm>>
      %dma_wait3A_146 = arith.constant 0 : i32
      %dma_wait3A_147 = tpu.memref_slice %arg14[%dma_wait3A_141, %dma_wait3A_146] : memref<2x128xi32, #tpu.memory_space<vmem>> -> memref<1x128xi32, #tpu.memory_space<vmem>>
      %dma_wait3A_148 = tpu.memref_squeeze %dma_wait3A_147 : memref<1x128xi32, #tpu.memory_space<vmem>> -> memref<128xi32, #tpu.memory_space<vmem>>
      %dma_wait3A_149 = tpu.memref_slice %arg4[%mul3A_70] : memref<327680xi32, #tpu.memory_space<hbm>> -> memref<128xi32, #tpu.memory_space<hbm>>
      tpu.wait_dma2 semaphore(%arg18 : memref<!tpu.dma_semaphore, #tpu.memory_space<semaphore_mem>>) src(%dma_wait3A_149 : memref<128xi32, #tpu.memory_space<hbm>>) dst(%dma_wait3A_148 : memref<128xi32, #tpu.memory_space<vmem>>)
      %dma_wait3A_150 = arith.constant 0 : i32
      %dma_wait3A_151 = arith.constant 0 : i32
      %dma_wait3A_152 = tpu.memref_slice %arg15[%dma_wait3A_150, %dma_wait3A_151] : memref<2x128xi32, #tpu.memory_space<vmem>> -> memref<1x128xi32, #tpu.memory_space<vmem>>
      %dma_wait3A_153 = tpu.memref_squeeze %dma_wait3A_152 : memref<1x128xi32, #tpu.memory_space<vmem>> -> memref<128xi32, #tpu.memory_space<vmem>>
      %dma_wait3A_154 = tpu.memref_slice %arg5[%mul3A_70] : memref<327680xi32, #tpu.memory_space<hbm>> -> memref<128xi32, #tpu.memory_space<hbm>>
      %dma_wait3A_155 = arith.constant 0 : i32
      %dma_wait3A_156 = tpu.memref_slice %arg15[%dma_wait3A_150, %dma_wait3A_155] : memref<2x128xi32, #tpu.memory_space<vmem>> -> memref<1x128xi32, #tpu.memory_space<vmem>>
      %dma_wait3A_157 = tpu.memref_squeeze %dma_wait3A_156 : memref<1x128xi32, #tpu.memory_space<vmem>> -> memref<128xi32, #tpu.memory_space<vmem>>
      %dma_wait3A_158 = tpu.memref_slice %arg5[%mul3A_70] : memref<327680xi32, #tpu.memory_space<hbm>> -> memref<128xi32, #tpu.memory_space<hbm>>
      tpu.wait_dma2 semaphore(%arg18 : memref<!tpu.dma_semaphore, #tpu.memory_space<semaphore_mem>>) src(%dma_wait3A_158 : memref<128xi32, #tpu.memory_space<hbm>>) dst(%dma_wait3A_157 : memref<128xi32, #tpu.memory_space<vmem>>)
      %dma_start3A_159 = arith.constant 0 : i32
      %dma_start3A_160 = arith.constant 0 : i32
      %dma_start3A_161 = arith.constant 0 : i32
      %dma_start3A_162 = arith.constant 0 : i32
      %dma_start3A_163 = tpu.memref_slice %arg16[%dma_start3A_160, %dma_start3A_161, %dma_start3A_162] : memref<2x128x128xf32, #tpu.memory_space<vmem>> -> memref<1x128x128xf32, #tpu.memory_space<vmem>>
      %dma_start3A_164 = tpu.memref_squeeze %dma_start3A_163 : memref<1x128x128xf32, #tpu.memory_space<vmem>> -> memref<128x128xf32, #tpu.memory_space<vmem>>
      %dma_start3A_165 = arith.constant 0 : i32
      %dma_start3A_166 = tpu.memref_slice %arg13[%dma_start3A_159, %dma_start3A_165] : memref<2x128xi32, #tpu.memory_space<vmem>> -> memref<1x128xi32, #tpu.memory_space<vmem>>
      %dma_start3A_167 = tpu.memref_squeeze %dma_start3A_166 : memref<1x128xi32, #tpu.memory_space<vmem>> -> memref<128xi32, #tpu.memory_space<vmem>>
      %dma_start3A_168 = arith.constant 0 : i32
      %dma_start3A_169 = arith.constant 0 : i32
      %dma_start3A_170 = tpu.memref_slice %arg2[%dma_start3A_168, %dma_start3A_169] : memref<10000x128xf32, #tpu.memory_space<hbm>> -> memref<10000x128xf32, #tpu.memory_space<hbm>>
      tpu.enqueue_indirect_dma source(%dma_start3A_170 : memref<10000x128xf32, #tpu.memory_space<hbm>>) target(%dma_start3A_164 : memref<128x128xf32, #tpu.memory_space<vmem>>) offsets(%dma_start3A_167 : memref<128xi32, #tpu.memory_space<vmem>>) semaphore(%arg20 : memref<!tpu.dma_semaphore, #tpu.memory_space<semaphore_mem>>)
      %dma_wait3A_171 = arith.constant 1 : i32
      %dma_wait3A_172 = arith.constant 0 : i32
      %dma_wait3A_173 = tpu.memref_slice %arg13[%dma_wait3A_171, %dma_wait3A_172] : memref<2x128xi32, #tpu.memory_space<vmem>> -> memref<1x128xi32, #tpu.memory_space<vmem>>
      %dma_wait3A_174 = tpu.memref_squeeze %dma_wait3A_173 : memref<1x128xi32, #tpu.memory_space<vmem>> -> memref<128xi32, #tpu.memory_space<vmem>>
      %dma_wait3A_175 = tpu.memref_slice %arg3[%mul3A_105] : memref<327680xi32, #tpu.memory_space<hbm>> -> memref<128xi32, #tpu.memory_space<hbm>>
      %dma_wait3A_176 = arith.constant 0 : i32
      %dma_wait3A_177 = tpu.memref_slice %arg13[%dma_wait3A_171, %dma_wait3A_176] : memref<2x128xi32, #tpu.memory_space<vmem>> -> memref<1x128xi32, #tpu.memory_space<vmem>>
      %dma_wait3A_178 = tpu.memref_squeeze %dma_wait3A_177 : memref<1x128xi32, #tpu.memory_space<vmem>> -> memref<128xi32, #tpu.memory_space<vmem>>
      %dma_wait3A_179 = tpu.memref_slice %arg3[%mul3A_105] : memref<327680xi32, #tpu.memory_space<hbm>> -> memref<128xi32, #tpu.memory_space<hbm>>
      tpu.wait_dma2 semaphore(%arg19 : memref<!tpu.dma_semaphore, #tpu.memory_space<semaphore_mem>>) src(%dma_wait3A_179 : memref<128xi32, #tpu.memory_space<hbm>>) dst(%dma_wait3A_178 : memref<128xi32, #tpu.memory_space<vmem>>)
      %dma_wait3A_180 = arith.constant 1 : i32
      %dma_wait3A_181 = arith.constant 0 : i32
      %dma_wait3A_182 = tpu.memref_slice %arg14[%dma_wait3A_180, %dma_wait3A_181] : memref<2x128xi32, #tpu.memory_space<vmem>> -> memref<1x128xi32, #tpu.memory_space<vmem>>
      %dma_wait3A_183 = tpu.memref_squeeze %dma_wait3A_182 : memref<1x128xi32, #tpu.memory_space<vmem>> -> memref<128xi32, #tpu.memory_space<vmem>>
      %dma_wait3A_184 = tpu.memref_slice %arg4[%mul3A_105] : memref<327680xi32, #tpu.memory_space<hbm>> -> memref<128xi32, #tpu.memory_space<hbm>>
      %dma_wait3A_185 = arith.constant 0 : i32
      %dma_wait3A_186 = tpu.memref_slice %arg14[%dma_wait3A_180, %dma_wait3A_185] : memref<2x128xi32, #tpu.memory_space<vmem>> -> memref<1x128xi32, #tpu.memory_space<vmem>>
      %dma_wait3A_187 = tpu.memref_squeeze %dma_wait3A_186 : memref<1x128xi32, #tpu.memory_space<vmem>> -> memref<128xi32, #tpu.memory_space<vmem>>
      %dma_wait3A_188 = tpu.memref_slice %arg4[%mul3A_105] : memref<327680xi32, #tpu.memory_space<hbm>> -> memref<128xi32, #tpu.memory_space<hbm>>
      tpu.wait_dma2 semaphore(%arg19 : memref<!tpu.dma_semaphore, #tpu.memory_space<semaphore_mem>>) src(%dma_wait3A_188 : memref<128xi32, #tpu.memory_space<hbm>>) dst(%dma_wait3A_187 : memref<128xi32, #tpu.memory_space<vmem>>)
      %dma_wait3A_189 = arith.constant 1 : i32
      %dma_wait3A_190 = arith.constant 0 : i32
      %dma_wait3A_191 = tpu.memref_slice %arg15[%dma_wait3A_189, %dma_wait3A_190] : memref<2x128xi32, #tpu.memory_space<vmem>> -> memref<1x128xi32, #tpu.memory_space<vmem>>
      %dma_wait3A_192 = tpu.memref_squeeze %dma_wait3A_191 : memref<1x128xi32, #tpu.memory_space<vmem>> -> memref<128xi32, #tpu.memory_space<vmem>>
      %dma_wait3A_193 = tpu.memref_slice %arg5[%mul3A_105] : memref<327680xi32, #tpu.memory_space<hbm>> -> memref<128xi32, #tpu.memory_space<hbm>>
      %dma_wait3A_194 = arith.constant 0 : i32
      %dma_wait3A_195 = tpu.memref_slice %arg15[%dma_wait3A_189, %dma_wait3A_194] : memref<2x128xi32, #tpu.memory_space<vmem>> -> memref<1x128xi32, #tpu.memory_space<vmem>>
      %dma_wait3A_196 = tpu.memref_squeeze %dma_wait3A_195 : memref<1x128xi32, #tpu.memory_space<vmem>> -> memref<128xi32, #tpu.memory_space<vmem>>
      %dma_wait3A_197 = tpu.memref_slice %arg5[%mul3A_105] : memref<327680xi32, #tpu.memory_space<hbm>> -> memref<128xi32, #tpu.memory_space<hbm>>
      tpu.wait_dma2 semaphore(%arg19 : memref<!tpu.dma_semaphore, #tpu.memory_space<semaphore_mem>>) src(%dma_wait3A_197 : memref<128xi32, #tpu.memory_space<hbm>>) dst(%dma_wait3A_196 : memref<128xi32, #tpu.memory_space<vmem>>)
      %dma_start3A_198 = arith.constant 1 : i32
      %dma_start3A_199 = arith.constant 1 : i32
      %dma_start3A_200 = arith.constant 0 : i32
      %dma_start3A_201 = arith.constant 0 : i32
      %dma_start3A_202 = tpu.memref_slice %arg16[%dma_start3A_199, %dma_start3A_200, %dma_start3A_201] : memref<2x128x128xf32, #tpu.memory_space<vmem>> -> memref<1x128x128xf32, #tpu.memory_space<vmem>>
      %dma_start3A_203 = tpu.memref_squeeze %dma_start3A_202 : memref<1x128x128xf32, #tpu.memory_space<vmem>> -> memref<128x128xf32, #tpu.memory_space<vmem>>
      %dma_start3A_204 = arith.constant 0 : i32
      %dma_start3A_205 = tpu.memref_slice %arg13[%dma_start3A_198, %dma_start3A_204] : memref<2x128xi32, #tpu.memory_space<vmem>> -> memref<1x128xi32, #tpu.memory_space<vmem>>
      %dma_start3A_206 = tpu.memref_squeeze %dma_start3A_205 : memref<1x128xi32, #tpu.memory_space<vmem>> -> memref<128xi32, #tpu.memory_space<vmem>>
      %dma_start3A_207 = arith.constant 0 : i32
      %dma_start3A_208 = arith.constant 0 : i32
      %dma_start3A_209 = tpu.memref_slice %arg2[%dma_start3A_207, %dma_start3A_208] : memref<10000x128xf32, #tpu.memory_space<hbm>> -> memref<10000x128xf32, #tpu.memory_space<hbm>>
      tpu.enqueue_indirect_dma source(%dma_start3A_209 : memref<10000x128xf32, #tpu.memory_space<hbm>>) target(%dma_start3A_203 : memref<128x128xf32, #tpu.memory_space<vmem>>) offsets(%dma_start3A_206 : memref<128xi32, #tpu.memory_space<vmem>>) semaphore(%arg21 : memref<!tpu.dma_semaphore, #tpu.memory_space<semaphore_mem>>)
      %broadcast_in_dim3A = arith.constant 1.000000e+00 : f32
      %broadcast_in_dim3A_210 = vector.broadcast %broadcast_in_dim3A : f32 to vector<16xf32>
      %broadcast_in_dim3A_211 = arith.constant 0.000000e+00 : f32
      %broadcast_in_dim3A_212 = vector.broadcast %broadcast_in_dim3A_211 : f32 to vector<16xf32>
      %iota3A = tpu.iota {dimensions = array<i32: 0>} : vector<16xi32>
      %add3A_213 = arith.constant 0 : i32
      %add3A_214 = vector.broadcast %add3A_213 : i32 to vector<16xi32>
      %add3A_215 = arith.addi %iota3A, %add3A_214 : vector<16xi32>
      %get3A = arith.constant 0 : i32
      %get3A_216 = arith.index_cast %get3A : i32 to index
      %get3A_217 = arith.constant 0 : index
      %get3A_218 = tpu.vector_load %arg15[%get3A_216, %get3A_217] {strides = array<i32>} : memref<2x128xi32, #tpu.memory_space<vmem>>, vector<16xi32>,
      %scatter3A = arith.constant 0 : i32
      %scatter3A_219 = arith.constant 0 : i32
      %scatter3A_220 = arith.constant 0 : i32
      %scatter3A_221 = tpu.memref_slice %arg17[%scatter3A, %scatter3A_219, %scatter3A_220] : memref<2x128x16xf32, #tpu.memory_space<vmem>> -> memref<1x128x16xf32, #tpu.memory_space<vmem>>
      %scatter3A_222 = tpu.memref_squeeze %scatter3A_221 : memref<1x128x16xf32, #tpu.memory_space<vmem>> -> memref<128x16xf32, #tpu.memory_space<vmem>>
      tpu.vector_store_idx %scatter3A_222[%add3A_215, %get3A_218], %broadcast_in_dim3A_210 : memref<128x16xf32, #tpu.memory_space<vmem>>[vector<16xi32>, vector<16xi32>], vector<16xf32>,
      %iota3A_223 = tpu.iota {dimensions = array<i32: 0>} : vector<16xi32>
      %add3A_224 = arith.constant 16 : i32
      %add3A_225 = vector.broadcast %add3A_224 : i32 to vector<16xi32>
      %add3A_226 = arith.addi %iota3A_223, %add3A_225 : vector<16xi32>
      %get3A_227 = arith.constant 0 : i32
      %get3A_228 = arith.index_cast %get3A_227 : i32 to index
      %get3A_229 = arith.constant 16 : index
      %get3A_230 = tpu.vector_load %arg15[%get3A_228, %get3A_229] {strides = array<i32>} : memref<2x128xi32, #tpu.memory_space<vmem>>, vector<16xi32>,
      %scatter3A_231 = arith.constant 0 : i32
      %scatter3A_232 = arith.constant 0 : i32
      %scatter3A_233 = arith.constant 0 : i32
      %scatter3A_234 = tpu.memref_slice %arg17[%scatter3A_231, %scatter3A_232, %scatter3A_233] : memref<2x128x16xf32, #tpu.memory_space<vmem>> -> memref<1x128x16xf32, #tpu.memory_space<vmem>>
      %scatter3A_235 = tpu.memref_squeeze %scatter3A_234 : memref<1x128x16xf32, #tpu.memory_space<vmem>> -> memref<128x16xf32, #tpu.memory_space<vmem>>
      tpu.vector_store_idx %scatter3A_235[%add3A_226, %get3A_230], %broadcast_in_dim3A_210 : memref<128x16xf32, #tpu.memory_space<vmem>>[vector<16xi32>, vector<16xi32>], vector<16xf32>,
      %iota3A_236 = tpu.iota {dimensions = array<i32: 0>} : vector<16xi32>
      %add3A_237 = arith.constant 32 : i32
      %add3A_238 = vector.broadcast %add3A_237 : i32 to vector<16xi32>
      %add3A_239 = arith.addi %iota3A_236, %add3A_238 : vector<16xi32>
      %get3A_240 = arith.constant 0 : i32
      %get3A_241 = arith.index_cast %get3A_240 : i32 to index
      %get3A_242 = arith.constant 32 : index
      %get3A_243 = tpu.vector_load %arg15[%get3A_241, %get3A_242] {strides = array<i32>} : memref<2x128xi32, #tpu.memory_space<vmem>>, vector<16xi32>,
      %scatter3A_244 = arith.constant 0 : i32
      %scatter3A_245 = arith.constant 0 : i32
      %scatter3A_246 = arith.constant 0 : i32
      %scatter3A_247 = tpu.memref_slice %arg17[%scatter3A_244, %scatter3A_245, %scatter3A_246] : memref<2x128x16xf32, #tpu.memory_space<vmem>> -> memref<1x128x16xf32, #tpu.memory_space<vmem>>
      %scatter3A_248 = tpu.memref_squeeze %scatter3A_247 : memref<1x128x16xf32, #tpu.memory_space<vmem>> -> memref<128x16xf32, #tpu.memory_space<vmem>>
      tpu.vector_store_idx %scatter3A_248[%add3A_239, %get3A_243], %broadcast_in_dim3A_210 : memref<128x16xf32, #tpu.memory_space<vmem>>[vector<16xi32>, vector<16xi32>], vector<16xf32>,
      %iota3A_249 = tpu.iota {dimensions = array<i32: 0>} : vector<16xi32>
      %add3A_250 = arith.constant 48 : i32
      %add3A_251 = vector.broadcast %add3A_250 : i32 to vector<16xi32>
      %add3A_252 = arith.addi %iota3A_249, %add3A_251 : vector<16xi32>
      %get3A_253 = arith.constant 0 : i32
      %get3A_254 = arith.index_cast %get3A_253 : i32 to index
      %get3A_255 = arith.constant 48 : index
      %get3A_256 = tpu.vector_load %arg15[%get3A_254, %get3A_255] {strides = array<i32>} : memref<2x128xi32, #tpu.memory_space<vmem>>, vector<16xi32>,
      %scatter3A_257 = arith.constant 0 : i32
      %scatter3A_258 = arith.constant 0 : i32
      %scatter3A_259 = arith.constant 0 : i32
      %scatter3A_260 = tpu.memref_slice %arg17[%scatter3A_257, %scatter3A_258, %scatter3A_259] : memref<2x128x16xf32, #tpu.memory_space<vmem>> -> memref<1x128x16xf32, #tpu.memory_space<vmem>>
      %scatter3A_261 = tpu.memref_squeeze %scatter3A_260 : memref<1x128x16xf32, #tpu.memory_space<vmem>> -> memref<128x16xf32, #tpu.memory_space<vmem>>
      tpu.vector_store_idx %scatter3A_261[%add3A_252, %get3A_256], %broadcast_in_dim3A_210 : memref<128x16xf32, #tpu.memory_space<vmem>>[vector<16xi32>, vector<16xi32>], vector<16xf32>,
      %iota3A_262 = tpu.iota {dimensions = array<i32: 0>} : vector<16xi32>
      %add3A_263 = arith.constant 64 : i32
      %add3A_264 = vector.broadcast %add3A_263 : i32 to vector<16xi32>
      %add3A_265 = arith.addi %iota3A_262, %add3A_264 : vector<16xi32>
      %get3A_266 = arith.constant 0 : i32
      %get3A_267 = arith.index_cast %get3A_266 : i32 to index
      %get3A_268 = arith.constant 64 : index
      %get3A_269 = tpu.vector_load %arg15[%get3A_267, %get3A_268] {strides = array<i32>} : memref<2x128xi32, #tpu.memory_space<vmem>>, vector<16xi32>,
      %scatter3A_270 = arith.constant 0 : i32
      %scatter3A_271 = arith.constant 0 : i32
      %scatter3A_272 = arith.constant 0 : i32
      %scatter3A_273 = tpu.memref_slice %arg17[%scatter3A_270, %scatter3A_271, %scatter3A_272] : memref<2x128x16xf32, #tpu.memory_space<vmem>> -> memref<1x128x16xf32, #tpu.memory_space<vmem>>
      %scatter3A_274 = tpu.memref_squeeze %scatter3A_273 : memref<1x128x16xf32, #tpu.memory_space<vmem>> -> memref<128x16xf32, #tpu.memory_space<vmem>>
      tpu.vector_store_idx %scatter3A_274[%add3A_265, %get3A_269], %broadcast_in_dim3A_210 : memref<128x16xf32, #tpu.memory_space<vmem>>[vector<16xi32>, vector<16xi32>], vector<16xf32>,
      %iota3A_275 = tpu.iota {dimensions = array<i32: 0>} : vector<16xi32>
      %add3A_276 = arith.constant 80 : i32
      %add3A_277 = vector.broadcast %add3A_276 : i32 to vector<16xi32>
      %add3A_278 = arith.addi %iota3A_275, %add3A_277 : vector<16xi32>
      %get3A_279 = arith.constant 0 : i32
      %get3A_280 = arith.index_cast %get3A_279 : i32 to index
      %get3A_281 = arith.constant 80 : index
      %get3A_282 = tpu.vector_load %arg15[%get3A_280, %get3A_281] {strides = array<i32>} : memref<2x128xi32, #tpu.memory_space<vmem>>, vector<16xi32>,
      %scatter3A_283 = arith.constant 0 : i32
      %scatter3A_284 = arith.constant 0 : i32
      %scatter3A_285 = arith.constant 0 : i32
      %scatter3A_286 = tpu.memref_slice %arg17[%scatter3A_283, %scatter3A_284, %scatter3A_285] : memref<2x128x16xf32, #tpu.memory_space<vmem>> -> memref<1x128x16xf32, #tpu.memory_space<vmem>>
      %scatter3A_287 = tpu.memref_squeeze %scatter3A_286 : memref<1x128x16xf32, #tpu.memory_space<vmem>> -> memref<128x16xf32, #tpu.memory_space<vmem>>
      tpu.vector_store_idx %scatter3A_287[%add3A_278, %get3A_282], %broadcast_in_dim3A_210 : memref<128x16xf32, #tpu.memory_space<vmem>>[vector<16xi32>, vector<16xi32>], vector<16xf32>,
      %iota3A_288 = tpu.iota {dimensions = array<i32: 0>} : vector<16xi32>
      %add3A_289 = arith.constant 96 : i32
      %add3A_290 = vector.broadcast %add3A_289 : i32 to vector<16xi32>
      %add3A_291 = arith.addi %iota3A_288, %add3A_290 : vector<16xi32>
      %get3A_292 = arith.constant 0 : i32
      %get3A_293 = arith.index_cast %get3A_292 : i32 to index
      %get3A_294 = arith.constant 96 : index
      %get3A_295 = tpu.vector_load %arg15[%get3A_293, %get3A_294] {strides = array<i32>} : memref<2x128xi32, #tpu.memory_space<vmem>>, vector<16xi32>,
      %scatter3A_296 = arith.constant 0 : i32
      %scatter3A_297 = arith.constant 0 : i32
      %scatter3A_298 = arith.constant 0 : i32
      %scatter3A_299 = tpu.memref_slice %arg17[%scatter3A_296, %scatter3A_297, %scatter3A_298] : memref<2x128x16xf32, #tpu.memory_space<vmem>> -> memref<1x128x16xf32, #tpu.memory_space<vmem>>
      %scatter3A_300 = tpu.memref_squeeze %scatter3A_299 : memref<1x128x16xf32, #tpu.memory_space<vmem>> -> memref<128x16xf32, #tpu.memory_space<vmem>>
      tpu.vector_store_idx %scatter3A_300[%add3A_291, %get3A_295], %broadcast_in_dim3A_210 : memref<128x16xf32, #tpu.memory_space<vmem>>[vector<16xi32>, vector<16xi32>], vector<16xf32>,
      %iota3A_301 = tpu.iota {dimensions = array<i32: 0>} : vector<16xi32>
      %add3A_302 = arith.constant 112 : i32
      %add3A_303 = vector.broadcast %add3A_302 : i32 to vector<16xi32>
      %add3A_304 = arith.addi %iota3A_301, %add3A_303 : vector<16xi32>
      %get3A_305 = arith.constant 0 : i32
      %get3A_306 = arith.index_cast %get3A_305 : i32 to index
      %get3A_307 = arith.constant 112 : index
      %get3A_308 = tpu.vector_load %arg15[%get3A_306, %get3A_307] {strides = array<i32>} : memref<2x128xi32, #tpu.memory_space<vmem>>, vector<16xi32>,
      %scatter3A_309 = arith.constant 0 : i32
      %scatter3A_310 = arith.constant 0 : i32
      %scatter3A_311 = arith.constant 0 : i32
      %scatter3A_312 = tpu.memref_slice %arg17[%scatter3A_309, %scatter3A_310, %scatter3A_311] : memref<2x128x16xf32, #tpu.memory_space<vmem>> -> memref<1x128x16xf32, #tpu.memory_space<vmem>>
      %scatter3A_313 = tpu.memref_squeeze %scatter3A_312 : memref<1x128x16xf32, #tpu.memory_space<vmem>> -> memref<128x16xf32, #tpu.memory_space<vmem>>
      tpu.vector_store_idx %scatter3A_313[%add3A_304, %get3A_308], %broadcast_in_dim3A_210 : memref<128x16xf32, #tpu.memory_space<vmem>>[vector<16xi32>, vector<16xi32>], vector<16xf32>,
      %iota3A_314 = tpu.iota {dimensions = array<i32: 0>} : vector<16xi32>
      %add3A_315 = arith.constant 0 : i32
      %add3A_316 = vector.broadcast %add3A_315 : i32 to vector<16xi32>
      %add3A_317 = arith.addi %iota3A_314, %add3A_316 : vector<16xi32>
      %get3A_318 = arith.constant 1 : i32
      %get3A_319 = arith.index_cast %get3A_318 : i32 to index
      %get3A_320 = arith.constant 0 : index
      %get3A_321 = tpu.vector_load %arg15[%get3A_319, %get3A_320] {strides = array<i32>} : memref<2x128xi32, #tpu.memory_space<vmem>>, vector<16xi32>,
      %scatter3A_322 = arith.constant 1 : i32
      %scatter3A_323 = arith.constant 0 : i32
      %scatter3A_324 = arith.constant 0 : i32
      %scatter3A_325 = tpu.memref_slice %arg17[%scatter3A_322, %scatter3A_323, %scatter3A_324] : memref<2x128x16xf32, #tpu.memory_space<vmem>> -> memref<1x128x16xf32, #tpu.memory_space<vmem>>
      %scatter3A_326 = tpu.memref_squeeze %scatter3A_325 : memref<1x128x16xf32, #tpu.memory_space<vmem>> -> memref<128x16xf32, #tpu.memory_space<vmem>>
      tpu.vector_store_idx %scatter3A_326[%add3A_317, %get3A_321], %broadcast_in_dim3A_210 : memref<128x16xf32, #tpu.memory_space<vmem>>[vector<16xi32>, vector<16xi32>], vector<16xf32>,
      %iota3A_327 = tpu.iota {dimensions = array<i32: 0>} : vector<16xi32>
      %add3A_328 = arith.constant 16 : i32
      %add3A_329 = vector.broadcast %add3A_328 : i32 to vector<16xi32>
      %add3A_330 = arith.addi %iota3A_327, %add3A_329 : vector<16xi32>
      %get3A_331 = arith.constant 1 : i32
      %get3A_332 = arith.index_cast %get3A_331 : i32 to index
      %get3A_333 = arith.constant 16 : index
      %get3A_334 = tpu.vector_load %arg15[%get3A_332, %get3A_333] {strides = array<i32>} : memref<2x128xi32, #tpu.memory_space<vmem>>, vector<16xi32>,
      %scatter3A_335 = arith.constant 1 : i32
      %scatter3A_336 = arith.constant 0 : i32
      %scatter3A_337 = arith.constant 0 : i32
      %scatter3A_338 = tpu.memref_slice %arg17[%scatter3A_335, %scatter3A_336, %scatter3A_337] : memref<2x128x16xf32, #tpu.memory_space<vmem>> -> memref<1x128x16xf32, #tpu.memory_space<vmem>>
      %scatter3A_339 = tpu.memref_squeeze %scatter3A_338 : memref<1x128x16xf32, #tpu.memory_space<vmem>> -> memref<128x16xf32, #tpu.memory_space<vmem>>
      tpu.vector_store_idx %scatter3A_339[%add3A_330, %get3A_334], %broadcast_in_dim3A_210 : memref<128x16xf32, #tpu.memory_space<vmem>>[vector<16xi32>, vector<16xi32>], vector<16xf32>,
      %iota3A_340 = tpu.iota {dimensions = array<i32: 0>} : vector<16xi32>
      %add3A_341 = arith.constant 32 : i32
      %add3A_342 = vector.broadcast %add3A_341 : i32 to vector<16xi32>
      %add3A_343 = arith.addi %iota3A_340, %add3A_342 : vector<16xi32>
      %get3A_344 = arith.constant 1 : i32
      %get3A_345 = arith.index_cast %get3A_344 : i32 to index
      %get3A_346 = arith.constant 32 : index
      %get3A_347 = tpu.vector_load %arg15[%get3A_345, %get3A_346] {strides = array<i32>} : memref<2x128xi32, #tpu.memory_space<vmem>>, vector<16xi32>,
      %scatter3A_348 = arith.constant 1 : i32
      %scatter3A_349 = arith.constant 0 : i32
      %scatter3A_350 = arith.constant 0 : i32
      %scatter3A_351 = tpu.memref_slice %arg17[%scatter3A_348, %scatter3A_349, %scatter3A_350] : memref<2x128x16xf32, #tpu.memory_space<vmem>> -> memref<1x128x16xf32, #tpu.memory_space<vmem>>
      %scatter3A_352 = tpu.memref_squeeze %scatter3A_351 : memref<1x128x16xf32, #tpu.memory_space<vmem>> -> memref<128x16xf32, #tpu.memory_space<vmem>>
      tpu.vector_store_idx %scatter3A_352[%add3A_343, %get3A_347], %broadcast_in_dim3A_210 : memref<128x16xf32, #tpu.memory_space<vmem>>[vector<16xi32>, vector<16xi32>], vector<16xf32>,
      %iota3A_353 = tpu.iota {dimensions = array<i32: 0>} : vector<16xi32>
      %add3A_354 = arith.constant 48 : i32
      %add3A_355 = vector.broadcast %add3A_354 : i32 to vector<16xi32>
      %add3A_356 = arith.addi %iota3A_353, %add3A_355 : vector<16xi32>
      %get3A_357 = arith.constant 1 : i32
      %get3A_358 = arith.index_cast %get3A_357 : i32 to index
      %get3A_359 = arith.constant 48 : index
      %get3A_360 = tpu.vector_load %arg15[%get3A_358, %get3A_359] {strides = array<i32>} : memref<2x128xi32, #tpu.memory_space<vmem>>, vector<16xi32>,
      %scatter3A_361 = arith.constant 1 : i32
      %scatter3A_362 = arith.constant 0 : i32
      %scatter3A_363 = arith.constant 0 : i32
      %scatter3A_364 = tpu.memref_slice %arg17[%scatter3A_361, %scatter3A_362, %scatter3A_363] : memref<2x128x16xf32, #tpu.memory_space<vmem>> -> memref<1x128x16xf32, #tpu.memory_space<vmem>>
      %scatter3A_365 = tpu.memref_squeeze %scatter3A_364 : memref<1x128x16xf32, #tpu.memory_space<vmem>> -> memref<128x16xf32, #tpu.memory_space<vmem>>
      tpu.vector_store_idx %scatter3A_365[%add3A_356, %get3A_360], %broadcast_in_dim3A_210 : memref<128x16xf32, #tpu.memory_space<vmem>>[vector<16xi32>, vector<16xi32>], vector<16xf32>,
      %iota3A_366 = tpu.iota {dimensions = array<i32: 0>} : vector<16xi32>
      %add3A_367 = arith.constant 64 : i32
      %add3A_368 = vector.broadcast %add3A_367 : i32 to vector<16xi32>
      %add3A_369 = arith.addi %iota3A_366, %add3A_368 : vector<16xi32>
      %get3A_370 = arith.constant 1 : i32
      %get3A_371 = arith.index_cast %get3A_370 : i32 to index
      %get3A_372 = arith.constant 64 : index
      %get3A_373 = tpu.vector_load %arg15[%get3A_371, %get3A_372] {strides = array<i32>} : memref<2x128xi32, #tpu.memory_space<vmem>>, vector<16xi32>,
      %scatter3A_374 = arith.constant 1 : i32
      %scatter3A_375 = arith.constant 0 : i32
      %scatter3A_376 = arith.constant 0 : i32
      %scatter3A_377 = tpu.memref_slice %arg17[%scatter3A_374, %scatter3A_375, %scatter3A_376] : memref<2x128x16xf32, #tpu.memory_space<vmem>> -> memref<1x128x16xf32, #tpu.memory_space<vmem>>
      %scatter3A_378 = tpu.memref_squeeze %scatter3A_377 : memref<1x128x16xf32, #tpu.memory_space<vmem>> -> memref<128x16xf32, #tpu.memory_space<vmem>>
      tpu.vector_store_idx %scatter3A_378[%add3A_369, %get3A_373], %broadcast_in_dim3A_210 : memref<128x16xf32, #tpu.memory_space<vmem>>[vector<16xi32>, vector<16xi32>], vector<16xf32>,
      %iota3A_379 = tpu.iota {dimensions = array<i32: 0>} : vector<16xi32>
      %add3A_380 = arith.constant 80 : i32
      %add3A_381 = vector.broadcast %add3A_380 : i32 to vector<16xi32>
      %add3A_382 = arith.addi %iota3A_379, %add3A_381 : vector<16xi32>
      %get3A_383 = arith.constant 1 : i32
      %get3A_384 = arith.index_cast %get3A_383 : i32 to index
      %get3A_385 = arith.constant 80 : index
      %get3A_386 = tpu.vector_load %arg15[%get3A_384, %get3A_385] {strides = array<i32>} : memref<2x128xi32, #tpu.memory_space<vmem>>, vector<16xi32>,
      %scatter3A_387 = arith.constant 1 : i32
      %scatter3A_388 = arith.constant 0 : i32
      %scatter3A_389 = arith.constant 0 : i32
      %scatter3A_390 = tpu.memref_slice %arg17[%scatter3A_387, %scatter3A_388, %scatter3A_389] : memref<2x128x16xf32, #tpu.memory_space<vmem>> -> memref<1x128x16xf32, #tpu.memory_space<vmem>>
      %scatter3A_391 = tpu.memref_squeeze %scatter3A_390 : memref<1x128x16xf32, #tpu.memory_space<vmem>> -> memref<128x16xf32, #tpu.memory_space<vmem>>
      tpu.vector_store_idx %scatter3A_391[%add3A_382, %get3A_386], %broadcast_in_dim3A_210 : memref<128x16xf32, #tpu.memory_space<vmem>>[vector<16xi32>, vector<16xi32>], vector<16xf32>,
      %iota3A_392 = tpu.iota {dimensions = array<i32: 0>} : vector<16xi32>
      %add3A_393 = arith.constant 96 : i32
      %add3A_394 = vector.broadcast %add3A_393 : i32 to vector<16xi32>
      %add3A_395 = arith.addi %iota3A_392, %add3A_394 : vector<16xi32>
      %get3A_396 = arith.constant 1 : i32
      %get3A_397 = arith.index_cast %get3A_396 : i32 to index
      %get3A_398 = arith.constant 96 : index
      %get3A_399 = tpu.vector_load %arg15[%get3A_397, %get3A_398] {strides = array<i32>} : memref<2x128xi32, #tpu.memory_space<vmem>>, vector<16xi32>,
      %scatter3A_400 = arith.constant 1 : i32
      %scatter3A_401 = arith.constant 0 : i32
      %scatter3A_402 = arith.constant 0 : i32
      %scatter3A_403 = tpu.memref_slice %arg17[%scatter3A_400, %scatter3A_401, %scatter3A_402] : memref<2x128x16xf32, #tpu.memory_space<vmem>> -> memref<1x128x16xf32, #tpu.memory_space<vmem>>
      %scatter3A_404 = tpu.memref_squeeze %scatter3A_403 : memref<1x128x16xf32, #tpu.memory_space<vmem>> -> memref<128x16xf32, #tpu.memory_space<vmem>>
      tpu.vector_store_idx %scatter3A_404[%add3A_395, %get3A_399], %broadcast_in_dim3A_210 : memref<128x16xf32, #tpu.memory_space<vmem>>[vector<16xi32>, vector<16xi32>], vector<16xf32>,
      %iota3A_405 = tpu.iota {dimensions = array<i32: 0>} : vector<16xi32>
      %add3A_406 = arith.constant 112 : i32
      %add3A_407 = vector.broadcast %add3A_406 : i32 to vector<16xi32>
      %add3A_408 = arith.addi %iota3A_405, %add3A_407 : vector<16xi32>
      %get3A_409 = arith.constant 1 : i32
      %get3A_410 = arith.index_cast %get3A_409 : i32 to index
      %get3A_411 = arith.constant 112 : index
      %get3A_412 = tpu.vector_load %arg15[%get3A_410, %get3A_411] {strides = array<i32>} : memref<2x128xi32, #tpu.memory_space<vmem>>, vector<16xi32>,
      %scatter3A_413 = arith.constant 1 : i32
      %scatter3A_414 = arith.constant 0 : i32
      %scatter3A_415 = arith.constant 0 : i32
      %scatter3A_416 = tpu.memref_slice %arg17[%scatter3A_413, %scatter3A_414, %scatter3A_415] : memref<2x128x16xf32, #tpu.memory_space<vmem>> -> memref<1x128x16xf32, #tpu.memory_space<vmem>>
      %scatter3A_417 = tpu.memref_squeeze %scatter3A_416 : memref<1x128x16xf32, #tpu.memory_space<vmem>> -> memref<128x16xf32, #tpu.memory_space<vmem>>
      tpu.vector_store_idx %scatter3A_417[%add3A_408, %get3A_412], %broadcast_in_dim3A_210 : memref<128x16xf32, #tpu.memory_space<vmem>>[vector<16xi32>, vector<16xi32>], vector<16xf32>,
      %dma_wait3A_418 = arith.constant 0 : i32
      %dma_wait3A_419 = arith.constant 0 : i32
      %dma_wait3A_420 = arith.constant 0 : i32
      %dma_wait3A_421 = arith.constant 0 : i32
      %dma_wait3A_422 = tpu.memref_slice %arg16[%dma_wait3A_419, %dma_wait3A_420, %dma_wait3A_421] : memref<2x128x128xf32, #tpu.memory_space<vmem>> -> memref<1x128x128xf32, #tpu.memory_space<vmem>>
      %dma_wait3A_423 = tpu.memref_squeeze %dma_wait3A_422 : memref<1x128x128xf32, #tpu.memory_space<vmem>> -> memref<128x128xf32, #tpu.memory_space<vmem>>
      %dma_wait3A_424 = arith.constant 0 : i32
      %dma_wait3A_425 = tpu.memref_slice %arg13[%dma_wait3A_418, %dma_wait3A_424] : memref<2x128xi32, #tpu.memory_space<vmem>> -> memref<1x128xi32, #tpu.memory_space<vmem>>
      %dma_wait3A_426 = tpu.memref_squeeze %dma_wait3A_425 : memref<1x128xi32, #tpu.memory_space<vmem>> -> memref<128xi32, #tpu.memory_space<vmem>>
      %dma_wait3A_427 = arith.constant 0 : i32
      %dma_wait3A_428 = arith.constant 0 : i32
      %dma_wait3A_429 = tpu.memref_slice %arg2[%dma_wait3A_427, %dma_wait3A_428] : memref<10000x128xf32, #tpu.memory_space<hbm>> -> memref<10000x128xf32, #tpu.memory_space<hbm>>
      tpu.wait_indirect_dma semaphore(%arg20 : memref<!tpu.dma_semaphore, #tpu.memory_space<semaphore_mem>>) src(%dma_wait3A_429 : memref<10000x128xf32, #tpu.memory_space<hbm>>) dst(%dma_wait3A_423 : memref<128x128xf32, #tpu.memory_space<vmem>>)
      %dma_start3A_430 = arith.constant 0 : i32
      %dma_start3A_431 = arith.constant 0 : i32
      %dma_start3A_432 = arith.constant 0 : i32
      %dma_start3A_433 = arith.constant 0 : i32
      %dma_start3A_434 = tpu.memref_slice %arg16[%dma_start3A_430, %dma_start3A_432, %dma_start3A_433] : memref<2x128x128xf32, #tpu.memory_space<vmem>> -> memref<1x128x128xf32, #tpu.memory_space<vmem>>
      %dma_start3A_435 = tpu.memref_squeeze %dma_start3A_434 : memref<1x128x128xf32, #tpu.memory_space<vmem>> -> memref<128x128xf32, #tpu.memory_space<vmem>>
      %dma_start3A_436 = arith.constant 0 : i32
      %dma_start3A_437 = tpu.memref_slice %arg14[%dma_start3A_431, %dma_start3A_436] : memref<2x128xi32, #tpu.memory_space<vmem>> -> memref<1x128xi32, #tpu.memory_space<vmem>>
      %dma_start3A_438 = tpu.memref_squeeze %dma_start3A_437 : memref<1x128xi32, #tpu.memory_space<vmem>> -> memref<128xi32, #tpu.memory_space<vmem>>
      %dma_start3A_439 = arith.constant 0 : i32
      %dma_start3A_440 = arith.constant 0 : i32
      %dma_start3A_441 = tpu.memref_slice %arg11[%dma_start3A_439, %dma_start3A_440] : memref<10240x128xf32, #tpu.memory_space<vmem_shared>> -> memref<10240x128xf32, #tpu.memory_space<vmem_shared>>
      tpu.enqueue_indirect_dma source(%dma_start3A_435 : memref<128x128xf32, #tpu.memory_space<vmem>>) target(%dma_start3A_441 : memref<10240x128xf32, #tpu.memory_space<vmem_shared>>) offsets(%dma_start3A_438 : memref<128xi32, #tpu.memory_space<vmem>>) semaphore(%arg22 : memref<!tpu.dma_semaphore, #tpu.memory_space<semaphore_mem>>) {add = true}
      %dma_start3A_442 = arith.constant 0 : i32
      %dma_start3A_443 = arith.constant 0 : i32
      %dma_start3A_444 = arith.constant 0 : i32
      %dma_start3A_445 = arith.constant 0 : i32
      %dma_start3A_446 = tpu.memref_slice %arg17[%dma_start3A_442, %dma_start3A_444, %dma_start3A_445] : memref<2x128x16xf32, #tpu.memory_space<vmem>> -> memref<1x128x16xf32, #tpu.memory_space<vmem>>
      %dma_start3A_447 = tpu.memref_squeeze %dma_start3A_446 : memref<1x128x16xf32, #tpu.memory_space<vmem>> -> memref<128x16xf32, #tpu.memory_space<vmem>>
      %dma_start3A_448 = arith.constant 0 : i32
      %dma_start3A_449 = tpu.memref_slice %arg14[%dma_start3A_443, %dma_start3A_448] : memref<2x128xi32, #tpu.memory_space<vmem>> -> memref<1x128xi32, #tpu.memory_space<vmem>>
      %dma_start3A_450 = tpu.memref_squeeze %dma_start3A_449 : memref<1x128xi32, #tpu.memory_space<vmem>> -> memref<128xi32, #tpu.memory_space<vmem>>
      %dma_start3A_451 = arith.constant 0 : i32
      %dma_start3A_452 = arith.constant 0 : i32
      %dma_start3A_453 = tpu.memref_slice %arg12[%dma_start3A_451, %dma_start3A_452] : memref<10240x16xf32, #tpu.memory_space<vmem_shared>> -> memref<10240x16xf32, #tpu.memory_space<vmem_shared>>
      tpu.enqueue_indirect_dma source(%dma_start3A_447 : memref<128x16xf32, #tpu.memory_space<vmem>>) target(%dma_start3A_453 : memref<10240x16xf32, #tpu.memory_space<vmem_shared>>) offsets(%dma_start3A_450 : memref<128xi32, #tpu.memory_space<vmem>>) semaphore(%arg22 : memref<!tpu.dma_semaphore, #tpu.memory_space<semaphore_mem>>) {add = true}
      %dma_wait3A_454 = arith.constant 1 : i32
      %dma_wait3A_455 = arith.constant 1 : i32
      %dma_wait3A_456 = arith.constant 0 : i32
      %dma_wait3A_457 = arith.constant 0 : i32
      %dma_wait3A_458 = tpu.memref_slice %arg16[%dma_wait3A_455, %dma_wait3A_456, %dma_wait3A_457] : memref<2x128x128xf32, #tpu.memory_space<vmem>> -> memref<1x128x128xf32, #tpu.memory_space<vmem>>
      %dma_wait3A_459 = tpu.memref_squeeze %dma_wait3A_458 : memref<1x128x128xf32, #tpu.memory_space<vmem>> -> memref<128x128xf32, #tpu.memory_space<vmem>>
      %dma_wait3A_460 = arith.constant 0 : i32
      %dma_wait3A_461 = tpu.memref_slice %arg13[%dma_wait3A_454, %dma_wait3A_460] : memref<2x128xi32, #tpu.memory_space<vmem>> -> memref<1x128xi32, #tpu.memory_space<vmem>>
      %dma_wait3A_462 = tpu.memref_squeeze %dma_wait3A_461 : memref<1x128xi32, #tpu.memory_space<vmem>> -> memref<128xi32, #tpu.memory_space<vmem>>
      %dma_wait3A_463 = arith.constant 0 : i32
      %dma_wait3A_464 = arith.constant 0 : i32
      %dma_wait3A_465 = tpu.memref_slice %arg2[%dma_wait3A_463, %dma_wait3A_464] : memref<10000x128xf32, #tpu.memory_space<hbm>> -> memref<10000x128xf32, #tpu.memory_space<hbm>>
      tpu.wait_indirect_dma semaphore(%arg21 : memref<!tpu.dma_semaphore, #tpu.memory_space<semaphore_mem>>) src(%dma_wait3A_465 : memref<10000x128xf32, #tpu.memory_space<hbm>>) dst(%dma_wait3A_459 : memref<128x128xf32, #tpu.memory_space<vmem>>)
      %dma_start3A_466 = arith.constant 1 : i32
      %dma_start3A_467 = arith.constant 1 : i32
      %dma_start3A_468 = arith.constant 0 : i32
      %dma_start3A_469 = arith.constant 0 : i32
      %dma_start3A_470 = tpu.memref_slice %arg16[%dma_start3A_466, %dma_start3A_468, %dma_start3A_469] : memref<2x128x128xf32, #tpu.memory_space<vmem>> -> memref<1x128x128xf32, #tpu.memory_space<vmem>>
      %dma_start3A_471 = tpu.memref_squeeze %dma_start3A_470 : memref<1x128x128xf32, #tpu.memory_space<vmem>> -> memref<128x128xf32, #tpu.memory_space<vmem>>
      %dma_start3A_472 = arith.constant 0 : i32
      %dma_start3A_473 = tpu.memref_slice %arg14[%dma_start3A_467, %dma_start3A_472] : memref<2x128xi32, #tpu.memory_space<vmem>> -> memref<1x128xi32, #tpu.memory_space<vmem>>
      %dma_start3A_474 = tpu.memref_squeeze %dma_start3A_473 : memref<1x128xi32, #tpu.memory_space<vmem>> -> memref<128xi32, #tpu.memory_space<vmem>>
      %dma_start3A_475 = arith.constant 0 : i32
      %dma_start3A_476 = arith.constant 0 : i32
      %dma_start3A_477 = tpu.memref_slice %arg11[%dma_start3A_475, %dma_start3A_476] : memref<10240x128xf32, #tpu.memory_space<vmem_shared>> -> memref<10240x128xf32, #tpu.memory_space<vmem_shared>>
      tpu.enqueue_indirect_dma source(%dma_start3A_471 : memref<128x128xf32, #tpu.memory_space<vmem>>) target(%dma_start3A_477 : memref<10240x128xf32, #tpu.memory_space<vmem_shared>>) offsets(%dma_start3A_474 : memref<128xi32, #tpu.memory_space<vmem>>) semaphore(%arg23 : memref<!tpu.dma_semaphore, #tpu.memory_space<semaphore_mem>>) {add = true}
      %dma_start3A_478 = arith.constant 1 : i32
      %dma_start3A_479 = arith.constant 1 : i32
      %dma_start3A_480 = arith.constant 0 : i32
      %dma_start3A_481 = arith.constant 0 : i32
      %dma_start3A_482 = tpu.memref_slice %arg17[%dma_start3A_478, %dma_start3A_480, %dma_start3A_481] : memref<2x128x16xf32, #tpu.memory_space<vmem>> -> memref<1x128x16xf32, #tpu.memory_space<vmem>>
      %dma_start3A_483 = tpu.memref_squeeze %dma_start3A_482 : memref<1x128x16xf32, #tpu.memory_space<vmem>> -> memref<128x16xf32, #tpu.memory_space<vmem>>
      %dma_start3A_484 = arith.constant 0 : i32
      %dma_start3A_485 = tpu.memref_slice %arg14[%dma_start3A_479, %dma_start3A_484] : memref<2x128xi32, #tpu.memory_space<vmem>> -> memref<1x128xi32, #tpu.memory_space<vmem>>
      %dma_start3A_486 = tpu.memref_squeeze %dma_start3A_485 : memref<1x128xi32, #tpu.memory_space<vmem>> -> memref<128xi32, #tpu.memory_space<vmem>>
      %dma_start3A_487 = arith.constant 0 : i32
      %dma_start3A_488 = arith.constant 0 : i32
      %dma_start3A_489 = tpu.memref_slice %arg12[%dma_start3A_487, %dma_start3A_488] : memref<10240x16xf32, #tpu.memory_space<vmem_shared>> -> memref<10240x16xf32, #tpu.memory_space<vmem_shared>>
      tpu.enqueue_indirect_dma source(%dma_start3A_483 : memref<128x16xf32, #tpu.memory_space<vmem>>) target(%dma_start3A_489 : memref<10240x16xf32, #tpu.memory_space<vmem_shared>>) offsets(%dma_start3A_486 : memref<128xi32, #tpu.memory_space<vmem>>) semaphore(%arg23 : memref<!tpu.dma_semaphore, #tpu.memory_space<semaphore_mem>>) {add = true}
      %dma_wait3A_490 = arith.constant 0 : i32
      %dma_wait3A_491 = arith.constant 0 : i32
      %dma_wait3A_492 = arith.constant 0 : i32
      %dma_wait3A_493 = arith.constant 0 : i32
      %dma_wait3A_494 = tpu.memref_slice %arg16[%dma_wait3A_490, %dma_wait3A_492, %dma_wait3A_493] : memref<2x128x128xf32, #tpu.memory_space<vmem>> -> memref<1x128x128xf32, #tpu.memory_space<vmem>>
      %dma_wait3A_495 = tpu.memref_squeeze %dma_wait3A_494 : memref<1x128x128xf32, #tpu.memory_space<vmem>> -> memref<128x128xf32, #tpu.memory_space<vmem>>
      %dma_wait3A_496 = arith.constant 0 : i32
      %dma_wait3A_497 = tpu.memref_slice %arg14[%dma_wait3A_491, %dma_wait3A_496] : memref<2x128xi32, #tpu.memory_space<vmem>> -> memref<1x128xi32, #tpu.memory_space<vmem>>
      %dma_wait3A_498 = tpu.memref_squeeze %dma_wait3A_497 : memref<1x128xi32, #tpu.memory_space<vmem>> -> memref<128xi32, #tpu.memory_space<vmem>>
      %dma_wait3A_499 = arith.constant 0 : i32
      %dma_wait3A_500 = arith.constant 0 : i32
      %dma_wait3A_501 = tpu.memref_slice %arg11[%dma_wait3A_499, %dma_wait3A_500] : memref<10240x128xf32, #tpu.memory_space<vmem_shared>> -> memref<10240x128xf32, #tpu.memory_space<vmem_shared>>
      tpu.wait_indirect_dma semaphore(%arg22 : memref<!tpu.dma_semaphore, #tpu.memory_space<semaphore_mem>>) src(%dma_wait3A_495 : memref<128x128xf32, #tpu.memory_space<vmem>>) dst(%dma_wait3A_501 : memref<10240x128xf32, #tpu.memory_space<vmem_shared>>)
      %dma_wait3A_502 = arith.constant 0 : i32
      %dma_wait3A_503 = arith.constant 0 : i32
      %dma_wait3A_504 = arith.constant 0 : i32
      %dma_wait3A_505 = arith.constant 0 : i32
      %dma_wait3A_506 = tpu.memref_slice %arg17[%dma_wait3A_502, %dma_wait3A_504, %dma_wait3A_505] : memref<2x128x16xf32, #tpu.memory_space<vmem>> -> memref<1x128x16xf32, #tpu.memory_space<vmem>>
      %dma_wait3A_507 = tpu.memref_squeeze %dma_wait3A_506 : memref<1x128x16xf32, #tpu.memory_space<vmem>> -> memref<128x16xf32, #tpu.memory_space<vmem>>
      %dma_wait3A_508 = arith.constant 0 : i32
      %dma_wait3A_509 = tpu.memref_slice %arg14[%dma_wait3A_503, %dma_wait3A_508] : memref<2x128xi32, #tpu.memory_space<vmem>> -> memref<1x128xi32, #tpu.memory_space<vmem>>
      %dma_wait3A_510 = tpu.memref_squeeze %dma_wait3A_509 : memref<1x128xi32, #tpu.memory_space<vmem>> -> memref<128xi32, #tpu.memory_space<vmem>>
      %dma_wait3A_511 = arith.constant 0 : i32
      %dma_wait3A_512 = arith.constant 0 : i32
      %dma_wait3A_513 = tpu.memref_slice %arg12[%dma_wait3A_511, %dma_wait3A_512] : memref<10240x16xf32, #tpu.memory_space<vmem_shared>> -> memref<10240x16xf32, #tpu.memory_space<vmem_shared>>
      tpu.wait_indirect_dma semaphore(%arg22 : memref<!tpu.dma_semaphore, #tpu.memory_space<semaphore_mem>>) src(%dma_wait3A_507 : memref<128x16xf32, #tpu.memory_space<vmem>>) dst(%dma_wait3A_513 : memref<10240x16xf32, #tpu.memory_space<vmem_shared>>)
      %dma_wait3A_514 = arith.constant 1 : i32
      %dma_wait3A_515 = arith.constant 1 : i32
      %dma_wait3A_516 = arith.constant 0 : i32
      %dma_wait3A_517 = arith.constant 0 : i32
      %dma_wait3A_518 = tpu.memref_slice %arg16[%dma_wait3A_514, %dma_wait3A_516, %dma_wait3A_517] : memref<2x128x128xf32, #tpu.memory_space<vmem>> -> memref<1x128x128xf32, #tpu.memory_space<vmem>>
      %dma_wait3A_519 = tpu.memref_squeeze %dma_wait3A_518 : memref<1x128x128xf32, #tpu.memory_space<vmem>> -> memref<128x128xf32, #tpu.memory_space<vmem>>
      %dma_wait3A_520 = arith.constant 0 : i32
      %dma_wait3A_521 = tpu.memref_slice %arg14[%dma_wait3A_515, %dma_wait3A_520] : memref<2x128xi32, #tpu.memory_space<vmem>> -> memref<1x128xi32, #tpu.memory_space<vmem>>
      %dma_wait3A_522 = tpu.memref_squeeze %dma_wait3A_521 : memref<1x128xi32, #tpu.memory_space<vmem>> -> memref<128xi32, #tpu.memory_space<vmem>>
      %dma_wait3A_523 = arith.constant 0 : i32
      %dma_wait3A_524 = arith.constant 0 : i32
      %dma_wait3A_525 = tpu.memref_slice %arg11[%dma_wait3A_523, %dma_wait3A_524] : memref<10240x128xf32, #tpu.memory_space<vmem_shared>> -> memref<10240x128xf32, #tpu.memory_space<vmem_shared>>
      tpu.wait_indirect_dma semaphore(%arg23 : memref<!tpu.dma_semaphore, #tpu.memory_space<semaphore_mem>>) src(%dma_wait3A_519 : memref<128x128xf32, #tpu.memory_space<vmem>>) dst(%dma_wait3A_525 : memref<10240x128xf32, #tpu.memory_space<vmem_shared>>)
      %dma_wait3A_526 = arith.constant 1 : i32
      %dma_wait3A_527 = arith.constant 1 : i32
      %dma_wait3A_528 = arith.constant 0 : i32
      %dma_wait3A_529 = arith.constant 0 : i32
      %dma_wait3A_530 = tpu.memref_slice %arg17[%dma_wait3A_526, %dma_wait3A_528, %dma_wait3A_529] : memref<2x128x16xf32, #tpu.memory_space<vmem>> -> memref<1x128x16xf32, #tpu.memory_space<vmem>>
      %dma_wait3A_531 = tpu.memref_squeeze %dma_wait3A_530 : memref<1x128x16xf32, #tpu.memory_space<vmem>> -> memref<128x16xf32, #tpu.memory_space<vmem>>
      %dma_wait3A_532 = arith.constant 0 : i32
      %dma_wait3A_533 = tpu.memref_slice %arg14[%dma_wait3A_527, %dma_wait3A_532] : memref<2x128xi32, #tpu.memory_space<vmem>> -> memref<1x128xi32, #tpu.memory_space<vmem>>
      %dma_wait3A_534 = tpu.memref_squeeze %dma_wait3A_533 : memref<1x128xi32, #tpu.memory_space<vmem>> -> memref<128xi32, #tpu.memory_space<vmem>>
      %dma_wait3A_535 = arith.constant 0 : i32
      %dma_wait3A_536 = arith.constant 0 : i32
      %dma_wait3A_537 = tpu.memref_slice %arg12[%dma_wait3A_535, %dma_wait3A_536] : memref<10240x16xf32, #tpu.memory_space<vmem_shared>> -> memref<10240x16xf32, #tpu.memory_space<vmem_shared>>
      tpu.wait_indirect_dma semaphore(%arg23 : memref<!tpu.dma_semaphore, #tpu.memory_space<semaphore_mem>>) src(%dma_wait3A_531 : memref<128x16xf32, #tpu.memory_space<vmem>>) dst(%dma_wait3A_537 : memref<10240x16xf32, #tpu.memory_space<vmem_shared>>)
      %iota3A_538 = tpu.iota {dimensions = array<i32: 0>} : vector<16xi32>
      %add3A_539 = arith.constant 0 : i32
      %add3A_540 = vector.broadcast %add3A_539 : i32 to vector<16xi32>
      %add3A_541 = arith.addi %iota3A_538, %add3A_540 : vector<16xi32>
      %get3A_542 = arith.constant 0 : i32
      %get3A_543 = arith.index_cast %get3A_542 : i32 to index
      %get3A_544 = arith.constant 0 : index
      %get3A_545 = tpu.vector_load %arg15[%get3A_543, %get3A_544] {strides = array<i32>} : memref<2x128xi32, #tpu.memory_space<vmem>>, vector<16xi32>,
      %scatter3A_546 = arith.constant 0 : i32
      %scatter3A_547 = arith.constant 0 : i32
      %scatter3A_548 = arith.constant 0 : i32
      %scatter3A_549 = tpu.memref_slice %arg17[%scatter3A_546, %scatter3A_547, %scatter3A_548] : memref<2x128x16xf32, #tpu.memory_space<vmem>> -> memref<1x128x16xf32, #tpu.memory_space<vmem>>
      %scatter3A_550 = tpu.memref_squeeze %scatter3A_549 : memref<1x128x16xf32, #tpu.memory_space<vmem>> -> memref<128x16xf32, #tpu.memory_space<vmem>>
      tpu.vector_store_idx %scatter3A_550[%add3A_541, %get3A_545], %broadcast_in_dim3A_212 : memref<128x16xf32, #tpu.memory_space<vmem>>[vector<16xi32>, vector<16xi32>], vector<16xf32>,
      %iota3A_551 = tpu.iota {dimensions = array<i32: 0>} : vector<16xi32>
      %add3A_552 = arith.constant 16 : i32
      %add3A_553 = vector.broadcast %add3A_552 : i32 to vector<16xi32>
      %add3A_554 = arith.addi %iota3A_551, %add3A_553 : vector<16xi32>
      %get3A_555 = arith.constant 0 : i32
      %get3A_556 = arith.index_cast %get3A_555 : i32 to index
      %get3A_557 = arith.constant 16 : index
      %get3A_558 = tpu.vector_load %arg15[%get3A_556, %get3A_557] {strides = array<i32>} : memref<2x128xi32, #tpu.memory_space<vmem>>, vector<16xi32>,
      %scatter3A_559 = arith.constant 0 : i32
      %scatter3A_560 = arith.constant 0 : i32
      %scatter3A_561 = arith.constant 0 : i32
      %scatter3A_562 = tpu.memref_slice %arg17[%scatter3A_559, %scatter3A_560, %scatter3A_561] : memref<2x128x16xf32, #tpu.memory_space<vmem>> -> memref<1x128x16xf32, #tpu.memory_space<vmem>>
      %scatter3A_563 = tpu.memref_squeeze %scatter3A_562 : memref<1x128x16xf32, #tpu.memory_space<vmem>> -> memref<128x16xf32, #tpu.memory_space<vmem>>
      tpu.vector_store_idx %scatter3A_563[%add3A_554, %get3A_558], %broadcast_in_dim3A_212 : memref<128x16xf32, #tpu.memory_space<vmem>>[vector<16xi32>, vector<16xi32>], vector<16xf32>,
      %iota3A_564 = tpu.iota {dimensions = array<i32: 0>} : vector<16xi32>
      %add3A_565 = arith.constant 32 : i32
      %add3A_566 = vector.broadcast %add3A_565 : i32 to vector<16xi32>
      %add3A_567 = arith.addi %iota3A_564, %add3A_566 : vector<16xi32>
      %get3A_568 = arith.constant 0 : i32
      %get3A_569 = arith.index_cast %get3A_568 : i32 to index
      %get3A_570 = arith.constant 32 : index
      %get3A_571 = tpu.vector_load %arg15[%get3A_569, %get3A_570] {strides = array<i32>} : memref<2x128xi32, #tpu.memory_space<vmem>>, vector<16xi32>,
      %scatter3A_572 = arith.constant 0 : i32
      %scatter3A_573 = arith.constant 0 : i32
      %scatter3A_574 = arith.constant 0 : i32
      %scatter3A_575 = tpu.memref_slice %arg17[%scatter3A_572, %scatter3A_573, %scatter3A_574] : memref<2x128x16xf32, #tpu.memory_space<vmem>> -> memref<1x128x16xf32, #tpu.memory_space<vmem>>
      %scatter3A_576 = tpu.memref_squeeze %scatter3A_575 : memref<1x128x16xf32, #tpu.memory_space<vmem>> -> memref<128x16xf32, #tpu.memory_space<vmem>>
      tpu.vector_store_idx %scatter3A_576[%add3A_567, %get3A_571], %broadcast_in_dim3A_212 : memref<128x16xf32, #tpu.memory_space<vmem>>[vector<16xi32>, vector<16xi32>], vector<16xf32>,
      %iota3A_577 = tpu.iota {dimensions = array<i32: 0>} : vector<16xi32>
      %add3A_578 = arith.constant 48 : i32
      %add3A_579 = vector.broadcast %add3A_578 : i32 to vector<16xi32>
      %add3A_580 = arith.addi %iota3A_577, %add3A_579 : vector<16xi32>
      %get3A_581 = arith.constant 0 : i32
      %get3A_582 = arith.index_cast %get3A_581 : i32 to index
      %get3A_583 = arith.constant 48 : index
      %get3A_584 = tpu.vector_load %arg15[%get3A_582, %get3A_583] {strides = array<i32>} : memref<2x128xi32, #tpu.memory_space<vmem>>, vector<16xi32>,
      %scatter3A_585 = arith.constant 0 : i32
      %scatter3A_586 = arith.constant 0 : i32
      %scatter3A_587 = arith.constant 0 : i32
      %scatter3A_588 = tpu.memref_slice %arg17[%scatter3A_585, %scatter3A_586, %scatter3A_587] : memref<2x128x16xf32, #tpu.memory_space<vmem>> -> memref<1x128x16xf32, #tpu.memory_space<vmem>>
      %scatter3A_589 = tpu.memref_squeeze %scatter3A_588 : memref<1x128x16xf32, #tpu.memory_space<vmem>> -> memref<128x16xf32, #tpu.memory_space<vmem>>
      tpu.vector_store_idx %scatter3A_589[%add3A_580, %get3A_584], %broadcast_in_dim3A_212 : memref<128x16xf32, #tpu.memory_space<vmem>>[vector<16xi32>, vector<16xi32>], vector<16xf32>,
      %iota3A_590 = tpu.iota {dimensions = array<i32: 0>} : vector<16xi32>
      %add3A_591 = arith.constant 64 : i32
      %add3A_592 = vector.broadcast %add3A_591 : i32 to vector<16xi32>
      %add3A_593 = arith.addi %iota3A_590, %add3A_592 : vector<16xi32>
      %get3A_594 = arith.constant 0 : i32
      %get3A_595 = arith.index_cast %get3A_594 : i32 to index
      %get3A_596 = arith.constant 64 : index
      %get3A_597 = tpu.vector_load %arg15[%get3A_595, %get3A_596] {strides = array<i32>} : memref<2x128xi32, #tpu.memory_space<vmem>>, vector<16xi32>,
      %scatter3A_598 = arith.constant 0 : i32
      %scatter3A_599 = arith.constant 0 : i32
      %scatter3A_600 = arith.constant 0 : i32
      %scatter3A_601 = tpu.memref_slice %arg17[%scatter3A_598, %scatter3A_599, %scatter3A_600] : memref<2x128x16xf32, #tpu.memory_space<vmem>> -> memref<1x128x16xf32, #tpu.memory_space<vmem>>
      %scatter3A_602 = tpu.memref_squeeze %scatter3A_601 : memref<1x128x16xf32, #tpu.memory_space<vmem>> -> memref<128x16xf32, #tpu.memory_space<vmem>>
      tpu.vector_store_idx %scatter3A_602[%add3A_593, %get3A_597], %broadcast_in_dim3A_212 : memref<128x16xf32, #tpu.memory_space<vmem>>[vector<16xi32>, vector<16xi32>], vector<16xf32>,
      %iota3A_603 = tpu.iota {dimensions = array<i32: 0>} : vector<16xi32>
      %add3A_604 = arith.constant 80 : i32
      %add3A_605 = vector.broadcast %add3A_604 : i32 to vector<16xi32>
      %add3A_606 = arith.addi %iota3A_603, %add3A_605 : vector<16xi32>
      %get3A_607 = arith.constant 0 : i32
      %get3A_608 = arith.index_cast %get3A_607 : i32 to index
      %get3A_609 = arith.constant 80 : index
      %get3A_610 = tpu.vector_load %arg15[%get3A_608, %get3A_609] {strides = array<i32>} : memref<2x128xi32, #tpu.memory_space<vmem>>, vector<16xi32>,
      %scatter3A_611 = arith.constant 0 : i32
      %scatter3A_612 = arith.constant 0 : i32
      %scatter3A_613 = arith.constant 0 : i32
      %scatter3A_614 = tpu.memref_slice %arg17[%scatter3A_611, %scatter3A_612, %scatter3A_613] : memref<2x128x16xf32, #tpu.memory_space<vmem>> -> memref<1x128x16xf32, #tpu.memory_space<vmem>>
      %scatter3A_615 = tpu.memref_squeeze %scatter3A_614 : memref<1x128x16xf32, #tpu.memory_space<vmem>> -> memref<128x16xf32, #tpu.memory_space<vmem>>
      tpu.vector_store_idx %scatter3A_615[%add3A_606, %get3A_610], %broadcast_in_dim3A_212 : memref<128x16xf32, #tpu.memory_space<vmem>>[vector<16xi32>, vector<16xi32>], vector<16xf32>,
      %iota3A_616 = tpu.iota {dimensions = array<i32: 0>} : vector<16xi32>
      %add3A_617 = arith.constant 96 : i32
      %add3A_618 = vector.broadcast %add3A_617 : i32 to vector<16xi32>
      %add3A_619 = arith.addi %iota3A_616, %add3A_618 : vector<16xi32>
      %get3A_620 = arith.constant 0 : i32
      %get3A_621 = arith.index_cast %get3A_620 : i32 to index
      %get3A_622 = arith.constant 96 : index
      %get3A_623 = tpu.vector_load %arg15[%get3A_621, %get3A_622] {strides = array<i32>} : memref<2x128xi32, #tpu.memory_space<vmem>>, vector<16xi32>,
      %scatter3A_624 = arith.constant 0 : i32
      %scatter3A_625 = arith.constant 0 : i32
      %scatter3A_626 = arith.constant 0 : i32
      %scatter3A_627 = tpu.memref_slice %arg17[%scatter3A_624, %scatter3A_625, %scatter3A_626] : memref<2x128x16xf32, #tpu.memory_space<vmem>> -> memref<1x128x16xf32, #tpu.memory_space<vmem>>
      %scatter3A_628 = tpu.memref_squeeze %scatter3A_627 : memref<1x128x16xf32, #tpu.memory_space<vmem>> -> memref<128x16xf32, #tpu.memory_space<vmem>>
      tpu.vector_store_idx %scatter3A_628[%add3A_619, %get3A_623], %broadcast_in_dim3A_212 : memref<128x16xf32, #tpu.memory_space<vmem>>[vector<16xi32>, vector<16xi32>], vector<16xf32>,
      %iota3A_629 = tpu.iota {dimensions = array<i32: 0>} : vector<16xi32>
      %add3A_630 = arith.constant 112 : i32
      %add3A_631 = vector.broadcast %add3A_630 : i32 to vector<16xi32>
      %add3A_632 = arith.addi %iota3A_629, %add3A_631 : vector<16xi32>
      %get3A_633 = arith.constant 0 : i32
      %get3A_634 = arith.index_cast %get3A_633 : i32 to index
      %get3A_635 = arith.constant 112 : index
      %get3A_636 = tpu.vector_load %arg15[%get3A_634, %get3A_635] {strides = array<i32>} : memref<2x128xi32, #tpu.memory_space<vmem>>, vector<16xi32>,
      %scatter3A_637 = arith.constant 0 : i32
      %scatter3A_638 = arith.constant 0 : i32
      %scatter3A_639 = arith.constant 0 : i32
      %scatter3A_640 = tpu.memref_slice %arg17[%scatter3A_637, %scatter3A_638, %scatter3A_639] : memref<2x128x16xf32, #tpu.memory_space<vmem>> -> memref<1x128x16xf32, #tpu.memory_space<vmem>>
      %scatter3A_641 = tpu.memref_squeeze %scatter3A_640 : memref<1x128x16xf32, #tpu.memory_space<vmem>> -> memref<128x16xf32, #tpu.memory_space<vmem>>
      tpu.vector_store_idx %scatter3A_641[%add3A_632, %get3A_636], %broadcast_in_dim3A_212 : memref<128x16xf32, #tpu.memory_space<vmem>>[vector<16xi32>, vector<16xi32>], vector<16xf32>,
      %iota3A_642 = tpu.iota {dimensions = array<i32: 0>} : vector<16xi32>
      %add3A_643 = arith.constant 0 : i32
      %add3A_644 = vector.broadcast %add3A_643 : i32 to vector<16xi32>
      %add3A_645 = arith.addi %iota3A_642, %add3A_644 : vector<16xi32>
      %get3A_646 = arith.constant 1 : i32
      %get3A_647 = arith.index_cast %get3A_646 : i32 to index
      %get3A_648 = arith.constant 0 : index
      %get3A_649 = tpu.vector_load %arg15[%get3A_647, %get3A_648] {strides = array<i32>} : memref<2x128xi32, #tpu.memory_space<vmem>>, vector<16xi32>,
      %scatter3A_650 = arith.constant 1 : i32
      %scatter3A_651 = arith.constant 0 : i32
      %scatter3A_652 = arith.constant 0 : i32
      %scatter3A_653 = tpu.memref_slice %arg17[%scatter3A_650, %scatter3A_651, %scatter3A_652] : memref<2x128x16xf32, #tpu.memory_space<vmem>> -> memref<1x128x16xf32, #tpu.memory_space<vmem>>
      %scatter3A_654 = tpu.memref_squeeze %scatter3A_653 : memref<1x128x16xf32, #tpu.memory_space<vmem>> -> memref<128x16xf32, #tpu.memory_space<vmem>>
      tpu.vector_store_idx %scatter3A_654[%add3A_645, %get3A_649], %broadcast_in_dim3A_212 : memref<128x16xf32, #tpu.memory_space<vmem>>[vector<16xi32>, vector<16xi32>], vector<16xf32>,
      %iota3A_655 = tpu.iota {dimensions = array<i32: 0>} : vector<16xi32>
      %add3A_656 = arith.constant 16 : i32
      %add3A_657 = vector.broadcast %add3A_656 : i32 to vector<16xi32>
      %add3A_658 = arith.addi %iota3A_655, %add3A_657 : vector<16xi32>
      %get3A_659 = arith.constant 1 : i32
      %get3A_660 = arith.index_cast %get3A_659 : i32 to index
      %get3A_661 = arith.constant 16 : index
      %get3A_662 = tpu.vector_load %arg15[%get3A_660, %get3A_661] {strides = array<i32>} : memref<2x128xi32, #tpu.memory_space<vmem>>, vector<16xi32>,
      %scatter3A_663 = arith.constant 1 : i32
      %scatter3A_664 = arith.constant 0 : i32
      %scatter3A_665 = arith.constant 0 : i32
      %scatter3A_666 = tpu.memref_slice %arg17[%scatter3A_663, %scatter3A_664, %scatter3A_665] : memref<2x128x16xf32, #tpu.memory_space<vmem>> -> memref<1x128x16xf32, #tpu.memory_space<vmem>>
      %scatter3A_667 = tpu.memref_squeeze %scatter3A_666 : memref<1x128x16xf32, #tpu.memory_space<vmem>> -> memref<128x16xf32, #tpu.memory_space<vmem>>
      tpu.vector_store_idx %scatter3A_667[%add3A_658, %get3A_662], %broadcast_in_dim3A_212 : memref<128x16xf32, #tpu.memory_space<vmem>>[vector<16xi32>, vector<16xi32>], vector<16xf32>,
      %iota3A_668 = tpu.iota {dimensions = array<i32: 0>} : vector<16xi32>
      %add3A_669 = arith.constant 32 : i32
      %add3A_670 = vector.broadcast %add3A_669 : i32 to vector<16xi32>
      %add3A_671 = arith.addi %iota3A_668, %add3A_670 : vector<16xi32>
      %get3A_672 = arith.constant 1 : i32
      %get3A_673 = arith.index_cast %get3A_672 : i32 to index
      %get3A_674 = arith.constant 32 : index
      %get3A_675 = tpu.vector_load %arg15[%get3A_673, %get3A_674] {strides = array<i32>} : memref<2x128xi32, #tpu.memory_space<vmem>>, vector<16xi32>,
      %scatter3A_676 = arith.constant 1 : i32
      %scatter3A_677 = arith.constant 0 : i32
      %scatter3A_678 = arith.constant 0 : i32
      %scatter3A_679 = tpu.memref_slice %arg17[%scatter3A_676, %scatter3A_677, %scatter3A_678] : memref<2x128x16xf32, #tpu.memory_space<vmem>> -> memref<1x128x16xf32, #tpu.memory_space<vmem>>
      %scatter3A_680 = tpu.memref_squeeze %scatter3A_679 : memref<1x128x16xf32, #tpu.memory_space<vmem>> -> memref<128x16xf32, #tpu.memory_space<vmem>>
      tpu.vector_store_idx %scatter3A_680[%add3A_671, %get3A_675], %broadcast_in_dim3A_212 : memref<128x16xf32, #tpu.memory_space<vmem>>[vector<16xi32>, vector<16xi32>], vector<16xf32>,
      %iota3A_681 = tpu.iota {dimensions = array<i32: 0>} : vector<16xi32>
      %add3A_682 = arith.constant 48 : i32
      %add3A_683 = vector.broadcast %add3A_682 : i32 to vector<16xi32>
      %add3A_684 = arith.addi %iota3A_681, %add3A_683 : vector<16xi32>
      %get3A_685 = arith.constant 1 : i32
      %get3A_686 = arith.index_cast %get3A_685 : i32 to index
      %get3A_687 = arith.constant 48 : index
      %get3A_688 = tpu.vector_load %arg15[%get3A_686, %get3A_687] {strides = array<i32>} : memref<2x128xi32, #tpu.memory_space<vmem>>, vector<16xi32>,
      %scatter3A_689 = arith.constant 1 : i32
      %scatter3A_690 = arith.constant 0 : i32
      %scatter3A_691 = arith.constant 0 : i32
      %scatter3A_692 = tpu.memref_slice %arg17[%scatter3A_689, %scatter3A_690, %scatter3A_691] : memref<2x128x16xf32, #tpu.memory_space<vmem>> -> memref<1x128x16xf32, #tpu.memory_space<vmem>>
      %scatter3A_693 = tpu.memref_squeeze %scatter3A_692 : memref<1x128x16xf32, #tpu.memory_space<vmem>> -> memref<128x16xf32, #tpu.memory_space<vmem>>
      tpu.vector_store_idx %scatter3A_693[%add3A_684, %get3A_688], %broadcast_in_dim3A_212 : memref<128x16xf32, #tpu.memory_space<vmem>>[vector<16xi32>, vector<16xi32>], vector<16xf32>,
      %iota3A_694 = tpu.iota {dimensions = array<i32: 0>} : vector<16xi32>
      %add3A_695 = arith.constant 64 : i32
      %add3A_696 = vector.broadcast %add3A_695 : i32 to vector<16xi32>
      %add3A_697 = arith.addi %iota3A_694, %add3A_696 : vector<16xi32>
      %get3A_698 = arith.constant 1 : i32
      %get3A_699 = arith.index_cast %get3A_698 : i32 to index
      %get3A_700 = arith.constant 64 : index
      %get3A_701 = tpu.vector_load %arg15[%get3A_699, %get3A_700] {strides = array<i32>} : memref<2x128xi32, #tpu.memory_space<vmem>>, vector<16xi32>,
      %scatter3A_702 = arith.constant 1 : i32
      %scatter3A_703 = arith.constant 0 : i32
      %scatter3A_704 = arith.constant 0 : i32
      %scatter3A_705 = tpu.memref_slice %arg17[%scatter3A_702, %scatter3A_703, %scatter3A_704] : memref<2x128x16xf32, #tpu.memory_space<vmem>> -> memref<1x128x16xf32, #tpu.memory_space<vmem>>
      %scatter3A_706 = tpu.memref_squeeze %scatter3A_705 : memref<1x128x16xf32, #tpu.memory_space<vmem>> -> memref<128x16xf32, #tpu.memory_space<vmem>>
      tpu.vector_store_idx %scatter3A_706[%add3A_697, %get3A_701], %broadcast_in_dim3A_212 : memref<128x16xf32, #tpu.memory_space<vmem>>[vector<16xi32>, vector<16xi32>], vector<16xf32>,
      %iota3A_707 = tpu.iota {dimensions = array<i32: 0>} : vector<16xi32>
      %add3A_708 = arith.constant 80 : i32
      %add3A_709 = vector.broadcast %add3A_708 : i32 to vector<16xi32>
      %add3A_710 = arith.addi %iota3A_707, %add3A_709 : vector<16xi32>
      %get3A_711 = arith.constant 1 : i32
      %get3A_712 = arith.index_cast %get3A_711 : i32 to index
      %get3A_713 = arith.constant 80 : index
      %get3A_714 = tpu.vector_load %arg15[%get3A_712, %get3A_713] {strides = array<i32>} : memref<2x128xi32, #tpu.memory_space<vmem>>, vector<16xi32>,
      %scatter3A_715 = arith.constant 1 : i32
      %scatter3A_716 = arith.constant 0 : i32
      %scatter3A_717 = arith.constant 0 : i32
      %scatter3A_718 = tpu.memref_slice %arg17[%scatter3A_715, %scatter3A_716, %scatter3A_717] : memref<2x128x16xf32, #tpu.memory_space<vmem>> -> memref<1x128x16xf32, #tpu.memory_space<vmem>>
      %scatter3A_719 = tpu.memref_squeeze %scatter3A_718 : memref<1x128x16xf32, #tpu.memory_space<vmem>> -> memref<128x16xf32, #tpu.memory_space<vmem>>
      tpu.vector_store_idx %scatter3A_719[%add3A_710, %get3A_714], %broadcast_in_dim3A_212 : memref<128x16xf32, #tpu.memory_space<vmem>>[vector<16xi32>, vector<16xi32>], vector<16xf32>,
      %iota3A_720 = tpu.iota {dimensions = array<i32: 0>} : vector<16xi32>
      %add3A_721 = arith.constant 96 : i32
      %add3A_722 = vector.broadcast %add3A_721 : i32 to vector<16xi32>
      %add3A_723 = arith.addi %iota3A_720, %add3A_722 : vector<16xi32>
      %get3A_724 = arith.constant 1 : i32
      %get3A_725 = arith.index_cast %get3A_724 : i32 to index
      %get3A_726 = arith.constant 96 : index
      %get3A_727 = tpu.vector_load %arg15[%get3A_725, %get3A_726] {strides = array<i32>} : memref<2x128xi32, #tpu.memory_space<vmem>>, vector<16xi32>,
      %scatter3A_728 = arith.constant 1 : i32
      %scatter3A_729 = arith.constant 0 : i32
      %scatter3A_730 = arith.constant 0 : i32
      %scatter3A_731 = tpu.memref_slice %arg17[%scatter3A_728, %scatter3A_729, %scatter3A_730] : memref<2x128x16xf32, #tpu.memory_space<vmem>> -> memref<1x128x16xf32, #tpu.memory_space<vmem>>
      %scatter3A_732 = tpu.memref_squeeze %scatter3A_731 : memref<1x128x16xf32, #tpu.memory_space<vmem>> -> memref<128x16xf32, #tpu.memory_space<vmem>>
      tpu.vector_store_idx %scatter3A_732[%add3A_723, %get3A_727], %broadcast_in_dim3A_212 : memref<128x16xf32, #tpu.memory_space<vmem>>[vector<16xi32>, vector<16xi32>], vector<16xf32>,
      %iota3A_733 = tpu.iota {dimensions = array<i32: 0>} : vector<16xi32>
      %add3A_734 = arith.constant 112 : i32
      %add3A_735 = vector.broadcast %add3A_734 : i32 to vector<16xi32>
      %add3A_736 = arith.addi %iota3A_733, %add3A_735 : vector<16xi32>
      %get3A_737 = arith.constant 1 : i32
      %get3A_738 = arith.index_cast %get3A_737 : i32 to index
      %get3A_739 = arith.constant 112 : index
      %get3A_740 = tpu.vector_load %arg15[%get3A_738, %get3A_739] {strides = array<i32>} : memref<2x128xi32, #tpu.memory_space<vmem>>, vector<16xi32>,
      %scatter3A_741 = arith.constant 1 : i32
      %scatter3A_742 = arith.constant 0 : i32
      %scatter3A_743 = arith.constant 0 : i32
      %scatter3A_744 = tpu.memref_slice %arg17[%scatter3A_741, %scatter3A_742, %scatter3A_743] : memref<2x128x16xf32, #tpu.memory_space<vmem>> -> memref<1x128x16xf32, #tpu.memory_space<vmem>>
      %scatter3A_745 = tpu.memref_squeeze %scatter3A_744 : memref<1x128x16xf32, #tpu.memory_space<vmem>> -> memref<128x16xf32, #tpu.memory_space<vmem>>
      tpu.vector_store_idx %scatter3A_745[%add3A_736, %get3A_740], %broadcast_in_dim3A_212 : memref<128x16xf32, #tpu.memory_space<vmem>>[vector<16xi32>, vector<16xi32>], vector<16xf32>,
    }
    %scan3A_29 = arith.constant 40 : i32
    %barrier3A_30 = arith.constant 0 : index
    tpu.barrier barrier_id(%barrier3A_30)
    %add3A_31 = arith.constant 0 : i32
    %add3A_32 = arith.addi %mul3A_2, %add3A_31 : i32
    %run_scoped3A_33 = arith.constant 0 : i32
    "tpu.region"() ({
      %run_scoped3A_61 = tpu.sem_alloc : memref<!tpu.dma_semaphore, #tpu.memory_space<semaphore_mem>>
      %dma_start3A = arith.constant 0 : i32
      %dma_start3A_62 = arith.constant 0 : i32
      %dma_start3A_63 = tpu.memref_slice %arg16[%run_scoped3A_33, %dma_start3A, %dma_start3A_62] : memref<2x128x128xf32, #tpu.memory_space<vmem>> -> memref<1x128x128xf32, #tpu.memory_space<vmem>>
      %dma_start3A_64 = tpu.memref_squeeze %dma_start3A_63 : memref<1x128x128xf32, #tpu.memory_space<vmem>> -> memref<128x128xf32, #tpu.memory_space<vmem>>
      %dma_start3A_65 = arith.constant 0 : i32
      %dma_start3A_66 = tpu.memref_slice %arg11[%add3A_32, %dma_start3A_65] : memref<10240x128xf32, #tpu.memory_space<vmem_shared>> -> memref<128x128xf32, #tpu.memory_space<vmem_shared>>
      %dma_start3A_67 = arith.constant 0 : i32
      %dma_start3A_68 = arith.constant 0 : i32
      %dma_start3A_69 = tpu.memref_slice %arg16[%run_scoped3A_33, %dma_start3A_67, %dma_start3A_68] : memref<2x128x128xf32, #tpu.memory_space<vmem>> -> memref<1x128x128xf32, #tpu.memory_space<vmem>>
      %dma_start3A_70 = tpu.memref_squeeze %dma_start3A_69 : memref<1x128x128xf32, #tpu.memory_space<vmem>> -> memref<128x128xf32, #tpu.memory_space<vmem>>
      %dma_start3A_71 = arith.constant 0 : i32
      %dma_start3A_72 = tpu.memref_slice %arg11[%add3A_32, %dma_start3A_71] : memref<10240x128xf32, #tpu.memory_space<vmem_shared>> -> memref<128x128xf32, #tpu.memory_space<vmem_shared>>
      tpu.enqueue_dma source(%dma_start3A_72 : memref<128x128xf32, #tpu.memory_space<vmem_shared>>) target(%dma_start3A_70 : memref<128x128xf32, #tpu.memory_space<vmem>>) target_semaphore(%run_scoped3A_61 : memref<!tpu.dma_semaphore, #tpu.memory_space<semaphore_mem>>)
      %dma_wait3A = arith.constant 0 : i32
      %dma_wait3A_73 = arith.constant 0 : i32
      %dma_wait3A_74 = tpu.memref_slice %arg16[%run_scoped3A_33, %dma_wait3A, %dma_wait3A_73] : memref<2x128x128xf32, #tpu.memory_space<vmem>> -> memref<1x128x128xf32, #tpu.memory_space<vmem>>
      %dma_wait3A_75 = tpu.memref_squeeze %dma_wait3A_74 : memref<1x128x128xf32, #tpu.memory_space<vmem>> -> memref<128x128xf32, #tpu.memory_space<vmem>>
      %dma_wait3A_76 = arith.constant 0 : i32
      %dma_wait3A_77 = tpu.memref_slice %arg11[%add3A_32, %dma_wait3A_76] : memref<10240x128xf32, #tpu.memory_space<vmem_shared>> -> memref<128x128xf32, #tpu.memory_space<vmem_shared>>
      %dma_wait3A_78 = arith.constant 0 : i32
      %dma_wait3A_79 = arith.constant 0 : i32
      %dma_wait3A_80 = tpu.memref_slice %arg16[%run_scoped3A_33, %dma_wait3A_78, %dma_wait3A_79] : memref<2x128x128xf32, #tpu.memory_space<vmem>> -> memref<1x128x128xf32, #tpu.memory_space<vmem>>
      %dma_wait3A_81 = tpu.memref_squeeze %dma_wait3A_80 : memref<1x128x128xf32, #tpu.memory_space<vmem>> -> memref<128x128xf32, #tpu.memory_space<vmem>>
      %dma_wait3A_82 = arith.constant 0 : i32
      %dma_wait3A_83 = tpu.memref_slice %arg11[%add3A_32, %dma_wait3A_82] : memref<10240x128xf32, #tpu.memory_space<vmem_shared>> -> memref<128x128xf32, #tpu.memory_space<vmem_shared>>
      tpu.wait_dma2 semaphore(%run_scoped3A_61 : memref<!tpu.dma_semaphore, #tpu.memory_space<semaphore_mem>>) src(%dma_wait3A_83 : memref<128x128xf32, #tpu.memory_space<vmem_shared>>) dst(%dma_wait3A_81 : memref<128x128xf32, #tpu.memory_space<vmem>>)
      tpu.yield
    }) : () -> ()
    %run_scoped3A_34 = arith.constant 0 : i32
    "tpu.region"() ({
      %run_scoped3A_61 = tpu.sem_alloc : memref<!tpu.dma_semaphore, #tpu.memory_space<semaphore_mem>>
      %dma_start3A = arith.constant 0 : i32
      %dma_start3A_62 = arith.constant 0 : i32
      %dma_start3A_63 = tpu.memref_slice %arg16[%run_scoped3A_34, %dma_start3A, %dma_start3A_62] : memref<2x128x128xf32, #tpu.memory_space<vmem>> -> memref<1x128x128xf32, #tpu.memory_space<vmem>>
      %dma_start3A_64 = tpu.memref_squeeze %dma_start3A_63 : memref<1x128x128xf32, #tpu.memory_space<vmem>> -> memref<128x128xf32, #tpu.memory_space<vmem>>
      %dma_start3A_65 = arith.constant 0 : i32
      %dma_start3A_66 = tpu.memref_slice %arg9[%arg0, %add3A_32, %dma_start3A_65] : memref<2x10240x128xf32, #tpu.memory_space<hbm>> -> memref<1x128x128xf32, #tpu.memory_space<hbm>>
      %dma_start3A_67 = tpu.memref_squeeze %dma_start3A_66 : memref<1x128x128xf32, #tpu.memory_space<hbm>> -> memref<128x128xf32, #tpu.memory_space<hbm>>
      %dma_start3A_68 = arith.constant 0 : i32
      %dma_start3A_69 = tpu.memref_slice %arg9[%arg0, %add3A_32, %dma_start3A_68] : memref<2x10240x128xf32, #tpu.memory_space<hbm>> -> memref<1x128x128xf32, #tpu.memory_space<hbm>>
      %dma_start3A_70 = tpu.memref_squeeze %dma_start3A_69 : memref<1x128x128xf32, #tpu.memory_space<hbm>> -> memref<128x128xf32, #tpu.memory_space<hbm>>
      %dma_start3A_71 = arith.constant 0 : i32
      %dma_start3A_72 = arith.constant 0 : i32
      %dma_start3A_73 = tpu.memref_slice %arg16[%run_scoped3A_34, %dma_start3A_71, %dma_start3A_72] : memref<2x128x128xf32, #tpu.memory_space<vmem>> -> memref<1x128x128xf32, #tpu.memory_space<vmem>>
      %dma_start3A_74 = tpu.memref_squeeze %dma_start3A_73 : memref<1x128x128xf32, #tpu.memory_space<vmem>> -> memref<128x128xf32, #tpu.memory_space<vmem>>
      tpu.enqueue_dma source(%dma_start3A_74 : memref<128x128xf32, #tpu.memory_space<vmem>>) target(%dma_start3A_70 : memref<128x128xf32, #tpu.memory_space<hbm>>) target_semaphore(%run_scoped3A_61 : memref<!tpu.dma_semaphore, #tpu.memory_space<semaphore_mem>>)
      %dma_wait3A = arith.constant 0 : i32
      %dma_wait3A_75 = arith.constant 0 : i32
      %dma_wait3A_76 = tpu.memref_slice %arg16[%run_scoped3A_34, %dma_wait3A, %dma_wait3A_75] : memref<2x128x128xf32, #tpu.memory_space<vmem>> -> memref<1x128x128xf32, #tpu.memory_space<vmem>>
      %dma_wait3A_77 = tpu.memref_squeeze %dma_wait3A_76 : memref<1x128x128xf32, #tpu.memory_space<vmem>> -> memref<128x128xf32, #tpu.memory_space<vmem>>
      %dma_wait3A_78 = arith.constant 0 : i32
      %dma_wait3A_79 = tpu.memref_slice %arg9[%arg0, %add3A_32, %dma_wait3A_78] : memref<2x10240x128xf32, #tpu.memory_space<hbm>> -> memref<1x128x128xf32, #tpu.memory_space<hbm>>
      %dma_wait3A_80 = tpu.memref_squeeze %dma_wait3A_79 : memref<1x128x128xf32, #tpu.memory_space<hbm>> -> memref<128x128xf32, #tpu.memory_space<hbm>>
      %dma_wait3A_81 = arith.constant 0 : i32
      %dma_wait3A_82 = tpu.memref_slice %arg9[%arg0, %add3A_32, %dma_wait3A_81] : memref<2x10240x128xf32, #tpu.memory_space<hbm>> -> memref<1x128x128xf32, #tpu.memory_space<hbm>>
      %dma_wait3A_83 = tpu.memref_squeeze %dma_wait3A_82 : memref<1x128x128xf32, #tpu.memory_space<hbm>> -> memref<128x128xf32, #tpu.memory_space<hbm>>
      %dma_wait3A_84 = arith.constant 0 : i32
      %dma_wait3A_85 = arith.constant 0 : i32
      %dma_wait3A_86 = tpu.memref_slice %arg16[%run_scoped3A_34, %dma_wait3A_84, %dma_wait3A_85] : memref<2x128x128xf32, #tpu.memory_space<vmem>> -> memref<1x128x128xf32, #tpu.memory_space<vmem>>
      %dma_wait3A_87 = tpu.memref_squeeze %dma_wait3A_86 : memref<1x128x128xf32, #tpu.memory_space<vmem>> -> memref<128x128xf32, #tpu.memory_space<vmem>>
      tpu.wait_dma2 semaphore(%run_scoped3A_61 : memref<!tpu.dma_semaphore, #tpu.memory_space<semaphore_mem>>) src(%dma_wait3A_87 : memref<128x128xf32, #tpu.memory_space<vmem>>) dst(%dma_wait3A_83 : memref<128x128xf32, #tpu.memory_space<hbm>>)
      tpu.yield
    }) : () -> ()
    %run_scoped3A_35 = arith.constant 0 : i32
    "tpu.region"() ({
      %run_scoped3A_61 = tpu.sem_alloc : memref<!tpu.dma_semaphore, #tpu.memory_space<semaphore_mem>>
      %dma_start3A = arith.constant 0 : i32
      %dma_start3A_62 = arith.constant 0 : i32
      %dma_start3A_63 = tpu.memref_slice %arg17[%run_scoped3A_35, %dma_start3A, %dma_start3A_62] : memref<2x128x16xf32, #tpu.memory_space<vmem>> -> memref<1x128x16xf32, #tpu.memory_space<vmem>>
      %dma_start3A_64 = tpu.memref_squeeze %dma_start3A_63 : memref<1x128x16xf32, #tpu.memory_space<vmem>> -> memref<128x16xf32, #tpu.memory_space<vmem>>
      %dma_start3A_65 = arith.constant 0 : i32
      %dma_start3A_66 = tpu.memref_slice %arg12[%add3A_32, %dma_start3A_65] : memref<10240x16xf32, #tpu.memory_space<vmem_shared>> -> memref<128x16xf32, #tpu.memory_space<vmem_shared>>
      %dma_start3A_67 = arith.constant 0 : i32
      %dma_start3A_68 = arith.constant 0 : i32
      %dma_start3A_69 = tpu.memref_slice %arg17[%run_scoped3A_35, %dma_start3A_67, %dma_start3A_68] : memref<2x128x16xf32, #tpu.memory_space<vmem>> -> memref<1x128x16xf32, #tpu.memory_space<vmem>>
      %dma_start3A_70 = tpu.memref_squeeze %dma_start3A_69 : memref<1x128x16xf32, #tpu.memory_space<vmem>> -> memref<128x16xf32, #tpu.memory_space<vmem>>
      %dma_start3A_71 = arith.constant 0 : i32
      %dma_start3A_72 = tpu.memref_slice %arg12[%add3A_32, %dma_start3A_71] : memref<10240x16xf32, #tpu.memory_space<vmem_shared>> -> memref<128x16xf32, #tpu.memory_space<vmem_shared>>
      tpu.enqueue_dma source(%dma_start3A_72 : memref<128x16xf32, #tpu.memory_space<vmem_shared>>) target(%dma_start3A_70 : memref<128x16xf32, #tpu.memory_space<vmem>>) target_semaphore(%run_scoped3A_61 : memref<!tpu.dma_semaphore, #tpu.memory_space<semaphore_mem>>)
      %dma_wait3A = arith.constant 0 : i32
      %dma_wait3A_73 = arith.constant 0 : i32
      %dma_wait3A_74 = tpu.memref_slice %arg17[%run_scoped3A_35, %dma_wait3A, %dma_wait3A_73] : memref<2x128x16xf32, #tpu.memory_space<vmem>> -> memref<1x128x16xf32, #tpu.memory_space<vmem>>
      %dma_wait3A_75 = tpu.memref_squeeze %dma_wait3A_74 : memref<1x128x16xf32, #tpu.memory_space<vmem>> -> memref<128x16xf32, #tpu.memory_space<vmem>>
      %dma_wait3A_76 = arith.constant 0 : i32
      %dma_wait3A_77 = tpu.memref_slice %arg12[%add3A_32, %dma_wait3A_76] : memref<10240x16xf32, #tpu.memory_space<vmem_shared>> -> memref<128x16xf32, #tpu.memory_space<vmem_shared>>
      %dma_wait3A_78 = arith.constant 0 : i32
      %dma_wait3A_79 = arith.constant 0 : i32
      %dma_wait3A_80 = tpu.memref_slice %arg17[%run_scoped3A_35, %dma_wait3A_78, %dma_wait3A_79] : memref<2x128x16xf32, #tpu.memory_space<vmem>> -> memref<1x128x16xf32, #tpu.memory_space<vmem>>
      %dma_wait3A_81 = tpu.memref_squeeze %dma_wait3A_80 : memref<1x128x16xf32, #tpu.memory_space<vmem>> -> memref<128x16xf32, #tpu.memory_space<vmem>>
      %dma_wait3A_82 = arith.constant 0 : i32
      %dma_wait3A_83 = tpu.memref_slice %arg12[%add3A_32, %dma_wait3A_82] : memref<10240x16xf32, #tpu.memory_space<vmem_shared>> -> memref<128x16xf32, #tpu.memory_space<vmem_shared>>
      tpu.wait_dma2 semaphore(%run_scoped3A_61 : memref<!tpu.dma_semaphore, #tpu.memory_space<semaphore_mem>>) src(%dma_wait3A_83 : memref<128x16xf32, #tpu.memory_space<vmem_shared>>) dst(%dma_wait3A_81 : memref<128x16xf32, #tpu.memory_space<vmem>>)
      tpu.yield
    }) : () -> ()
    %run_scoped3A_36 = arith.constant 0 : i32
    "tpu.region"() ({
      %run_scoped3A_61 = tpu.sem_alloc : memref<!tpu.dma_semaphore, #tpu.memory_space<semaphore_mem>>
      %dma_start3A = arith.constant 0 : i32
      %dma_start3A_62 = arith.constant 0 : i32
      %dma_start3A_63 = tpu.memref_slice %arg17[%run_scoped3A_36, %dma_start3A, %dma_start3A_62] : memref<2x128x16xf32, #tpu.memory_space<vmem>> -> memref<1x128x16xf32, #tpu.memory_space<vmem>>
      %dma_start3A_64 = tpu.memref_squeeze %dma_start3A_63 : memref<1x128x16xf32, #tpu.memory_space<vmem>> -> memref<128x16xf32, #tpu.memory_space<vmem>>
      %dma_start3A_65 = arith.constant 0 : i32
      %dma_start3A_66 = tpu.memref_slice %arg10[%arg0, %add3A_32, %dma_start3A_65] : memref<2x10240x16xf32, #tpu.memory_space<hbm>> -> memref<1x128x16xf32, #tpu.memory_space<hbm>>
      %dma_start3A_67 = tpu.memref_squeeze %dma_start3A_66 : memref<1x128x16xf32, #tpu.memory_space<hbm>> -> memref<128x16xf32, #tpu.memory_space<hbm>>
      %dma_start3A_68 = arith.constant 0 : i32
      %dma_start3A_69 = tpu.memref_slice %arg10[%arg0, %add3A_32, %dma_start3A_68] : memref<2x10240x16xf32, #tpu.memory_space<hbm>> -> memref<1x128x16xf32, #tpu.memory_space<hbm>>
      %dma_start3A_70 = tpu.memref_squeeze %dma_start3A_69 : memref<1x128x16xf32, #tpu.memory_space<hbm>> -> memref<128x16xf32, #tpu.memory_space<hbm>>
      %dma_start3A_71 = arith.constant 0 : i32
      %dma_start3A_72 = arith.constant 0 : i32
      %dma_start3A_73 = tpu.memref_slice %arg17[%run_scoped3A_36, %dma_start3A_71, %dma_start3A_72] : memref<2x128x16xf32, #tpu.memory_space<vmem>> -> memref<1x128x16xf32, #tpu.memory_space<vmem>>
      %dma_start3A_74 = tpu.memref_squeeze %dma_start3A_73 : memref<1x128x16xf32, #tpu.memory_space<vmem>> -> memref<128x16xf32, #tpu.memory_space<vmem>>
      tpu.enqueue_dma source(%dma_start3A_74 : memref<128x16xf32, #tpu.memory_space<vmem>>) target(%dma_start3A_70 : memref<128x16xf32, #tpu.memory_space<hbm>>) target_semaphore(%run_scoped3A_61 : memref<!tpu.dma_semaphore, #tpu.memory_space<semaphore_mem>>)
      %dma_wait3A = arith.constant 0 : i32
      %dma_wait3A_75 = arith.constant 0 : i32
      %dma_wait3A_76 = tpu.memref_slice %arg17[%run_scoped3A_36, %dma_wait3A, %dma_wait3A_75] : memref<2x128x16xf32, #tpu.memory_space<vmem>> -> memref<1x128x16xf32, #tpu.memory_space<vmem>>
      %dma_wait3A_77 = tpu.memref_squeeze %dma_wait3A_76 : memref<1x128x16xf32, #tpu.memory_space<vmem>> -> memref<128x16xf32, #tpu.memory_space<vmem>>
      %dma_wait3A_78 = arith.constant 0 : i32
      %dma_wait3A_79 = tpu.memref_slice %arg10[%arg0, %add3A_32, %dma_wait3A_78] : memref<2x10240x16xf32, #tpu.memory_space<hbm>> -> memref<1x128x16xf32, #tpu.memory_space<hbm>>
      %dma_wait3A_80 = tpu.memref_squeeze %dma_wait3A_79 : memref<1x128x16xf32, #tpu.memory_space<hbm>> -> memref<128x16xf32, #tpu.memory_space<hbm>>
      %dma_wait3A_81 = arith.constant 0 : i32
      %dma_wait3A_82 = tpu.memref_slice %arg10[%arg0, %add3A_32, %dma_wait3A_81] : memref<2x10240x16xf32, #tpu.memory_space<hbm>> -> memref<1x128x16xf32, #tpu.memory_space<hbm>>
      %dma_wait3A_83 = tpu.memref_squeeze %dma_wait3A_82 : memref<1x128x16xf32, #tpu.memory_space<hbm>> -> memref<128x16xf32, #tpu.memory_space<hbm>>
      %dma_wait3A_84 = arith.constant 0 : i32
      %dma_wait3A_85 = arith.constant 0 : i32
      %dma_wait3A_86 = tpu.memref_slice %arg17[%run_scoped3A_36, %dma_wait3A_84, %dma_wait3A_85] : memref<2x128x16xf32, #tpu.memory_space<vmem>> -> memref<1x128x16xf32, #tpu.memory_space<vmem>>
      %dma_wait3A_87 = tpu.memref_squeeze %dma_wait3A_86 : memref<1x128x16xf32, #tpu.memory_space<vmem>> -> memref<128x16xf32, #tpu.memory_space<vmem>>
      tpu.wait_dma2 semaphore(%run_scoped3A_61 : memref<!tpu.dma_semaphore, #tpu.memory_space<semaphore_mem>>) src(%dma_wait3A_87 : memref<128x16xf32, #tpu.memory_space<vmem>>) dst(%dma_wait3A_83 : memref<128x16xf32, #tpu.memory_space<hbm>>)
      tpu.yield
    }) : () -> ()
    %add3A_37 = arith.constant 128 : i32
    %add3A_38 = arith.addi %mul3A_2, %add3A_37 : i32
    %run_scoped3A_39 = arith.constant 0 : i32
    "tpu.region"() ({
      %run_scoped3A_61 = tpu.sem_alloc : memref<!tpu.dma_semaphore, #tpu.memory_space<semaphore_mem>>
      %dma_start3A = arith.constant 0 : i32
      %dma_start3A_62 = arith.constant 0 : i32
      %dma_start3A_63 = tpu.memref_slice %arg16[%run_scoped3A_39, %dma_start3A, %dma_start3A_62] : memref<2x128x128xf32, #tpu.memory_space<vmem>> -> memref<1x128x128xf32, #tpu.memory_space<vmem>>
      %dma_start3A_64 = tpu.memref_squeeze %dma_start3A_63 : memref<1x128x128xf32, #tpu.memory_space<vmem>> -> memref<128x128xf32, #tpu.memory_space<vmem>>
      %dma_start3A_65 = arith.constant 0 : i32
      %dma_start3A_66 = tpu.memref_slice %arg11[%add3A_38, %dma_start3A_65] : memref<10240x128xf32, #tpu.memory_space<vmem_shared>> -> memref<128x128xf32, #tpu.memory_space<vmem_shared>>
      %dma_start3A_67 = arith.constant 0 : i32
      %dma_start3A_68 = arith.constant 0 : i32
      %dma_start3A_69 = tpu.memref_slice %arg16[%run_scoped3A_39, %dma_start3A_67, %dma_start3A_68] : memref<2x128x128xf32, #tpu.memory_space<vmem>> -> memref<1x128x128xf32, #tpu.memory_space<vmem>>
      %dma_start3A_70 = tpu.memref_squeeze %dma_start3A_69 : memref<1x128x128xf32, #tpu.memory_space<vmem>> -> memref<128x128xf32, #tpu.memory_space<vmem>>
      %dma_start3A_71 = arith.constant 0 : i32
      %dma_start3A_72 = tpu.memref_slice %arg11[%add3A_38, %dma_start3A_71] : memref<10240x128xf32, #tpu.memory_space<vmem_shared>> -> memref<128x128xf32, #tpu.memory_space<vmem_shared>>
      tpu.enqueue_dma source(%dma_start3A_72 : memref<128x128xf32, #tpu.memory_space<vmem_shared>>) target(%dma_start3A_70 : memref<128x128xf32, #tpu.memory_space<vmem>>) target_semaphore(%run_scoped3A_61 : memref<!tpu.dma_semaphore, #tpu.memory_space<semaphore_mem>>)
      %dma_wait3A = arith.constant 0 : i32
      %dma_wait3A_73 = arith.constant 0 : i32
      %dma_wait3A_74 = tpu.memref_slice %arg16[%run_scoped3A_39, %dma_wait3A, %dma_wait3A_73] : memref<2x128x128xf32, #tpu.memory_space<vmem>> -> memref<1x128x128xf32, #tpu.memory_space<vmem>>
      %dma_wait3A_75 = tpu.memref_squeeze %dma_wait3A_74 : memref<1x128x128xf32, #tpu.memory_space<vmem>> -> memref<128x128xf32, #tpu.memory_space<vmem>>
      %dma_wait3A_76 = arith.constant 0 : i32
      %dma_wait3A_77 = tpu.memref_slice %arg11[%add3A_38, %dma_wait3A_76] : memref<10240x128xf32, #tpu.memory_space<vmem_shared>> -> memref<128x128xf32, #tpu.memory_space<vmem_shared>>
      %dma_wait3A_78 = arith.constant 0 : i32
      %dma_wait3A_79 = arith.constant 0 : i32
      %dma_wait3A_80 = tpu.memref_slice %arg16[%run_scoped3A_39, %dma_wait3A_78, %dma_wait3A_79] : memref<2x128x128xf32, #tpu.memory_space<vmem>> -> memref<1x128x128xf32, #tpu.memory_space<vmem>>
      %dma_wait3A_81 = tpu.memref_squeeze %dma_wait3A_80 : memref<1x128x128xf32, #tpu.memory_space<vmem>> -> memref<128x128xf32, #tpu.memory_space<vmem>>
      %dma_wait3A_82 = arith.constant 0 : i32
      %dma_wait3A_83 = tpu.memref_slice %arg11[%add3A_38, %dma_wait3A_82] : memref<10240x128xf32, #tpu.memory_space<vmem_shared>> -> memref<128x128xf32, #tpu.memory_space<vmem_shared>>
      tpu.wait_dma2 semaphore(%run_scoped3A_61 : memref<!tpu.dma_semaphore, #tpu.memory_space<semaphore_mem>>) src(%dma_wait3A_83 : memref<128x128xf32, #tpu.memory_space<vmem_shared>>) dst(%dma_wait3A_81 : memref<128x128xf32, #tpu.memory_space<vmem>>)
      tpu.yield
    }) : () -> ()
    %run_scoped3A_40 = arith.constant 0 : i32
    "tpu.region"() ({
      %run_scoped3A_61 = tpu.sem_alloc : memref<!tpu.dma_semaphore, #tpu.memory_space<semaphore_mem>>
      %dma_start3A = arith.constant 0 : i32
      %dma_start3A_62 = arith.constant 0 : i32
      %dma_start3A_63 = tpu.memref_slice %arg16[%run_scoped3A_40, %dma_start3A, %dma_start3A_62] : memref<2x128x128xf32, #tpu.memory_space<vmem>> -> memref<1x128x128xf32, #tpu.memory_space<vmem>>
      %dma_start3A_64 = tpu.memref_squeeze %dma_start3A_63 : memref<1x128x128xf32, #tpu.memory_space<vmem>> -> memref<128x128xf32, #tpu.memory_space<vmem>>
      %dma_start3A_65 = arith.constant 0 : i32
      %dma_start3A_66 = tpu.memref_slice %arg9[%arg0, %add3A_38, %dma_start3A_65] : memref<2x10240x128xf32, #tpu.memory_space<hbm>> -> memref<1x128x128xf32, #tpu.memory_space<hbm>>
      %dma_start3A_67 = tpu.memref_squeeze %dma_start3A_66 : memref<1x128x128xf32, #tpu.memory_space<hbm>> -> memref<128x128xf32, #tpu.memory_space<hbm>>
      %dma_start3A_68 = arith.constant 0 : i32
      %dma_start3A_69 = tpu.memref_slice %arg9[%arg0, %add3A_38, %dma_start3A_68] : memref<2x10240x128xf32, #tpu.memory_space<hbm>> -> memref<1x128x128xf32, #tpu.memory_space<hbm>>
      %dma_start3A_70 = tpu.memref_squeeze %dma_start3A_69 : memref<1x128x128xf32, #tpu.memory_space<hbm>> -> memref<128x128xf32, #tpu.memory_space<hbm>>
      %dma_start3A_71 = arith.constant 0 : i32
      %dma_start3A_72 = arith.constant 0 : i32
      %dma_start3A_73 = tpu.memref_slice %arg16[%run_scoped3A_40, %dma_start3A_71, %dma_start3A_72] : memref<2x128x128xf32, #tpu.memory_space<vmem>> -> memref<1x128x128xf32, #tpu.memory_space<vmem>>
      %dma_start3A_74 = tpu.memref_squeeze %dma_start3A_73 : memref<1x128x128xf32, #tpu.memory_space<vmem>> -> memref<128x128xf32, #tpu.memory_space<vmem>>
      tpu.enqueue_dma source(%dma_start3A_74 : memref<128x128xf32, #tpu.memory_space<vmem>>) target(%dma_start3A_70 : memref<128x128xf32, #tpu.memory_space<hbm>>) target_semaphore(%run_scoped3A_61 : memref<!tpu.dma_semaphore, #tpu.memory_space<semaphore_mem>>)
      %dma_wait3A = arith.constant 0 : i32
      %dma_wait3A_75 = arith.constant 0 : i32
      %dma_wait3A_76 = tpu.memref_slice %arg16[%run_scoped3A_40, %dma_wait3A, %dma_wait3A_75] : memref<2x128x128xf32, #tpu.memory_space<vmem>> -> memref<1x128x128xf32, #tpu.memory_space<vmem>>
      %dma_wait3A_77 = tpu.memref_squeeze %dma_wait3A_76 : memref<1x128x128xf32, #tpu.memory_space<vmem>> -> memref<128x128xf32, #tpu.memory_space<vmem>>
      %dma_wait3A_78 = arith.constant 0 : i32
      %dma_wait3A_79 = tpu.memref_slice %arg9[%arg0, %add3A_38, %dma_wait3A_78] : memref<2x10240x128xf32, #tpu.memory_space<hbm>> -> memref<1x128x128xf32, #tpu.memory_space<hbm>>
      %dma_wait3A_80 = tpu.memref_squeeze %dma_wait3A_79 : memref<1x128x128xf32, #tpu.memory_space<hbm>> -> memref<128x128xf32, #tpu.memory_space<hbm>>
      %dma_wait3A_81 = arith.constant 0 : i32
      %dma_wait3A_82 = tpu.memref_slice %arg9[%arg0, %add3A_38, %dma_wait3A_81] : memref<2x10240x128xf32, #tpu.memory_space<hbm>> -> memref<1x128x128xf32, #tpu.memory_space<hbm>>
      %dma_wait3A_83 = tpu.memref_squeeze %dma_wait3A_82 : memref<1x128x128xf32, #tpu.memory_space<hbm>> -> memref<128x128xf32, #tpu.memory_space<hbm>>
      %dma_wait3A_84 = arith.constant 0 : i32
      %dma_wait3A_85 = arith.constant 0 : i32
      %dma_wait3A_86 = tpu.memref_slice %arg16[%run_scoped3A_40, %dma_wait3A_84, %dma_wait3A_85] : memref<2x128x128xf32, #tpu.memory_space<vmem>> -> memref<1x128x128xf32, #tpu.memory_space<vmem>>
      %dma_wait3A_87 = tpu.memref_squeeze %dma_wait3A_86 : memref<1x128x128xf32, #tpu.memory_space<vmem>> -> memref<128x128xf32, #tpu.memory_space<vmem>>
      tpu.wait_dma2 semaphore(%run_scoped3A_61 : memref<!tpu.dma_semaphore, #tpu.memory_space<semaphore_mem>>) src(%dma_wait3A_87 : memref<128x128xf32, #tpu.memory_space<vmem>>) dst(%dma_wait3A_83 : memref<128x128xf32, #tpu.memory_space<hbm>>)
      tpu.yield
    }) : () -> ()
    %run_scoped3A_41 = arith.constant 0 : i32
    "tpu.region"() ({
      %run_scoped3A_61 = tpu.sem_alloc : memref<!tpu.dma_semaphore, #tpu.memory_space<semaphore_mem>>
      %dma_start3A = arith.constant 0 : i32
      %dma_start3A_62 = arith.constant 0 : i32
      %dma_start3A_63 = tpu.memref_slice %arg17[%run_scoped3A_41, %dma_start3A, %dma_start3A_62] : memref<2x128x16xf32, #tpu.memory_space<vmem>> -> memref<1x128x16xf32, #tpu.memory_space<vmem>>
      %dma_start3A_64 = tpu.memref_squeeze %dma_start3A_63 : memref<1x128x16xf32, #tpu.memory_space<vmem>> -> memref<128x16xf32, #tpu.memory_space<vmem>>
      %dma_start3A_65 = arith.constant 0 : i32
      %dma_start3A_66 = tpu.memref_slice %arg12[%add3A_38, %dma_start3A_65] : memref<10240x16xf32, #tpu.memory_space<vmem_shared>> -> memref<128x16xf32, #tpu.memory_space<vmem_shared>>
      %dma_start3A_67 = arith.constant 0 : i32
      %dma_start3A_68 = arith.constant 0 : i32
      %dma_start3A_69 = tpu.memref_slice %arg17[%run_scoped3A_41, %dma_start3A_67, %dma_start3A_68] : memref<2x128x16xf32, #tpu.memory_space<vmem>> -> memref<1x128x16xf32, #tpu.memory_space<vmem>>
      %dma_start3A_70 = tpu.memref_squeeze %dma_start3A_69 : memref<1x128x16xf32, #tpu.memory_space<vmem>> -> memref<128x16xf32, #tpu.memory_space<vmem>>
      %dma_start3A_71 = arith.constant 0 : i32
      %dma_start3A_72 = tpu.memref_slice %arg12[%add3A_38, %dma_start3A_71] : memref<10240x16xf32, #tpu.memory_space<vmem_shared>> -> memref<128x16xf32, #tpu.memory_space<vmem_shared>>
      tpu.enqueue_dma source(%dma_start3A_72 : memref<128x16xf32, #tpu.memory_space<vmem_shared>>) target(%dma_start3A_70 : memref<128x16xf32, #tpu.memory_space<vmem>>) target_semaphore(%run_scoped3A_61 : memref<!tpu.dma_semaphore, #tpu.memory_space<semaphore_mem>>)
      %dma_wait3A = arith.constant 0 : i32
      %dma_wait3A_73 = arith.constant 0 : i32
      %dma_wait3A_74 = tpu.memref_slice %arg17[%run_scoped3A_41, %dma_wait3A, %dma_wait3A_73] : memref<2x128x16xf32, #tpu.memory_space<vmem>> -> memref<1x128x16xf32, #tpu.memory_space<vmem>>
      %dma_wait3A_75 = tpu.memref_squeeze %dma_wait3A_74 : memref<1x128x16xf32, #tpu.memory_space<vmem>> -> memref<128x16xf32, #tpu.memory_space<vmem>>
      %dma_wait3A_76 = arith.constant 0 : i32
      %dma_wait3A_77 = tpu.memref_slice %arg12[%add3A_38, %dma_wait3A_76] : memref<10240x16xf32, #tpu.memory_space<vmem_shared>> -> memref<128x16xf32, #tpu.memory_space<vmem_shared>>
      %dma_wait3A_78 = arith.constant 0 : i32
      %dma_wait3A_79 = arith.constant 0 : i32
      %dma_wait3A_80 = tpu.memref_slice %arg17[%run_scoped3A_41, %dma_wait3A_78, %dma_wait3A_79] : memref<2x128x16xf32, #tpu.memory_space<vmem>> -> memref<1x128x16xf32, #tpu.memory_space<vmem>>
      %dma_wait3A_81 = tpu.memref_squeeze %dma_wait3A_80 : memref<1x128x16xf32, #tpu.memory_space<vmem>> -> memref<128x16xf32, #tpu.memory_space<vmem>>
      %dma_wait3A_82 = arith.constant 0 : i32
      %dma_wait3A_83 = tpu.memref_slice %arg12[%add3A_38, %dma_wait3A_82] : memref<10240x16xf32, #tpu.memory_space<vmem_shared>> -> memref<128x16xf32, #tpu.memory_space<vmem_shared>>
      tpu.wait_dma2 semaphore(%run_scoped3A_61 : memref<!tpu.dma_semaphore, #tpu.memory_space<semaphore_mem>>) src(%dma_wait3A_83 : memref<128x16xf32, #tpu.memory_space<vmem_shared>>) dst(%dma_wait3A_81 : memref<128x16xf32, #tpu.memory_space<vmem>>)
      tpu.yield
    }) : () -> ()
    %run_scoped3A_42 = arith.constant 0 : i32
    "tpu.region"() ({
      %run_scoped3A_61 = tpu.sem_alloc : memref<!tpu.dma_semaphore, #tpu.memory_space<semaphore_mem>>
      %dma_start3A = arith.constant 0 : i32
      %dma_start3A_62 = arith.constant 0 : i32
      %dma_start3A_63 = tpu.memref_slice %arg17[%run_scoped3A_42, %dma_start3A, %dma_start3A_62] : memref<2x128x16xf32, #tpu.memory_space<vmem>> -> memref<1x128x16xf32, #tpu.memory_space<vmem>>
      %dma_start3A_64 = tpu.memref_squeeze %dma_start3A_63 : memref<1x128x16xf32, #tpu.memory_space<vmem>> -> memref<128x16xf32, #tpu.memory_space<vmem>>
      %dma_start3A_65 = arith.constant 0 : i32
      %dma_start3A_66 = tpu.memref_slice %arg10[%arg0, %add3A_38, %dma_start3A_65] : memref<2x10240x16xf32, #tpu.memory_space<hbm>> -> memref<1x128x16xf32, #tpu.memory_space<hbm>>
      %dma_start3A_67 = tpu.memref_squeeze %dma_start3A_66 : memref<1x128x16xf32, #tpu.memory_space<hbm>> -> memref<128x16xf32, #tpu.memory_space<hbm>>
      %dma_start3A_68 = arith.constant 0 : i32
      %dma_start3A_69 = tpu.memref_slice %arg10[%arg0, %add3A_38, %dma_start3A_68] : memref<2x10240x16xf32, #tpu.memory_space<hbm>> -> memref<1x128x16xf32, #tpu.memory_space<hbm>>
      %dma_start3A_70 = tpu.memref_squeeze %dma_start3A_69 : memref<1x128x16xf32, #tpu.memory_space<hbm>> -> memref<128x16xf32, #tpu.memory_space<hbm>>
      %dma_start3A_71 = arith.constant 0 : i32
      %dma_start3A_72 = arith.constant 0 : i32
      %dma_start3A_73 = tpu.memref_slice %arg17[%run_scoped3A_42, %dma_start3A_71, %dma_start3A_72] : memref<2x128x16xf32, #tpu.memory_space<vmem>> -> memref<1x128x16xf32, #tpu.memory_space<vmem>>
      %dma_start3A_74 = tpu.memref_squeeze %dma_start3A_73 : memref<1x128x16xf32, #tpu.memory_space<vmem>> -> memref<128x16xf32, #tpu.memory_space<vmem>>
      tpu.enqueue_dma source(%dma_start3A_74 : memref<128x16xf32, #tpu.memory_space<vmem>>) target(%dma_start3A_70 : memref<128x16xf32, #tpu.memory_space<hbm>>) target_semaphore(%run_scoped3A_61 : memref<!tpu.dma_semaphore, #tpu.memory_space<semaphore_mem>>)
      %dma_wait3A = arith.constant 0 : i32
      %dma_wait3A_75 = arith.constant 0 : i32
      %dma_wait3A_76 = tpu.memref_slice %arg17[%run_scoped3A_42, %dma_wait3A, %dma_wait3A_75] : memref<2x128x16xf32, #tpu.memory_space<vmem>> -> memref<1x128x16xf32, #tpu.memory_space<vmem>>
      %dma_wait3A_77 = tpu.memref_squeeze %dma_wait3A_76 : memref<1x128x16xf32, #tpu.memory_space<vmem>> -> memref<128x16xf32, #tpu.memory_space<vmem>>
      %dma_wait3A_78 = arith.constant 0 : i32
      %dma_wait3A_79 = tpu.memref_slice %arg10[%arg0, %add3A_38, %dma_wait3A_78] : memref<2x10240x16xf32, #tpu.memory_space<hbm>> -> memref<1x128x16xf32, #tpu.memory_space<hbm>>
      %dma_wait3A_80 = tpu.memref_squeeze %dma_wait3A_79 : memref<1x128x16xf32, #tpu.memory_space<hbm>> -> memref<128x16xf32, #tpu.memory_space<hbm>>
      %dma_wait3A_81 = arith.constant 0 : i32
      %dma_wait3A_82 = tpu.memref_slice %arg10[%arg0, %add3A_38, %dma_wait3A_81] : memref<2x10240x16xf32, #tpu.memory_space<hbm>> -> memref<1x128x16xf32, #tpu.memory_space<hbm>>
      %dma_wait3A_83 = tpu.memref_squeeze %dma_wait3A_82 : memref<1x128x16xf32, #tpu.memory_space<hbm>> -> memref<128x16xf32, #tpu.memory_space<hbm>>
      %dma_wait3A_84 = arith.constant 0 : i32
      %dma_wait3A_85 = arith.constant 0 : i32
      %dma_wait3A_86 = tpu.memref_slice %arg17[%run_scoped3A_42, %dma_wait3A_84, %dma_wait3A_85] : memref<2x128x16xf32, #tpu.memory_space<vmem>> -> memref<1x128x16xf32, #tpu.memory_space<vmem>>
      %dma_wait3A_87 = tpu.memref_squeeze %dma_wait3A_86 : memref<1x128x16xf32, #tpu.memory_space<vmem>> -> memref<128x16xf32, #tpu.memory_space<vmem>>
      tpu.wait_dma2 semaphore(%run_scoped3A_61 : memref<!tpu.dma_semaphore, #tpu.memory_space<semaphore_mem>>) src(%dma_wait3A_87 : memref<128x16xf32, #tpu.memory_space<vmem>>) dst(%dma_wait3A_83 : memref<128x16xf32, #tpu.memory_space<hbm>>)
      tpu.yield
    }) : () -> ()
    %add3A_43 = arith.constant 256 : i32
    %add3A_44 = arith.addi %mul3A_2, %add3A_43 : i32
    %run_scoped3A_45 = arith.constant 0 : i32
    "tpu.region"() ({
      %run_scoped3A_61 = tpu.sem_alloc : memref<!tpu.dma_semaphore, #tpu.memory_space<semaphore_mem>>
      %dma_start3A = arith.constant 0 : i32
      %dma_start3A_62 = arith.constant 0 : i32
      %dma_start3A_63 = tpu.memref_slice %arg16[%run_scoped3A_45, %dma_start3A, %dma_start3A_62] : memref<2x128x128xf32, #tpu.memory_space<vmem>> -> memref<1x128x128xf32, #tpu.memory_space<vmem>>
      %dma_start3A_64 = tpu.memref_squeeze %dma_start3A_63 : memref<1x128x128xf32, #tpu.memory_space<vmem>> -> memref<128x128xf32, #tpu.memory_space<vmem>>
      %dma_start3A_65 = arith.constant 0 : i32
      %dma_start3A_66 = tpu.memref_slice %arg11[%add3A_44, %dma_start3A_65] : memref<10240x128xf32, #tpu.memory_space<vmem_shared>> -> memref<128x128xf32, #tpu.memory_space<vmem_shared>>
      %dma_start3A_67 = arith.constant 0 : i32
      %dma_start3A_68 = arith.constant 0 : i32
      %dma_start3A_69 = tpu.memref_slice %arg16[%run_scoped3A_45, %dma_start3A_67, %dma_start3A_68] : memref<2x128x128xf32, #tpu.memory_space<vmem>> -> memref<1x128x128xf32, #tpu.memory_space<vmem>>
      %dma_start3A_70 = tpu.memref_squeeze %dma_start3A_69 : memref<1x128x128xf32, #tpu.memory_space<vmem>> -> memref<128x128xf32, #tpu.memory_space<vmem>>
      %dma_start3A_71 = arith.constant 0 : i32
      %dma_start3A_72 = tpu.memref_slice %arg11[%add3A_44, %dma_start3A_71] : memref<10240x128xf32, #tpu.memory_space<vmem_shared>> -> memref<128x128xf32, #tpu.memory_space<vmem_shared>>
      tpu.enqueue_dma source(%dma_start3A_72 : memref<128x128xf32, #tpu.memory_space<vmem_shared>>) target(%dma_start3A_70 : memref<128x128xf32, #tpu.memory_space<vmem>>) target_semaphore(%run_scoped3A_61 : memref<!tpu.dma_semaphore, #tpu.memory_space<semaphore_mem>>)
      %dma_wait3A = arith.constant 0 : i32
      %dma_wait3A_73 = arith.constant 0 : i32
      %dma_wait3A_74 = tpu.memref_slice %arg16[%run_scoped3A_45, %dma_wait3A, %dma_wait3A_73] : memref<2x128x128xf32, #tpu.memory_space<vmem>> -> memref<1x128x128xf32, #tpu.memory_space<vmem>>
      %dma_wait3A_75 = tpu.memref_squeeze %dma_wait3A_74 : memref<1x128x128xf32, #tpu.memory_space<vmem>> -> memref<128x128xf32, #tpu.memory_space<vmem>>
      %dma_wait3A_76 = arith.constant 0 : i32
      %dma_wait3A_77 = tpu.memref_slice %arg11[%add3A_44, %dma_wait3A_76] : memref<10240x128xf32, #tpu.memory_space<vmem_shared>> -> memref<128x128xf32, #tpu.memory_space<vmem_shared>>
      %dma_wait3A_78 = arith.constant 0 : i32
      %dma_wait3A_79 = arith.constant 0 : i32
      %dma_wait3A_80 = tpu.memref_slice %arg16[%run_scoped3A_45, %dma_wait3A_78, %dma_wait3A_79] : memref<2x128x128xf32, #tpu.memory_space<vmem>> -> memref<1x128x128xf32, #tpu.memory_space<vmem>>
      %dma_wait3A_81 = tpu.memref_squeeze %dma_wait3A_80 : memref<1x128x128xf32, #tpu.memory_space<vmem>> -> memref<128x128xf32, #tpu.memory_space<vmem>>
      %dma_wait3A_82 = arith.constant 0 : i32
      %dma_wait3A_83 = tpu.memref_slice %arg11[%add3A_44, %dma_wait3A_82] : memref<10240x128xf32, #tpu.memory_space<vmem_shared>> -> memref<128x128xf32, #tpu.memory_space<vmem_shared>>
      tpu.wait_dma2 semaphore(%run_scoped3A_61 : memref<!tpu.dma_semaphore, #tpu.memory_space<semaphore_mem>>) src(%dma_wait3A_83 : memref<128x128xf32, #tpu.memory_space<vmem_shared>>) dst(%dma_wait3A_81 : memref<128x128xf32, #tpu.memory_space<vmem>>)
      tpu.yield
    }) : () -> ()
    %run_scoped3A_46 = arith.constant 0 : i32
    "tpu.region"() ({
      %run_scoped3A_61 = tpu.sem_alloc : memref<!tpu.dma_semaphore, #tpu.memory_space<semaphore_mem>>
      %dma_start3A = arith.constant 0 : i32
      %dma_start3A_62 = arith.constant 0 : i32
      %dma_start3A_63 = tpu.memref_slice %arg16[%run_scoped3A_46, %dma_start3A, %dma_start3A_62] : memref<2x128x128xf32, #tpu.memory_space<vmem>> -> memref<1x128x128xf32, #tpu.memory_space<vmem>>
      %dma_start3A_64 = tpu.memref_squeeze %dma_start3A_63 : memref<1x128x128xf32, #tpu.memory_space<vmem>> -> memref<128x128xf32, #tpu.memory_space<vmem>>
      %dma_start3A_65 = arith.constant 0 : i32
      %dma_start3A_66 = tpu.memref_slice %arg9[%arg0, %add3A_44, %dma_start3A_65] : memref<2x10240x128xf32, #tpu.memory_space<hbm>> -> memref<1x128x128xf32, #tpu.memory_space<hbm>>
      %dma_start3A_67 = tpu.memref_squeeze %dma_start3A_66 : memref<1x128x128xf32, #tpu.memory_space<hbm>> -> memref<128x128xf32, #tpu.memory_space<hbm>>
      %dma_start3A_68 = arith.constant 0 : i32
      %dma_start3A_69 = tpu.memref_slice %arg9[%arg0, %add3A_44, %dma_start3A_68] : memref<2x10240x128xf32, #tpu.memory_space<hbm>> -> memref<1x128x128xf32, #tpu.memory_space<hbm>>
      %dma_start3A_70 = tpu.memref_squeeze %dma_start3A_69 : memref<1x128x128xf32, #tpu.memory_space<hbm>> -> memref<128x128xf32, #tpu.memory_space<hbm>>
      %dma_start3A_71 = arith.constant 0 : i32
      %dma_start3A_72 = arith.constant 0 : i32
      %dma_start3A_73 = tpu.memref_slice %arg16[%run_scoped3A_46, %dma_start3A_71, %dma_start3A_72] : memref<2x128x128xf32, #tpu.memory_space<vmem>> -> memref<1x128x128xf32, #tpu.memory_space<vmem>>
      %dma_start3A_74 = tpu.memref_squeeze %dma_start3A_73 : memref<1x128x128xf32, #tpu.memory_space<vmem>> -> memref<128x128xf32, #tpu.memory_space<vmem>>
      tpu.enqueue_dma source(%dma_start3A_74 : memref<128x128xf32, #tpu.memory_space<vmem>>) target(%dma_start3A_70 : memref<128x128xf32, #tpu.memory_space<hbm>>) target_semaphore(%run_scoped3A_61 : memref<!tpu.dma_semaphore, #tpu.memory_space<semaphore_mem>>)
      %dma_wait3A = arith.constant 0 : i32
      %dma_wait3A_75 = arith.constant 0 : i32
      %dma_wait3A_76 = tpu.memref_slice %arg16[%run_scoped3A_46, %dma_wait3A, %dma_wait3A_75] : memref<2x128x128xf32, #tpu.memory_space<vmem>> -> memref<1x128x128xf32, #tpu.memory_space<vmem>>
      %dma_wait3A_77 = tpu.memref_squeeze %dma_wait3A_76 : memref<1x128x128xf32, #tpu.memory_space<vmem>> -> memref<128x128xf32, #tpu.memory_space<vmem>>
      %dma_wait3A_78 = arith.constant 0 : i32
      %dma_wait3A_79 = tpu.memref_slice %arg9[%arg0, %add3A_44, %dma_wait3A_78] : memref<2x10240x128xf32, #tpu.memory_space<hbm>> -> memref<1x128x128xf32, #tpu.memory_space<hbm>>
      %dma_wait3A_80 = tpu.memref_squeeze %dma_wait3A_79 : memref<1x128x128xf32, #tpu.memory_space<hbm>> -> memref<128x128xf32, #tpu.memory_space<hbm>>
      %dma_wait3A_81 = arith.constant 0 : i32
      %dma_wait3A_82 = tpu.memref_slice %arg9[%arg0, %add3A_44, %dma_wait3A_81] : memref<2x10240x128xf32, #tpu.memory_space<hbm>> -> memref<1x128x128xf32, #tpu.memory_space<hbm>>
      %dma_wait3A_83 = tpu.memref_squeeze %dma_wait3A_82 : memref<1x128x128xf32, #tpu.memory_space<hbm>> -> memref<128x128xf32, #tpu.memory_space<hbm>>
      %dma_wait3A_84 = arith.constant 0 : i32
      %dma_wait3A_85 = arith.constant 0 : i32
      %dma_wait3A_86 = tpu.memref_slice %arg16[%run_scoped3A_46, %dma_wait3A_84, %dma_wait3A_85] : memref<2x128x128xf32, #tpu.memory_space<vmem>> -> memref<1x128x128xf32, #tpu.memory_space<vmem>>
      %dma_wait3A_87 = tpu.memref_squeeze %dma_wait3A_86 : memref<1x128x128xf32, #tpu.memory_space<vmem>> -> memref<128x128xf32, #tpu.memory_space<vmem>>
      tpu.wait_dma2 semaphore(%run_scoped3A_61 : memref<!tpu.dma_semaphore, #tpu.memory_space<semaphore_mem>>) src(%dma_wait3A_87 : memref<128x128xf32, #tpu.memory_space<vmem>>) dst(%dma_wait3A_83 : memref<128x128xf32, #tpu.memory_space<hbm>>)
      tpu.yield
    }) : () -> ()
    %run_scoped3A_47 = arith.constant 0 : i32
    "tpu.region"() ({
      %run_scoped3A_61 = tpu.sem_alloc : memref<!tpu.dma_semaphore, #tpu.memory_space<semaphore_mem>>
      %dma_start3A = arith.constant 0 : i32
      %dma_start3A_62 = arith.constant 0 : i32
      %dma_start3A_63 = tpu.memref_slice %arg17[%run_scoped3A_47, %dma_start3A, %dma_start3A_62] : memref<2x128x16xf32, #tpu.memory_space<vmem>> -> memref<1x128x16xf32, #tpu.memory_space<vmem>>
      %dma_start3A_64 = tpu.memref_squeeze %dma_start3A_63 : memref<1x128x16xf32, #tpu.memory_space<vmem>> -> memref<128x16xf32, #tpu.memory_space<vmem>>
      %dma_start3A_65 = arith.constant 0 : i32
      %dma_start3A_66 = tpu.memref_slice %arg12[%add3A_44, %dma_start3A_65] : memref<10240x16xf32, #tpu.memory_space<vmem_shared>> -> memref<128x16xf32, #tpu.memory_space<vmem_shared>>
      %dma_start3A_67 = arith.constant 0 : i32
      %dma_start3A_68 = arith.constant 0 : i32
      %dma_start3A_69 = tpu.memref_slice %arg17[%run_scoped3A_47, %dma_start3A_67, %dma_start3A_68] : memref<2x128x16xf32, #tpu.memory_space<vmem>> -> memref<1x128x16xf32, #tpu.memory_space<vmem>>
      %dma_start3A_70 = tpu.memref_squeeze %dma_start3A_69 : memref<1x128x16xf32, #tpu.memory_space<vmem>> -> memref<128x16xf32, #tpu.memory_space<vmem>>
      %dma_start3A_71 = arith.constant 0 : i32
      %dma_start3A_72 = tpu.memref_slice %arg12[%add3A_44, %dma_start3A_71] : memref<10240x16xf32, #tpu.memory_space<vmem_shared>> -> memref<128x16xf32, #tpu.memory_space<vmem_shared>>
      tpu.enqueue_dma source(%dma_start3A_72 : memref<128x16xf32, #tpu.memory_space<vmem_shared>>) target(%dma_start3A_70 : memref<128x16xf32, #tpu.memory_space<vmem>>) target_semaphore(%run_scoped3A_61 : memref<!tpu.dma_semaphore, #tpu.memory_space<semaphore_mem>>)
      %dma_wait3A = arith.constant 0 : i32
      %dma_wait3A_73 = arith.constant 0 : i32
      %dma_wait3A_74 = tpu.memref_slice %arg17[%run_scoped3A_47, %dma_wait3A, %dma_wait3A_73] : memref<2x128x16xf32, #tpu.memory_space<vmem>> -> memref<1x128x16xf32, #tpu.memory_space<vmem>>
      %dma_wait3A_75 = tpu.memref_squeeze %dma_wait3A_74 : memref<1x128x16xf32, #tpu.memory_space<vmem>> -> memref<128x16xf32, #tpu.memory_space<vmem>>
      %dma_wait3A_76 = arith.constant 0 : i32
      %dma_wait3A_77 = tpu.memref_slice %arg12[%add3A_44, %dma_wait3A_76] : memref<10240x16xf32, #tpu.memory_space<vmem_shared>> -> memref<128x16xf32, #tpu.memory_space<vmem_shared>>
      %dma_wait3A_78 = arith.constant 0 : i32
      %dma_wait3A_79 = arith.constant 0 : i32
      %dma_wait3A_80 = tpu.memref_slice %arg17[%run_scoped3A_47, %dma_wait3A_78, %dma_wait3A_79] : memref<2x128x16xf32, #tpu.memory_space<vmem>> -> memref<1x128x16xf32, #tpu.memory_space<vmem>>
      %dma_wait3A_81 = tpu.memref_squeeze %dma_wait3A_80 : memref<1x128x16xf32, #tpu.memory_space<vmem>> -> memref<128x16xf32, #tpu.memory_space<vmem>>
      %dma_wait3A_82 = arith.constant 0 : i32
      %dma_wait3A_83 = tpu.memref_slice %arg12[%add3A_44, %dma_wait3A_82] : memref<10240x16xf32, #tpu.memory_space<vmem_shared>> -> memref<128x16xf32, #tpu.memory_space<vmem_shared>>
      tpu.wait_dma2 semaphore(%run_scoped3A_61 : memref<!tpu.dma_semaphore, #tpu.memory_space<semaphore_mem>>) src(%dma_wait3A_83 : memref<128x16xf32, #tpu.memory_space<vmem_shared>>) dst(%dma_wait3A_81 : memref<128x16xf32, #tpu.memory_space<vmem>>)
      tpu.yield
    }) : () -> ()
    %run_scoped3A_48 = arith.constant 0 : i32
    "tpu.region"() ({
      %run_scoped3A_61 = tpu.sem_alloc : memref<!tpu.dma_semaphore, #tpu.memory_space<semaphore_mem>>
      %dma_start3A = arith.constant 0 : i32
      %dma_start3A_62 = arith.constant 0 : i32
      %dma_start3A_63 = tpu.memref_slice %arg17[%run_scoped3A_48, %dma_start3A, %dma_start3A_62] : memref<2x128x16xf32, #tpu.memory_space<vmem>> -> memref<1x128x16xf32, #tpu.memory_space<vmem>>
      %dma_start3A_64 = tpu.memref_squeeze %dma_start3A_63 : memref<1x128x16xf32, #tpu.memory_space<vmem>> -> memref<128x16xf32, #tpu.memory_space<vmem>>
      %dma_start3A_65 = arith.constant 0 : i32
      %dma_start3A_66 = tpu.memref_slice %arg10[%arg0, %add3A_44, %dma_start3A_65] : memref<2x10240x16xf32, #tpu.memory_space<hbm>> -> memref<1x128x16xf32, #tpu.memory_space<hbm>>
      %dma_start3A_67 = tpu.memref_squeeze %dma_start3A_66 : memref<1x128x16xf32, #tpu.memory_space<hbm>> -> memref<128x16xf32, #tpu.memory_space<hbm>>
      %dma_start3A_68 = arith.constant 0 : i32
      %dma_start3A_69 = tpu.memref_slice %arg10[%arg0, %add3A_44, %dma_start3A_68] : memref<2x10240x16xf32, #tpu.memory_space<hbm>> -> memref<1x128x16xf32, #tpu.memory_space<hbm>>
      %dma_start3A_70 = tpu.memref_squeeze %dma_start3A_69 : memref<1x128x16xf32, #tpu.memory_space<hbm>> -> memref<128x16xf32, #tpu.memory_space<hbm>>
      %dma_start3A_71 = arith.constant 0 : i32
      %dma_start3A_72 = arith.constant 0 : i32
      %dma_start3A_73 = tpu.memref_slice %arg17[%run_scoped3A_48, %dma_start3A_71, %dma_start3A_72] : memref<2x128x16xf32, #tpu.memory_space<vmem>> -> memref<1x128x16xf32, #tpu.memory_space<vmem>>
      %dma_start3A_74 = tpu.memref_squeeze %dma_start3A_73 : memref<1x128x16xf32, #tpu.memory_space<vmem>> -> memref<128x16xf32, #tpu.memory_space<vmem>>
      tpu.enqueue_dma source(%dma_start3A_74 : memref<128x16xf32, #tpu.memory_space<vmem>>) target(%dma_start3A_70 : memref<128x16xf32, #tpu.memory_space<hbm>>) target_semaphore(%run_scoped3A_61 : memref<!tpu.dma_semaphore, #tpu.memory_space<semaphore_mem>>)
      %dma_wait3A = arith.constant 0 : i32
      %dma_wait3A_75 = arith.constant 0 : i32
      %dma_wait3A_76 = tpu.memref_slice %arg17[%run_scoped3A_48, %dma_wait3A, %dma_wait3A_75] : memref<2x128x16xf32, #tpu.memory_space<vmem>> -> memref<1x128x16xf32, #tpu.memory_space<vmem>>
      %dma_wait3A_77 = tpu.memref_squeeze %dma_wait3A_76 : memref<1x128x16xf32, #tpu.memory_space<vmem>> -> memref<128x16xf32, #tpu.memory_space<vmem>>
      %dma_wait3A_78 = arith.constant 0 : i32
      %dma_wait3A_79 = tpu.memref_slice %arg10[%arg0, %add3A_44, %dma_wait3A_78] : memref<2x10240x16xf32, #tpu.memory_space<hbm>> -> memref<1x128x16xf32, #tpu.memory_space<hbm>>
      %dma_wait3A_80 = tpu.memref_squeeze %dma_wait3A_79 : memref<1x128x16xf32, #tpu.memory_space<hbm>> -> memref<128x16xf32, #tpu.memory_space<hbm>>
      %dma_wait3A_81 = arith.constant 0 : i32
      %dma_wait3A_82 = tpu.memref_slice %arg10[%arg0, %add3A_44, %dma_wait3A_81] : memref<2x10240x16xf32, #tpu.memory_space<hbm>> -> memref<1x128x16xf32, #tpu.memory_space<hbm>>
      %dma_wait3A_83 = tpu.memref_squeeze %dma_wait3A_82 : memref<1x128x16xf32, #tpu.memory_space<hbm>> -> memref<128x16xf32, #tpu.memory_space<hbm>>
      %dma_wait3A_84 = arith.constant 0 : i32
      %dma_wait3A_85 = arith.constant 0 : i32
      %dma_wait3A_86 = tpu.memref_slice %arg17[%run_scoped3A_48, %dma_wait3A_84, %dma_wait3A_85] : memref<2x128x16xf32, #tpu.memory_space<vmem>> -> memref<1x128x16xf32, #tpu.memory_space<vmem>>
      %dma_wait3A_87 = tpu.memref_squeeze %dma_wait3A_86 : memref<1x128x16xf32, #tpu.memory_space<vmem>> -> memref<128x16xf32, #tpu.memory_space<vmem>>
      tpu.wait_dma2 semaphore(%run_scoped3A_61 : memref<!tpu.dma_semaphore, #tpu.memory_space<semaphore_mem>>) src(%dma_wait3A_87 : memref<128x16xf32, #tpu.memory_space<vmem>>) dst(%dma_wait3A_83 : memref<128x16xf32, #tpu.memory_space<hbm>>)
      tpu.yield
    }) : () -> ()
    %add3A_49 = arith.constant 384 : i32
    %add3A_50 = arith.addi %mul3A_2, %add3A_49 : i32
    %run_scoped3A_51 = arith.constant 0 : i32
    "tpu.region"() ({
      %run_scoped3A_61 = tpu.sem_alloc : memref<!tpu.dma_semaphore, #tpu.memory_space<semaphore_mem>>
      %dma_start3A = arith.constant 0 : i32
      %dma_start3A_62 = arith.constant 0 : i32
      %dma_start3A_63 = tpu.memref_slice %arg16[%run_scoped3A_51, %dma_start3A, %dma_start3A_62] : memref<2x128x128xf32, #tpu.memory_space<vmem>> -> memref<1x128x128xf32, #tpu.memory_space<vmem>>
      %dma_start3A_64 = tpu.memref_squeeze %dma_start3A_63 : memref<1x128x128xf32, #tpu.memory_space<vmem>> -> memref<128x128xf32, #tpu.memory_space<vmem>>
      %dma_start3A_65 = arith.constant 0 : i32
      %dma_start3A_66 = tpu.memref_slice %arg11[%add3A_50, %dma_start3A_65] : memref<10240x128xf32, #tpu.memory_space<vmem_shared>> -> memref<128x128xf32, #tpu.memory_space<vmem_shared>>
      %dma_start3A_67 = arith.constant 0 : i32
      %dma_start3A_68 = arith.constant 0 : i32
      %dma_start3A_69 = tpu.memref_slice %arg16[%run_scoped3A_51, %dma_start3A_67, %dma_start3A_68] : memref<2x128x128xf32, #tpu.memory_space<vmem>> -> memref<1x128x128xf32, #tpu.memory_space<vmem>>
      %dma_start3A_70 = tpu.memref_squeeze %dma_start3A_69 : memref<1x128x128xf32, #tpu.memory_space<vmem>> -> memref<128x128xf32, #tpu.memory_space<vmem>>
      %dma_start3A_71 = arith.constant 0 : i32
      %dma_start3A_72 = tpu.memref_slice %arg11[%add3A_50, %dma_start3A_71] : memref<10240x128xf32, #tpu.memory_space<vmem_shared>> -> memref<128x128xf32, #tpu.memory_space<vmem_shared>>
      tpu.enqueue_dma source(%dma_start3A_72 : memref<128x128xf32, #tpu.memory_space<vmem_shared>>) target(%dma_start3A_70 : memref<128x128xf32, #tpu.memory_space<vmem>>) target_semaphore(%run_scoped3A_61 : memref<!tpu.dma_semaphore, #tpu.memory_space<semaphore_mem>>)
      %dma_wait3A = arith.constant 0 : i32
      %dma_wait3A_73 = arith.constant 0 : i32
      %dma_wait3A_74 = tpu.memref_slice %arg16[%run_scoped3A_51, %dma_wait3A, %dma_wait3A_73] : memref<2x128x128xf32, #tpu.memory_space<vmem>> -> memref<1x128x128xf32, #tpu.memory_space<vmem>>
      %dma_wait3A_75 = tpu.memref_squeeze %dma_wait3A_74 : memref<1x128x128xf32, #tpu.memory_space<vmem>> -> memref<128x128xf32, #tpu.memory_space<vmem>>
      %dma_wait3A_76 = arith.constant 0 : i32
      %dma_wait3A_77 = tpu.memref_slice %arg11[%add3A_50, %dma_wait3A_76] : memref<10240x128xf32, #tpu.memory_space<vmem_shared>> -> memref<128x128xf32, #tpu.memory_space<vmem_shared>>
      %dma_wait3A_78 = arith.constant 0 : i32
      %dma_wait3A_79 = arith.constant 0 : i32
      %dma_wait3A_80 = tpu.memref_slice %arg16[%run_scoped3A_51, %dma_wait3A_78, %dma_wait3A_79] : memref<2x128x128xf32, #tpu.memory_space<vmem>> -> memref<1x128x128xf32, #tpu.memory_space<vmem>>
      %dma_wait3A_81 = tpu.memref_squeeze %dma_wait3A_80 : memref<1x128x128xf32, #tpu.memory_space<vmem>> -> memref<128x128xf32, #tpu.memory_space<vmem>>
      %dma_wait3A_82 = arith.constant 0 : i32
      %dma_wait3A_83 = tpu.memref_slice %arg11[%add3A_50, %dma_wait3A_82] : memref<10240x128xf32, #tpu.memory_space<vmem_shared>> -> memref<128x128xf32, #tpu.memory_space<vmem_shared>>
      tpu.wait_dma2 semaphore(%run_scoped3A_61 : memref<!tpu.dma_semaphore, #tpu.memory_space<semaphore_mem>>) src(%dma_wait3A_83 : memref<128x128xf32, #tpu.memory_space<vmem_shared>>) dst(%dma_wait3A_81 : memref<128x128xf32, #tpu.memory_space<vmem>>)
      tpu.yield
    }) : () -> ()
    %run_scoped3A_52 = arith.constant 0 : i32
    "tpu.region"() ({
      %run_scoped3A_61 = tpu.sem_alloc : memref<!tpu.dma_semaphore, #tpu.memory_space<semaphore_mem>>
      %dma_start3A = arith.constant 0 : i32
      %dma_start3A_62 = arith.constant 0 : i32
      %dma_start3A_63 = tpu.memref_slice %arg16[%run_scoped3A_52, %dma_start3A, %dma_start3A_62] : memref<2x128x128xf32, #tpu.memory_space<vmem>> -> memref<1x128x128xf32, #tpu.memory_space<vmem>>
      %dma_start3A_64 = tpu.memref_squeeze %dma_start3A_63 : memref<1x128x128xf32, #tpu.memory_space<vmem>> -> memref<128x128xf32, #tpu.memory_space<vmem>>
      %dma_start3A_65 = arith.constant 0 : i32
      %dma_start3A_66 = tpu.memref_slice %arg9[%arg0, %add3A_50, %dma_start3A_65] : memref<2x10240x128xf32, #tpu.memory_space<hbm>> -> memref<1x128x128xf32, #tpu.memory_space<hbm>>
      %dma_start3A_67 = tpu.memref_squeeze %dma_start3A_66 : memref<1x128x128xf32, #tpu.memory_space<hbm>> -> memref<128x128xf32, #tpu.memory_space<hbm>>
      %dma_start3A_68 = arith.constant 0 : i32
      %dma_start3A_69 = tpu.memref_slice %arg9[%arg0, %add3A_50, %dma_start3A_68] : memref<2x10240x128xf32, #tpu.memory_space<hbm>> -> memref<1x128x128xf32, #tpu.memory_space<hbm>>
      %dma_start3A_70 = tpu.memref_squeeze %dma_start3A_69 : memref<1x128x128xf32, #tpu.memory_space<hbm>> -> memref<128x128xf32, #tpu.memory_space<hbm>>
      %dma_start3A_71 = arith.constant 0 : i32
      %dma_start3A_72 = arith.constant 0 : i32
      %dma_start3A_73 = tpu.memref_slice %arg16[%run_scoped3A_52, %dma_start3A_71, %dma_start3A_72] : memref<2x128x128xf32, #tpu.memory_space<vmem>> -> memref<1x128x128xf32, #tpu.memory_space<vmem>>
      %dma_start3A_74 = tpu.memref_squeeze %dma_start3A_73 : memref<1x128x128xf32, #tpu.memory_space<vmem>> -> memref<128x128xf32, #tpu.memory_space<vmem>>
      tpu.enqueue_dma source(%dma_start3A_74 : memref<128x128xf32, #tpu.memory_space<vmem>>) target(%dma_start3A_70 : memref<128x128xf32, #tpu.memory_space<hbm>>) target_semaphore(%run_scoped3A_61 : memref<!tpu.dma_semaphore, #tpu.memory_space<semaphore_mem>>)
      %dma_wait3A = arith.constant 0 : i32
      %dma_wait3A_75 = arith.constant 0 : i32
      %dma_wait3A_76 = tpu.memref_slice %arg16[%run_scoped3A_52, %dma_wait3A, %dma_wait3A_75] : memref<2x128x128xf32, #tpu.memory_space<vmem>> -> memref<1x128x128xf32, #tpu.memory_space<vmem>>
      %dma_wait3A_77 = tpu.memref_squeeze %dma_wait3A_76 : memref<1x128x128xf32, #tpu.memory_space<vmem>> -> memref<128x128xf32, #tpu.memory_space<vmem>>
      %dma_wait3A_78 = arith.constant 0 : i32
      %dma_wait3A_79 = tpu.memref_slice %arg9[%arg0, %add3A_50, %dma_wait3A_78] : memref<2x10240x128xf32, #tpu.memory_space<hbm>> -> memref<1x128x128xf32, #tpu.memory_space<hbm>>
      %dma_wait3A_80 = tpu.memref_squeeze %dma_wait3A_79 : memref<1x128x128xf32, #tpu.memory_space<hbm>> -> memref<128x128xf32, #tpu.memory_space<hbm>>
      %dma_wait3A_81 = arith.constant 0 : i32
      %dma_wait3A_82 = tpu.memref_slice %arg9[%arg0, %add3A_50, %dma_wait3A_81] : memref<2x10240x128xf32, #tpu.memory_space<hbm>> -> memref<1x128x128xf32, #tpu.memory_space<hbm>>
      %dma_wait3A_83 = tpu.memref_squeeze %dma_wait3A_82 : memref<1x128x128xf32, #tpu.memory_space<hbm>> -> memref<128x128xf32, #tpu.memory_space<hbm>>
      %dma_wait3A_84 = arith.constant 0 : i32
      %dma_wait3A_85 = arith.constant 0 : i32
      %dma_wait3A_86 = tpu.memref_slice %arg16[%run_scoped3A_52, %dma_wait3A_84, %dma_wait3A_85] : memref<2x128x128xf32, #tpu.memory_space<vmem>> -> memref<1x128x128xf32, #tpu.memory_space<vmem>>
      %dma_wait3A_87 = tpu.memref_squeeze %dma_wait3A_86 : memref<1x128x128xf32, #tpu.memory_space<vmem>> -> memref<128x128xf32, #tpu.memory_space<vmem>>
      tpu.wait_dma2 semaphore(%run_scoped3A_61 : memref<!tpu.dma_semaphore, #tpu.memory_space<semaphore_mem>>) src(%dma_wait3A_87 : memref<128x128xf32, #tpu.memory_space<vmem>>) dst(%dma_wait3A_83 : memref<128x128xf32, #tpu.memory_space<hbm>>)
      tpu.yield
    }) : () -> ()
    %run_scoped3A_53 = arith.constant 0 : i32
    "tpu.region"() ({
      %run_scoped3A_61 = tpu.sem_alloc : memref<!tpu.dma_semaphore, #tpu.memory_space<semaphore_mem>>
      %dma_start3A = arith.constant 0 : i32
      %dma_start3A_62 = arith.constant 0 : i32
      %dma_start3A_63 = tpu.memref_slice %arg17[%run_scoped3A_53, %dma_start3A, %dma_start3A_62] : memref<2x128x16xf32, #tpu.memory_space<vmem>> -> memref<1x128x16xf32, #tpu.memory_space<vmem>>
      %dma_start3A_64 = tpu.memref_squeeze %dma_start3A_63 : memref<1x128x16xf32, #tpu.memory_space<vmem>> -> memref<128x16xf32, #tpu.memory_space<vmem>>
      %dma_start3A_65 = arith.constant 0 : i32
      %dma_start3A_66 = tpu.memref_slice %arg12[%add3A_50, %dma_start3A_65] : memref<10240x16xf32, #tpu.memory_space<vmem_shared>> -> memref<128x16xf32, #tpu.memory_space<vmem_shared>>
      %dma_start3A_67 = arith.constant 0 : i32
      %dma_start3A_68 = arith.constant 0 : i32
      %dma_start3A_69 = tpu.memref_slice %arg17[%run_scoped3A_53, %dma_start3A_67, %dma_start3A_68] : memref<2x128x16xf32, #tpu.memory_space<vmem>> -> memref<1x128x16xf32, #tpu.memory_space<vmem>>
      %dma_start3A_70 = tpu.memref_squeeze %dma_start3A_69 : memref<1x128x16xf32, #tpu.memory_space<vmem>> -> memref<128x16xf32, #tpu.memory_space<vmem>>
      %dma_start3A_71 = arith.constant 0 : i32
      %dma_start3A_72 = tpu.memref_slice %arg12[%add3A_50, %dma_start3A_71] : memref<10240x16xf32, #tpu.memory_space<vmem_shared>> -> memref<128x16xf32, #tpu.memory_space<vmem_shared>>
      tpu.enqueue_dma source(%dma_start3A_72 : memref<128x16xf32, #tpu.memory_space<vmem_shared>>) target(%dma_start3A_70 : memref<128x16xf32, #tpu.memory_space<vmem>>) target_semaphore(%run_scoped3A_61 : memref<!tpu.dma_semaphore, #tpu.memory_space<semaphore_mem>>)
      %dma_wait3A = arith.constant 0 : i32
      %dma_wait3A_73 = arith.constant 0 : i32
      %dma_wait3A_74 = tpu.memref_slice %arg17[%run_scoped3A_53, %dma_wait3A, %dma_wait3A_73] : memref<2x128x16xf32, #tpu.memory_space<vmem>> -> memref<1x128x16xf32, #tpu.memory_space<vmem>>
      %dma_wait3A_75 = tpu.memref_squeeze %dma_wait3A_74 : memref<1x128x16xf32, #tpu.memory_space<vmem>> -> memref<128x16xf32, #tpu.memory_space<vmem>>
      %dma_wait3A_76 = arith.constant 0 : i32
      %dma_wait3A_77 = tpu.memref_slice %arg12[%add3A_50, %dma_wait3A_76] : memref<10240x16xf32, #tpu.memory_space<vmem_shared>> -> memref<128x16xf32, #tpu.memory_space<vmem_shared>>
      %dma_wait3A_78 = arith.constant 0 : i32
      %dma_wait3A_79 = arith.constant 0 : i32
      %dma_wait3A_80 = tpu.memref_slice %arg17[%run_scoped3A_53, %dma_wait3A_78, %dma_wait3A_79] : memref<2x128x16xf32, #tpu.memory_space<vmem>> -> memref<1x128x16xf32, #tpu.memory_space<vmem>>
      %dma_wait3A_81 = tpu.memref_squeeze %dma_wait3A_80 : memref<1x128x16xf32, #tpu.memory_space<vmem>> -> memref<128x16xf32, #tpu.memory_space<vmem>>
      %dma_wait3A_82 = arith.constant 0 : i32
      %dma_wait3A_83 = tpu.memref_slice %arg12[%add3A_50, %dma_wait3A_82] : memref<10240x16xf32, #tpu.memory_space<vmem_shared>> -> memref<128x16xf32, #tpu.memory_space<vmem_shared>>
      tpu.wait_dma2 semaphore(%run_scoped3A_61 : memref<!tpu.dma_semaphore, #tpu.memory_space<semaphore_mem>>) src(%dma_wait3A_83 : memref<128x16xf32, #tpu.memory_space<vmem_shared>>) dst(%dma_wait3A_81 : memref<128x16xf32, #tpu.memory_space<vmem>>)
      tpu.yield
    }) : () -> ()
    %run_scoped3A_54 = arith.constant 0 : i32
    "tpu.region"() ({
      %run_scoped3A_61 = tpu.sem_alloc : memref<!tpu.dma_semaphore, #tpu.memory_space<semaphore_mem>>
      %dma_start3A = arith.constant 0 : i32
      %dma_start3A_62 = arith.constant 0 : i32
      %dma_start3A_63 = tpu.memref_slice %arg17[%run_scoped3A_54, %dma_start3A, %dma_start3A_62] : memref<2x128x16xf32, #tpu.memory_space<vmem>> -> memref<1x128x16xf32, #tpu.memory_space<vmem>>
      %dma_start3A_64 = tpu.memref_squeeze %dma_start3A_63 : memref<1x128x16xf32, #tpu.memory_space<vmem>> -> memref<128x16xf32, #tpu.memory_space<vmem>>
      %dma_start3A_65 = arith.constant 0 : i32
      %dma_start3A_66 = tpu.memref_slice %arg10[%arg0, %add3A_50, %dma_start3A_65] : memref<2x10240x16xf32, #tpu.memory_space<hbm>> -> memref<1x128x16xf32, #tpu.memory_space<hbm>>
      %dma_start3A_67 = tpu.memref_squeeze %dma_start3A_66 : memref<1x128x16xf32, #tpu.memory_space<hbm>> -> memref<128x16xf32, #tpu.memory_space<hbm>>
      %dma_start3A_68 = arith.constant 0 : i32
      %dma_start3A_69 = tpu.memref_slice %arg10[%arg0, %add3A_50, %dma_start3A_68] : memref<2x10240x16xf32, #tpu.memory_space<hbm>> -> memref<1x128x16xf32, #tpu.memory_space<hbm>>
      %dma_start3A_70 = tpu.memref_squeeze %dma_start3A_69 : memref<1x128x16xf32, #tpu.memory_space<hbm>> -> memref<128x16xf32, #tpu.memory_space<hbm>>
      %dma_start3A_71 = arith.constant 0 : i32
      %dma_start3A_72 = arith.constant 0 : i32
      %dma_start3A_73 = tpu.memref_slice %arg17[%run_scoped3A_54, %dma_start3A_71, %dma_start3A_72] : memref<2x128x16xf32, #tpu.memory_space<vmem>> -> memref<1x128x16xf32, #tpu.memory_space<vmem>>
      %dma_start3A_74 = tpu.memref_squeeze %dma_start3A_73 : memref<1x128x16xf32, #tpu.memory_space<vmem>> -> memref<128x16xf32, #tpu.memory_space<vmem>>
      tpu.enqueue_dma source(%dma_start3A_74 : memref<128x16xf32, #tpu.memory_space<vmem>>) target(%dma_start3A_70 : memref<128x16xf32, #tpu.memory_space<hbm>>) target_semaphore(%run_scoped3A_61 : memref<!tpu.dma_semaphore, #tpu.memory_space<semaphore_mem>>)
      %dma_wait3A = arith.constant 0 : i32
      %dma_wait3A_75 = arith.constant 0 : i32
      %dma_wait3A_76 = tpu.memref_slice %arg17[%run_scoped3A_54, %dma_wait3A, %dma_wait3A_75] : memref<2x128x16xf32, #tpu.memory_space<vmem>> -> memref<1x128x16xf32, #tpu.memory_space<vmem>>
      %dma_wait3A_77 = tpu.memref_squeeze %dma_wait3A_76 : memref<1x128x16xf32, #tpu.memory_space<vmem>> -> memref<128x16xf32, #tpu.memory_space<vmem>>
      %dma_wait3A_78 = arith.constant 0 : i32
      %dma_wait3A_79 = tpu.memref_slice %arg10[%arg0, %add3A_50, %dma_wait3A_78] : memref<2x10240x16xf32, #tpu.memory_space<hbm>> -> memref<1x128x16xf32, #tpu.memory_space<hbm>>
      %dma_wait3A_80 = tpu.memref_squeeze %dma_wait3A_79 : memref<1x128x16xf32, #tpu.memory_space<hbm>> -> memref<128x16xf32, #tpu.memory_space<hbm>>
      %dma_wait3A_81 = arith.constant 0 : i32
      %dma_wait3A_82 = tpu.memref_slice %arg10[%arg0, %add3A_50, %dma_wait3A_81] : memref<2x10240x16xf32, #tpu.memory_space<hbm>> -> memref<1x128x16xf32, #tpu.memory_space<hbm>>
      %dma_wait3A_83 = tpu.memref_squeeze %dma_wait3A_82 : memref<1x128x16xf32, #tpu.memory_space<hbm>> -> memref<128x16xf32, #tpu.memory_space<hbm>>
      %dma_wait3A_84 = arith.constant 0 : i32
      %dma_wait3A_85 = arith.constant 0 : i32
      %dma_wait3A_86 = tpu.memref_slice %arg17[%run_scoped3A_54, %dma_wait3A_84, %dma_wait3A_85] : memref<2x128x16xf32, #tpu.memory_space<vmem>> -> memref<1x128x16xf32, #tpu.memory_space<vmem>>
      %dma_wait3A_87 = tpu.memref_squeeze %dma_wait3A_86 : memref<1x128x16xf32, #tpu.memory_space<vmem>> -> memref<128x16xf32, #tpu.memory_space<vmem>>
      tpu.wait_dma2 semaphore(%run_scoped3A_61 : memref<!tpu.dma_semaphore, #tpu.memory_space<semaphore_mem>>) src(%dma_wait3A_87 : memref<128x16xf32, #tpu.memory_space<vmem>>) dst(%dma_wait3A_83 : memref<128x16xf32, #tpu.memory_space<hbm>>)
      tpu.yield
    }) : () -> ()
    %add3A_55 = arith.constant 512 : i32
    %add3A_56 = arith.addi %mul3A_2, %add3A_55 : i32
    %run_scoped3A_57 = arith.constant 0 : i32
    "tpu.region"() ({
      %run_scoped3A_61 = tpu.sem_alloc : memref<!tpu.dma_semaphore, #tpu.memory_space<semaphore_mem>>
      %dma_start3A = arith.constant 0 : i32
      %dma_start3A_62 = arith.constant 0 : i32
      %dma_start3A_63 = tpu.memref_slice %arg16[%run_scoped3A_57, %dma_start3A, %dma_start3A_62] : memref<2x128x128xf32, #tpu.memory_space<vmem>> -> memref<1x128x128xf32, #tpu.memory_space<vmem>>
      %dma_start3A_64 = tpu.memref_squeeze %dma_start3A_63 : memref<1x128x128xf32, #tpu.memory_space<vmem>> -> memref<128x128xf32, #tpu.memory_space<vmem>>
      %dma_start3A_65 = arith.constant 0 : i32
      %dma_start3A_66 = tpu.memref_slice %arg11[%add3A_56, %dma_start3A_65] : memref<10240x128xf32, #tpu.memory_space<vmem_shared>> -> memref<128x128xf32, #tpu.memory_space<vmem_shared>>
      %dma_start3A_67 = arith.constant 0 : i32
      %dma_start3A_68 = arith.constant 0 : i32
      %dma_start3A_69 = tpu.memref_slice %arg16[%run_scoped3A_57, %dma_start3A_67, %dma_start3A_68] : memref<2x128x128xf32, #tpu.memory_space<vmem>> -> memref<1x128x128xf32, #tpu.memory_space<vmem>>
      %dma_start3A_70 = tpu.memref_squeeze %dma_start3A_69 : memref<1x128x128xf32, #tpu.memory_space<vmem>> -> memref<128x128xf32, #tpu.memory_space<vmem>>
      %dma_start3A_71 = arith.constant 0 : i32
      %dma_start3A_72 = tpu.memref_slice %arg11[%add3A_56, %dma_start3A_71] : memref<10240x128xf32, #tpu.memory_space<vmem_shared>> -> memref<128x128xf32, #tpu.memory_space<vmem_shared>>
      tpu.enqueue_dma source(%dma_start3A_72 : memref<128x128xf32, #tpu.memory_space<vmem_shared>>) target(%dma_start3A_70 : memref<128x128xf32, #tpu.memory_space<vmem>>) target_semaphore(%run_scoped3A_61 : memref<!tpu.dma_semaphore, #tpu.memory_space<semaphore_mem>>)
      %dma_wait3A = arith.constant 0 : i32
      %dma_wait3A_73 = arith.constant 0 : i32
      %dma_wait3A_74 = tpu.memref_slice %arg16[%run_scoped3A_57, %dma_wait3A, %dma_wait3A_73] : memref<2x128x128xf32, #tpu.memory_space<vmem>> -> memref<1x128x128xf32, #tpu.memory_space<vmem>>
      %dma_wait3A_75 = tpu.memref_squeeze %dma_wait3A_74 : memref<1x128x128xf32, #tpu.memory_space<vmem>> -> memref<128x128xf32, #tpu.memory_space<vmem>>
      %dma_wait3A_76 = arith.constant 0 : i32
      %dma_wait3A_77 = tpu.memref_slice %arg11[%add3A_56, %dma_wait3A_76] : memref<10240x128xf32, #tpu.memory_space<vmem_shared>> -> memref<128x128xf32, #tpu.memory_space<vmem_shared>>
      %dma_wait3A_78 = arith.constant 0 : i32
      %dma_wait3A_79 = arith.constant 0 : i32
      %dma_wait3A_80 = tpu.memref_slice %arg16[%run_scoped3A_57, %dma_wait3A_78, %dma_wait3A_79] : memref<2x128x128xf32, #tpu.memory_space<vmem>> -> memref<1x128x128xf32, #tpu.memory_space<vmem>>
      %dma_wait3A_81 = tpu.memref_squeeze %dma_wait3A_80 : memref<1x128x128xf32, #tpu.memory_space<vmem>> -> memref<128x128xf32, #tpu.memory_space<vmem>>
      %dma_wait3A_82 = arith.constant 0 : i32
      %dma_wait3A_83 = tpu.memref_slice %arg11[%add3A_56, %dma_wait3A_82] : memref<10240x128xf32, #tpu.memory_space<vmem_shared>> -> memref<128x128xf32, #tpu.memory_space<vmem_shared>>
      tpu.wait_dma2 semaphore(%run_scoped3A_61 : memref<!tpu.dma_semaphore, #tpu.memory_space<semaphore_mem>>) src(%dma_wait3A_83 : memref<128x128xf32, #tpu.memory_space<vmem_shared>>) dst(%dma_wait3A_81 : memref<128x128xf32, #tpu.memory_space<vmem>>)
      tpu.yield
    }) : () -> ()
    %run_scoped3A_58 = arith.constant 0 : i32
    "tpu.region"() ({
      %run_scoped3A_61 = tpu.sem_alloc : memref<!tpu.dma_semaphore, #tpu.memory_space<semaphore_mem>>
      %dma_start3A = arith.constant 0 : i32
      %dma_start3A_62 = arith.constant 0 : i32
      %dma_start3A_63 = tpu.memref_slice %arg16[%run_scoped3A_58, %dma_start3A, %dma_start3A_62] : memref<2x128x128xf32, #tpu.memory_space<vmem>> -> memref<1x128x128xf32, #tpu.memory_space<vmem>>
      %dma_start3A_64 = tpu.memref_squeeze %dma_start3A_63 : memref<1x128x128xf32, #tpu.memory_space<vmem>> -> memref<128x128xf32, #tpu.memory_space<vmem>>
      %dma_start3A_65 = arith.constant 0 : i32
      %dma_start3A_66 = tpu.memref_slice %arg9[%arg0, %add3A_56, %dma_start3A_65] : memref<2x10240x128xf32, #tpu.memory_space<hbm>> -> memref<1x128x128xf32, #tpu.memory_space<hbm>>
      %dma_start3A_67 = tpu.memref_squeeze %dma_start3A_66 : memref<1x128x128xf32, #tpu.memory_space<hbm>> -> memref<128x128xf32, #tpu.memory_space<hbm>>
      %dma_start3A_68 = arith.constant 0 : i32
      %dma_start3A_69 = tpu.memref_slice %arg9[%arg0, %add3A_56, %dma_start3A_68] : memref<2x10240x128xf32, #tpu.memory_space<hbm>> -> memref<1x128x128xf32, #tpu.memory_space<hbm>>
      %dma_start3A_70 = tpu.memref_squeeze %dma_start3A_69 : memref<1x128x128xf32, #tpu.memory_space<hbm>> -> memref<128x128xf32, #tpu.memory_space<hbm>>
      %dma_start3A_71 = arith.constant 0 : i32
      %dma_start3A_72 = arith.constant 0 : i32
      %dma_start3A_73 = tpu.memref_slice %arg16[%run_scoped3A_58, %dma_start3A_71, %dma_start3A_72] : memref<2x128x128xf32, #tpu.memory_space<vmem>> -> memref<1x128x128xf32, #tpu.memory_space<vmem>>
      %dma_start3A_74 = tpu.memref_squeeze %dma_start3A_73 : memref<1x128x128xf32, #tpu.memory_space<vmem>> -> memref<128x128xf32, #tpu.memory_space<vmem>>
      tpu.enqueue_dma source(%dma_start3A_74 : memref<128x128xf32, #tpu.memory_space<vmem>>) target(%dma_start3A_70 : memref<128x128xf32, #tpu.memory_space<hbm>>) target_semaphore(%run_scoped3A_61 : memref<!tpu.dma_semaphore, #tpu.memory_space<semaphore_mem>>)
      %dma_wait3A = arith.constant 0 : i32
      %dma_wait3A_75 = arith.constant 0 : i32
      %dma_wait3A_76 = tpu.memref_slice %arg16[%run_scoped3A_58, %dma_wait3A, %dma_wait3A_75] : memref<2x128x128xf32, #tpu.memory_space<vmem>> -> memref<1x128x128xf32, #tpu.memory_space<vmem>>
      %dma_wait3A_77 = tpu.memref_squeeze %dma_wait3A_76 : memref<1x128x128xf32, #tpu.memory_space<vmem>> -> memref<128x128xf32, #tpu.memory_space<vmem>>
      %dma_wait3A_78 = arith.constant 0 : i32
      %dma_wait3A_79 = tpu.memref_slice %arg9[%arg0, %add3A_56, %dma_wait3A_78] : memref<2x10240x128xf32, #tpu.memory_space<hbm>> -> memref<1x128x128xf32, #tpu.memory_space<hbm>>
      %dma_wait3A_80 = tpu.memref_squeeze %dma_wait3A_79 : memref<1x128x128xf32, #tpu.memory_space<hbm>> -> memref<128x128xf32, #tpu.memory_space<hbm>>
      %dma_wait3A_81 = arith.constant 0 : i32
      %dma_wait3A_82 = tpu.memref_slice %arg9[%arg0, %add3A_56, %dma_wait3A_81] : memref<2x10240x128xf32, #tpu.memory_space<hbm>> -> memref<1x128x128xf32, #tpu.memory_space<hbm>>
      %dma_wait3A_83 = tpu.memref_squeeze %dma_wait3A_82 : memref<1x128x128xf32, #tpu.memory_space<hbm>> -> memref<128x128xf32, #tpu.memory_space<hbm>>
      %dma_wait3A_84 = arith.constant 0 : i32
      %dma_wait3A_85 = arith.constant 0 : i32
      %dma_wait3A_86 = tpu.memref_slice %arg16[%run_scoped3A_58, %dma_wait3A_84, %dma_wait3A_85] : memref<2x128x128xf32, #tpu.memory_space<vmem>> -> memref<1x128x128xf32, #tpu.memory_space<vmem>>
      %dma_wait3A_87 = tpu.memref_squeeze %dma_wait3A_86 : memref<1x128x128xf32, #tpu.memory_space<vmem>> -> memref<128x128xf32, #tpu.memory_space<vmem>>
      tpu.wait_dma2 semaphore(%run_scoped3A_61 : memref<!tpu.dma_semaphore, #tpu.memory_space<semaphore_mem>>) src(%dma_wait3A_87 : memref<128x128xf32, #tpu.memory_space<vmem>>) dst(%dma_wait3A_83 : memref<128x128xf32, #tpu.memory_space<hbm>>)
      tpu.yield
    }) : () -> ()
    %run_scoped3A_59 = arith.constant 0 : i32
    "tpu.region"() ({
      %run_scoped3A_61 = tpu.sem_alloc : memref<!tpu.dma_semaphore, #tpu.memory_space<semaphore_mem>>
      %dma_start3A = arith.constant 0 : i32
      %dma_start3A_62 = arith.constant 0 : i32
      %dma_start3A_63 = tpu.memref_slice %arg17[%run_scoped3A_59, %dma_start3A, %dma_start3A_62] : memref<2x128x16xf32, #tpu.memory_space<vmem>> -> memref<1x128x16xf32, #tpu.memory_space<vmem>>
      %dma_start3A_64 = tpu.memref_squeeze %dma_start3A_63 : memref<1x128x16xf32, #tpu.memory_space<vmem>> -> memref<128x16xf32, #tpu.memory_space<vmem>>
      %dma_start3A_65 = arith.constant 0 : i32
      %dma_start3A_66 = tpu.memref_slice %arg12[%add3A_56, %dma_start3A_65] : memref<10240x16xf32, #tpu.memory_space<vmem_shared>> -> memref<128x16xf32, #tpu.memory_space<vmem_shared>>
      %dma_start3A_67 = arith.constant 0 : i32
      %dma_start3A_68 = arith.constant 0 : i32
      %dma_start3A_69 = tpu.memref_slice %arg17[%run_scoped3A_59, %dma_start3A_67, %dma_start3A_68] : memref<2x128x16xf32, #tpu.memory_space<vmem>> -> memref<1x128x16xf32, #tpu.memory_space<vmem>>
      %dma_start3A_70 = tpu.memref_squeeze %dma_start3A_69 : memref<1x128x16xf32, #tpu.memory_space<vmem>> -> memref<128x16xf32, #tpu.memory_space<vmem>>
      %dma_start3A_71 = arith.constant 0 : i32
      %dma_start3A_72 = tpu.memref_slice %arg12[%add3A_56, %dma_start3A_71] : memref<10240x16xf32, #tpu.memory_space<vmem_shared>> -> memref<128x16xf32, #tpu.memory_space<vmem_shared>>
      tpu.enqueue_dma source(%dma_start3A_72 : memref<128x16xf32, #tpu.memory_space<vmem_shared>>) target(%dma_start3A_70 : memref<128x16xf32, #tpu.memory_space<vmem>>) target_semaphore(%run_scoped3A_61 : memref<!tpu.dma_semaphore, #tpu.memory_space<semaphore_mem>>)
      %dma_wait3A = arith.constant 0 : i32
      %dma_wait3A_73 = arith.constant 0 : i32
      %dma_wait3A_74 = tpu.memref_slice %arg17[%run_scoped3A_59, %dma_wait3A, %dma_wait3A_73] : memref<2x128x16xf32, #tpu.memory_space<vmem>> -> memref<1x128x16xf32, #tpu.memory_space<vmem>>
      %dma_wait3A_75 = tpu.memref_squeeze %dma_wait3A_74 : memref<1x128x16xf32, #tpu.memory_space<vmem>> -> memref<128x16xf32, #tpu.memory_space<vmem>>
      %dma_wait3A_76 = arith.constant 0 : i32
      %dma_wait3A_77 = tpu.memref_slice %arg12[%add3A_56, %dma_wait3A_76] : memref<10240x16xf32, #tpu.memory_space<vmem_shared>> -> memref<128x16xf32, #tpu.memory_space<vmem_shared>>
      %dma_wait3A_78 = arith.constant 0 : i32
      %dma_wait3A_79 = arith.constant 0 : i32
      %dma_wait3A_80 = tpu.memref_slice %arg17[%run_scoped3A_59, %dma_wait3A_78, %dma_wait3A_79] : memref<2x128x16xf32, #tpu.memory_space<vmem>> -> memref<1x128x16xf32, #tpu.memory_space<vmem>>
      %dma_wait3A_81 = tpu.memref_squeeze %dma_wait3A_80 : memref<1x128x16xf32, #tpu.memory_space<vmem>> -> memref<128x16xf32, #tpu.memory_space<vmem>>
      %dma_wait3A_82 = arith.constant 0 : i32
      %dma_wait3A_83 = tpu.memref_slice %arg12[%add3A_56, %dma_wait3A_82] : memref<10240x16xf32, #tpu.memory_space<vmem_shared>> -> memref<128x16xf32, #tpu.memory_space<vmem_shared>>
      tpu.wait_dma2 semaphore(%run_scoped3A_61 : memref<!tpu.dma_semaphore, #tpu.memory_space<semaphore_mem>>) src(%dma_wait3A_83 : memref<128x16xf32, #tpu.memory_space<vmem_shared>>) dst(%dma_wait3A_81 : memref<128x16xf32, #tpu.memory_space<vmem>>)
      tpu.yield
    }) : () -> ()
    %run_scoped3A_60 = arith.constant 0 : i32
    "tpu.region"() ({
      %run_scoped3A_61 = tpu.sem_alloc : memref<!tpu.dma_semaphore, #tpu.memory_space<semaphore_mem>>
      %dma_start3A = arith.constant 0 : i32
      %dma_start3A_62 = arith.constant 0 : i32
      %dma_start3A_63 = tpu.memref_slice %arg17[%run_scoped3A_60, %dma_start3A, %dma_start3A_62] : memref<2x128x16xf32, #tpu.memory_space<vmem>> -> memref<1x128x16xf32, #tpu.memory_space<vmem>>
      %dma_start3A_64 = tpu.memref_squeeze %dma_start3A_63 : memref<1x128x16xf32, #tpu.memory_space<vmem>> -> memref<128x16xf32, #tpu.memory_space<vmem>>
      %dma_start3A_65 = arith.constant 0 : i32
      %dma_start3A_66 = tpu.memref_slice %arg10[%arg0, %add3A_56, %dma_start3A_65] : memref<2x10240x16xf32, #tpu.memory_space<hbm>> -> memref<1x128x16xf32, #tpu.memory_space<hbm>>
      %dma_start3A_67 = tpu.memref_squeeze %dma_start3A_66 : memref<1x128x16xf32, #tpu.memory_space<hbm>> -> memref<128x16xf32, #tpu.memory_space<hbm>>
      %dma_start3A_68 = arith.constant 0 : i32
      %dma_start3A_69 = tpu.memref_slice %arg10[%arg0, %add3A_56, %dma_start3A_68] : memref<2x10240x16xf32, #tpu.memory_space<hbm>> -> memref<1x128x16xf32, #tpu.memory_space<hbm>>
      %dma_start3A_70 = tpu.memref_squeeze %dma_start3A_69 : memref<1x128x16xf32, #tpu.memory_space<hbm>> -> memref<128x16xf32, #tpu.memory_space<hbm>>
      %dma_start3A_71 = arith.constant 0 : i32
      %dma_start3A_72 = arith.constant 0 : i32
      %dma_start3A_73 = tpu.memref_slice %arg17[%run_scoped3A_60, %dma_start3A_71, %dma_start3A_72] : memref<2x128x16xf32, #tpu.memory_space<vmem>> -> memref<1x128x16xf32, #tpu.memory_space<vmem>>
      %dma_start3A_74 = tpu.memref_squeeze %dma_start3A_73 : memref<1x128x16xf32, #tpu.memory_space<vmem>> -> memref<128x16xf32, #tpu.memory_space<vmem>>
      tpu.enqueue_dma source(%dma_start3A_74 : memref<128x16xf32, #tpu.memory_space<vmem>>) target(%dma_start3A_70 : memref<128x16xf32, #tpu.memory_space<hbm>>) target_semaphore(%run_scoped3A_61 : memref<!tpu.dma_semaphore, #tpu.memory_space<semaphore_mem>>)
      %dma_wait3A = arith.constant 0 : i32
      %dma_wait3A_75 = arith.constant 0 : i32
      %dma_wait3A_76 = tpu.memref_slice %arg17[%run_scoped3A_60, %dma_wait3A, %dma_wait3A_75] : memref<2x128x16xf32, #tpu.memory_space<vmem>> -> memref<1x128x16xf32, #tpu.memory_space<vmem>>
      %dma_wait3A_77 = tpu.memref_squeeze %dma_wait3A_76 : memref<1x128x16xf32, #tpu.memory_space<vmem>> -> memref<128x16xf32, #tpu.memory_space<vmem>>
      %dma_wait3A_78 = arith.constant 0 : i32
      %dma_wait3A_79 = tpu.memref_slice %arg10[%arg0, %add3A_56, %dma_wait3A_78] : memref<2x10240x16xf32, #tpu.memory_space<hbm>> -> memref<1x128x16xf32, #tpu.memory_space<hbm>>
      %dma_wait3A_80 = tpu.memref_squeeze %dma_wait3A_79 : memref<1x128x16xf32, #tpu.memory_space<hbm>> -> memref<128x16xf32, #tpu.memory_space<hbm>>
      %dma_wait3A_81 = arith.constant 0 : i32
      %dma_wait3A_82 = tpu.memref_slice %arg10[%arg0, %add3A_56, %dma_wait3A_81] : memref<2x10240x16xf32, #tpu.memory_space<hbm>> -> memref<1x128x16xf32, #tpu.memory_space<hbm>>
      %dma_wait3A_83 = tpu.memref_squeeze %dma_wait3A_82 : memref<1x128x16xf32, #tpu.memory_space<hbm>> -> memref<128x16xf32, #tpu.memory_space<hbm>>
      %dma_wait3A_84 = arith.constant 0 : i32
      %dma_wait3A_85 = arith.constant 0 : i32
      %dma_wait3A_86 = tpu.memref_slice %arg17[%run_scoped3A_60, %dma_wait3A_84, %dma_wait3A_85] : memref<2x128x16xf32, #tpu.memory_space<vmem>> -> memref<1x128x16xf32, #tpu.memory_space<vmem>>
      %dma_wait3A_87 = tpu.memref_squeeze %dma_wait3A_86 : memref<1x128x16xf32, #tpu.memory_space<vmem>> -> memref<128x16xf32, #tpu.memory_space<vmem>>
      tpu.wait_dma2 semaphore(%run_scoped3A_61 : memref<!tpu.dma_semaphore, #tpu.memory_space<semaphore_mem>>) src(%dma_wait3A_87 : memref<128x16xf32, #tpu.memory_space<vmem>>) dst(%dma_wait3A_83 : memref<128x16xf32, #tpu.memory_space<hbm>>)
      tpu.yield
    }) : () -> ()
    return
  }
}

#map = affine_map<(d0, d1) -> (0)>
module attributes {stable_mosaic.version = 14 : i64} {
  func.func @_logits_body(%arg0: i32, %arg1: i32, %arg2: memref<10000xf32, #tpu.memory_space<hbm>>, %arg3: memref<10000xf32, #tpu.memory_space<hbm>>, %arg4: memref<320000xi32, #tpu.memory_space<hbm>>, %arg5: memref<320000xi32, #tpu.memory_space<hbm>>, %arg6: memref<320000xf32, #tpu.memory_space<hbm>>, %arg7: memref<10000xf32, #tpu.memory_space<vmem>>, %arg8: memref<10000xf32, #tpu.memory_space<vmem>>, %arg9: memref<10000xi32, #tpu.memory_space<vmem>>, %arg10: memref<10000xi32, #tpu.memory_space<vmem>>, %arg11: memref<10000xf32, #tpu.memory_space<vmem>>) attributes {dimension_semantics = [#tpu.dimension_semantics<core_parallel>, #tpu.dimension_semantics<subcore_parallel>], iteration_bounds = array<i64: 2, 16>, scalar_prefetch = 0 : i64, scratch_operands = 5 : i64, tpu.core_type = #tpu.core_type<sc_vector_subcore>, window_params = [{transform_indices = #map}, {transform_indices = #map}, {transform_indices = #map}, {transform_indices = #map}, {transform_indices = #map}]} {
    %mul3A = arith.constant 2 : i32
    %mul3A_0 = arith.muli %arg1, %mul3A : i32
    %add3A = arith.addi %mul3A_0, %arg0 : i32
    %mul3A_1 = arith.constant 10000 : i32
    %mul3A_2 = arith.muli %add3A, %mul3A_1 : i32
    "tpu.region"() ({
      %run_scoped3A = tpu.sem_alloc : memref<!tpu.dma_semaphore, #tpu.memory_space<semaphore_mem>>
      tpu.enqueue_dma source(%arg2 : memref<10000xf32, #tpu.memory_space<hbm>>) target(%arg7 : memref<10000xf32, #tpu.memory_space<vmem>>) target_semaphore(%run_scoped3A : memref<!tpu.dma_semaphore, #tpu.memory_space<semaphore_mem>>)
      tpu.wait_dma2 semaphore(%run_scoped3A : memref<!tpu.dma_semaphore, #tpu.memory_space<semaphore_mem>>) src(%arg2 : memref<10000xf32, #tpu.memory_space<hbm>>) dst(%arg7 : memref<10000xf32, #tpu.memory_space<vmem>>)
      tpu.yield
    }) : () -> ()
    "tpu.region"() ({
      %run_scoped3A = tpu.sem_alloc : memref<!tpu.dma_semaphore, #tpu.memory_space<semaphore_mem>>
      tpu.enqueue_dma source(%arg3 : memref<10000xf32, #tpu.memory_space<hbm>>) target(%arg8 : memref<10000xf32, #tpu.memory_space<vmem>>) target_semaphore(%run_scoped3A : memref<!tpu.dma_semaphore, #tpu.memory_space<semaphore_mem>>)
      tpu.wait_dma2 semaphore(%run_scoped3A : memref<!tpu.dma_semaphore, #tpu.memory_space<semaphore_mem>>) src(%arg3 : memref<10000xf32, #tpu.memory_space<hbm>>) dst(%arg8 : memref<10000xf32, #tpu.memory_space<vmem>>)
      tpu.yield
    }) : () -> ()
    "tpu.region"() ({
      %run_scoped3A = tpu.sem_alloc : memref<!tpu.dma_semaphore, #tpu.memory_space<semaphore_mem>>
      %dma_start3A = tpu.memref_slice %arg4[%mul3A_2] : memref<320000xi32, #tpu.memory_space<hbm>> -> memref<10000xi32, #tpu.memory_space<hbm>>
      %dma_start3A_8 = tpu.memref_slice %arg4[%mul3A_2] : memref<320000xi32, #tpu.memory_space<hbm>> -> memref<10000xi32, #tpu.memory_space<hbm>>
      tpu.enqueue_dma source(%dma_start3A_8 : memref<10000xi32, #tpu.memory_space<hbm>>) target(%arg9 : memref<10000xi32, #tpu.memory_space<vmem>>) target_semaphore(%run_scoped3A : memref<!tpu.dma_semaphore, #tpu.memory_space<semaphore_mem>>)
      %dma_wait3A = tpu.memref_slice %arg4[%mul3A_2] : memref<320000xi32, #tpu.memory_space<hbm>> -> memref<10000xi32, #tpu.memory_space<hbm>>
      %dma_wait3A_9 = tpu.memref_slice %arg4[%mul3A_2] : memref<320000xi32, #tpu.memory_space<hbm>> -> memref<10000xi32, #tpu.memory_space<hbm>>
      tpu.wait_dma2 semaphore(%run_scoped3A : memref<!tpu.dma_semaphore, #tpu.memory_space<semaphore_mem>>) src(%dma_wait3A_9 : memref<10000xi32, #tpu.memory_space<hbm>>) dst(%arg9 : memref<10000xi32, #tpu.memory_space<vmem>>)
      tpu.yield
    }) : () -> ()
    "tpu.region"() ({
      %run_scoped3A = tpu.sem_alloc : memref<!tpu.dma_semaphore, #tpu.memory_space<semaphore_mem>>
      %dma_start3A = tpu.memref_slice %arg5[%mul3A_2] : memref<320000xi32, #tpu.memory_space<hbm>> -> memref<10000xi32, #tpu.memory_space<hbm>>
      %dma_start3A_8 = tpu.memref_slice %arg5[%mul3A_2] : memref<320000xi32, #tpu.memory_space<hbm>> -> memref<10000xi32, #tpu.memory_space<hbm>>
      tpu.enqueue_dma source(%dma_start3A_8 : memref<10000xi32, #tpu.memory_space<hbm>>) target(%arg10 : memref<10000xi32, #tpu.memory_space<vmem>>) target_semaphore(%run_scoped3A : memref<!tpu.dma_semaphore, #tpu.memory_space<semaphore_mem>>)
      %dma_wait3A = tpu.memref_slice %arg5[%mul3A_2] : memref<320000xi32, #tpu.memory_space<hbm>> -> memref<10000xi32, #tpu.memory_space<hbm>>
      %dma_wait3A_9 = tpu.memref_slice %arg5[%mul3A_2] : memref<320000xi32, #tpu.memory_space<hbm>> -> memref<10000xi32, #tpu.memory_space<hbm>>
      tpu.wait_dma2 semaphore(%run_scoped3A : memref<!tpu.dma_semaphore, #tpu.memory_space<semaphore_mem>>) src(%dma_wait3A_9 : memref<10000xi32, #tpu.memory_space<hbm>>) dst(%arg10 : memref<10000xi32, #tpu.memory_space<vmem>>)
      tpu.yield
    }) : () -> ()
    %scan3A = arith.constant 0 : i32
    %scan3A_3 = arith.constant 0 : i32
    %scan3A_4 = arith.constant 625 : i32
    %scan3A_5 = arith.addi %scan3A_3, %scan3A_4 : i32
    %scan3A_6 = arith.constant 1 : i32
    scf.for %scan3A_8 = %scan3A_3 to %scan3A_5 step %scan3A_6  : i32 {
      %mul3A_9 = arith.constant 16 : i32
      %mul3A_10 = arith.muli %scan3A_8, %mul3A_9 : i32
      %multiple_of3A = tpu.assume_multiple %mul3A_10, 16 : i32
      %get3A = arith.index_cast %multiple_of3A : i32 to index
      %get3A_11 = tpu.vector_load %arg9[%get3A] {strides = array<i32>} : memref<10000xi32, #tpu.memory_space<vmem>>, vector<16xi32>,
      %get3A_12 = arith.index_cast %multiple_of3A : i32 to index
      %get3A_13 = tpu.vector_load %arg10[%get3A_12] {strides = array<i32>} : memref<10000xi32, #tpu.memory_space<vmem>>, vector<16xi32>,
      %gather3A = tpu.vector_load_idx %arg7[%get3A_11] : memref<10000xf32, #tpu.memory_space<vmem>>[vector<16xi32>], vector<16xf32>,
      %gather3A_14 = tpu.vector_load_idx %arg8[%get3A_13] : memref<10000xf32, #tpu.memory_space<vmem>>[vector<16xi32>], vector<16xf32>,
      %add3A_15 = arith.addf %gather3A, %gather3A_14 : vector<16xf32>
      %swap3A = arith.index_cast %multiple_of3A : i32 to index
      %swap3A_16 = tpu.vector_load %arg11[%swap3A] {strides = array<i32>} : memref<10000xf32, #tpu.memory_space<vmem>>, vector<16xf32>,
      tpu.vector_store %arg11[%swap3A], %add3A_15 {strides = array<i32>} : memref<10000xf32, #tpu.memory_space<vmem>>, vector<16xf32>,
    }
    %scan3A_7 = arith.constant 625 : i32
    "tpu.region"() ({
      %run_scoped3A = tpu.sem_alloc : memref<!tpu.dma_semaphore, #tpu.memory_space<semaphore_mem>>
      %dma_start3A = tpu.memref_slice %arg6[%mul3A_2] : memref<320000xf32, #tpu.memory_space<hbm>> -> memref<10000xf32, #tpu.memory_space<hbm>>
      %dma_start3A_8 = tpu.memref_slice %arg6[%mul3A_2] : memref<320000xf32, #tpu.memory_space<hbm>> -> memref<10000xf32, #tpu.memory_space<hbm>>
      tpu.enqueue_dma source(%arg11 : memref<10000xf32, #tpu.memory_space<vmem>>) target(%dma_start3A_8 : memref<10000xf32, #tpu.memory_space<hbm>>) target_semaphore(%run_scoped3A : memref<!tpu.dma_semaphore, #tpu.memory_space<semaphore_mem>>)
      %dma_wait3A = tpu.memref_slice %arg6[%mul3A_2] : memref<320000xf32, #tpu.memory_space<hbm>> -> memref<10000xf32, #tpu.memory_space<hbm>>
      %dma_wait3A_9 = tpu.memref_slice %arg6[%mul3A_2] : memref<320000xf32, #tpu.memory_space<hbm>> -> memref<10000xf32, #tpu.memory_space<hbm>>
      tpu.wait_dma2 semaphore(%run_scoped3A : memref<!tpu.dma_semaphore, #tpu.memory_space<semaphore_mem>>) src(%arg11 : memref<10000xf32, #tpu.memory_space<vmem>>) dst(%dma_wait3A_9 : memref<10000xf32, #tpu.memory_space<hbm>>)
      tpu.yield
    }) : () -> ()
    return
  }
}

module attributes {stable_mosaic.version = 14 : i64} {
  func.func @_sne_body(%arg0: i32, %arg1: memref<2000x128xf32, #tpu.memory_space<vmem>>, %arg2: memref<2000x1xi32, #tpu.memory_space<vmem>>, %arg3: memref<16x128xf32, #tpu.memory_space<vmem>>, %arg4: memref<2000x128xf32, #tpu.memory_space<vmem>>) attributes {dimension_semantics = [#tpu.dimension_semantics<arbitrary>], iteration_bounds = array<i64: 5>, scalar_prefetch = 0 : i64, scratch_operands = 0 : i64, tpu.core_type = #tpu.core_type<tc>, window_params = [{transform_indices = @transform_0, window_bounds = array<i64: 2000, 128>}, {transform_indices = @transform_1, window_bounds = array<i64: 2000, 1>}, {pipeline_mode = #tpu.pipeline_mode<synchronous>, transform_indices = @transform_2, window_bounds = array<i64: 16, 128>}, {transform_indices = @transform_3, window_bounds = array<i64: 2000, 128>}]} {
    %iota3A = tpu.iota {dimensions = array<i32: 1>} : vector<1x16xi32>
    %get3A = arith.constant 0 : index
    %get3A_0 = arith.constant 0 : index
    %get3A_1 = vector.load %arg2[%get3A, %get3A_0] : memref<2000x1xi32, #tpu.memory_space<vmem>>, vector<2000x1xi32>
    %eq3A = vector.broadcast %get3A_1 : vector<2000x1xi32> to vector<2000x16xi32>
    %eq3A_2 = vector.broadcast %iota3A : vector<1x16xi32> to vector<2000x16xi32>
    %eq3A_3 = arith.cmpi eq, %eq3A, %eq3A_2 : vector<2000x16xi32>
    %convert_element_type3A = arith.extui %eq3A_3 : vector<2000x16xi1> to vector<2000x16xi32>
    %convert_element_type3A_4 = arith.sitofp %convert_element_type3A : vector<2000x16xi32> to vector<2000x16xf32>
    %get3A_5 = arith.constant 0 : index
    %get3A_6 = arith.constant 0 : index
    %get3A_7 = vector.load %arg1[%get3A_5, %get3A_6] : memref<2000x128xf32, #tpu.memory_space<vmem>>, vector<2000x128xf32>
    %get3A_8 = arith.constant 0 : index
    %get3A_9 = arith.constant 0 : index
    %get3A_10 = vector.load %arg3[%get3A_8, %get3A_9] : memref<16x128xf32, #tpu.memory_space<vmem>>, vector<16x128xf32>
    %dot_general3A = arith.constant dense<0.000000e+00> : vector<2000x128xf32>
    %dot_general3A_11 = tpu.matmul %convert_element_type3A_4, %get3A_10, %dot_general3A {dimension_numbers = #tpu.dot_dimension_numbers<[1], [0], [0], [1], [0, 0, 1, 1], [], []>, transpose_lhs_hint = false} : vector<2000x16xf32>, vector<16x128xf32>, vector<2000x128xf32> -> vector<2000x128xf32>
    %add3A = arith.addf %get3A_7, %dot_general3A_11 : vector<2000x128xf32>
    %swap3A = arith.constant 0 : index
    %swap3A_12 = arith.constant 0 : index
    %swap3A_13 = vector.load %arg4[%swap3A, %swap3A_12] : memref<2000x128xf32, #tpu.memory_space<vmem>>, vector<2000x128xf32>
    tpu.vector_store %arg4[%swap3A, %swap3A_12], %add3A {strides = array<i32>} : memref<2000x128xf32, #tpu.memory_space<vmem>>, vector<2000x128xf32>,
    return
  }
  func.func @transform_0(%arg0: i32) -> (i32, i32) {
    %c0_i32 = arith.constant 0 : i32
    %c0_i32_0 = arith.constant 0 : i32
    return %arg0, %c0_i32 : i32, i32
  }
  func.func @transform_1(%arg0: i32) -> (i32, i32) {
    %c0_i32 = arith.constant 0 : i32
    %c0_i32_0 = arith.constant 0 : i32
    return %arg0, %c0_i32 : i32, i32
  }
  func.func @transform_2(%arg0: i32) -> (i32, i32) {
    %c0_i32 = arith.constant 0 : i32
    %c0_i32_0 = arith.constant 0 : i32
    %c0_i32_1 = arith.constant 0 : i32
    return %c0_i32, %c0_i32_0 : i32, i32
  }
  func.func @transform_3(%arg0: i32) -> (i32, i32) {
    %c0_i32 = arith.constant 0 : i32
    %c0_i32_0 = arith.constant 0 : i32
    return %arg0, %c0_i32 : i32, i32
  }
}

module attributes {stable_mosaic.version = 14 : i64} {
  func.func @_combine_body(%arg0: i32, %arg1: memref<2000x128xf32, #tpu.memory_space<vmem>>, %arg2: memref<2x2000x128xf32, #tpu.memory_space<vmem>>, %arg3: memref<2x2000x16xf32, #tpu.memory_space<vmem>>, %arg4: memref<8x128xf32, #tpu.memory_space<vmem>>, %arg5: memref<128x128xf32, #tpu.memory_space<vmem>>, %arg6: memref<128x128xf32, #tpu.memory_space<vmem>>, %arg7: memref<128x128xf32, #tpu.memory_space<vmem>>, %arg8: memref<1x128xf32, #tpu.memory_space<vmem>>, %arg9: memref<1x128xf32, #tpu.memory_space<vmem>>, %arg10: memref<128x2xf32, #tpu.memory_space<vmem>>, %arg11: memref<2000x1xf32, #tpu.memory_space<vmem>>, %arg12: memref<2000x1xf32, #tpu.memory_space<vmem>>, %arg13: memref<1x128xf32, #tpu.memory_space<vmem>>) attributes {dimension_semantics = [#tpu.dimension_semantics<arbitrary>], iteration_bounds = array<i64: 5>, scalar_prefetch = 0 : i64, scratch_operands = 0 : i64, tpu.core_type = #tpu.core_type<tc>, window_params = [{transform_indices = @transform_0, window_bounds = array<i64: 2000, 128>}, {transform_indices = @transform_1, window_bounds = array<i64: 2, 2000, 128>}, {transform_indices = @transform_2, window_bounds = array<i64: 2, 2000, 16>}, {pipeline_mode = #tpu.pipeline_mode<synchronous>, transform_indices = @transform_3, window_bounds = array<i64: 8, 128>}, {pipeline_mode = #tpu.pipeline_mode<synchronous>, transform_indices = @transform_4, window_bounds = array<i64: 128, 128>}, {pipeline_mode = #tpu.pipeline_mode<synchronous>, transform_indices = @transform_5, window_bounds = array<i64: 128, 128>}, {pipeline_mode = #tpu.pipeline_mode<synchronous>, transform_indices = @transform_6, window_bounds = array<i64: 128, 128>}, {pipeline_mode = #tpu.pipeline_mode<synchronous>, transform_indices = @transform_7, window_bounds = array<i64: 1, 128>}, {pipeline_mode = #tpu.pipeline_mode<synchronous>, transform_indices = @transform_8, window_bounds = array<i64: 1, 128>}, {pipeline_mode = #tpu.pipeline_mode<synchronous>, transform_indices = @transform_9, window_bounds = array<i64: 128, 2>}, {transform_indices = @transform_10, window_bounds = array<i64: 2000, 1>}, {transform_indices = @transform_11, window_bounds = array<i64: 2000, 1>}, {pipeline_mode = #tpu.pipeline_mode<synchronous>, transform_indices = @transform_12, window_bounds = array<i64: 1, 128>}]} {
    %get3A = arith.constant 0 : index
    %get3A_0 = arith.constant 0 : index
    %get3A_1 = arith.constant 0 : index
    %get3A_2 = vector.load %arg2[%get3A, %get3A_0, %get3A_1] : memref<2x2000x128xf32, #tpu.memory_space<vmem>>, vector<1x2000x128xf32>
    %get3A_3 = vector.shape_cast %get3A_2 : vector<1x2000x128xf32> to vector<2000x128xf32>
    %get3A_4 = arith.constant 1 : index
    %get3A_5 = arith.constant 0 : index
    %get3A_6 = arith.constant 0 : index
    %get3A_7 = vector.load %arg2[%get3A_4, %get3A_5, %get3A_6] : memref<2x2000x128xf32, #tpu.memory_space<vmem>>, vector<1x2000x128xf32>
    %get3A_8 = vector.shape_cast %get3A_7 : vector<1x2000x128xf32> to vector<2000x128xf32>
    %add3A = arith.addf %get3A_3, %get3A_8 : vector<2000x128xf32>
    %get3A_9 = arith.constant 0 : index
    %get3A_10 = arith.constant 0 : index
    %get3A_11 = arith.constant 0 : index
    %get3A_12 = vector.load %arg3[%get3A_9, %get3A_10, %get3A_11] : memref<2x2000x16xf32, #tpu.memory_space<vmem>>, vector<1x2000x8xf32>
    %get3A_13 = vector.shape_cast %get3A_12 : vector<1x2000x8xf32> to vector<2000x8xf32>
    %get3A_14 = arith.constant 1 : index
    %get3A_15 = arith.constant 0 : index
    %get3A_16 = arith.constant 0 : index
    %get3A_17 = vector.load %arg3[%get3A_14, %get3A_15, %get3A_16] : memref<2x2000x16xf32, #tpu.memory_space<vmem>>, vector<1x2000x8xf32>
    %get3A_18 = vector.shape_cast %get3A_17 : vector<1x2000x8xf32> to vector<2000x8xf32>
    %add3A_19 = arith.addf %get3A_13, %get3A_18 : vector<2000x8xf32>
    %reduce_sum3A = arith.constant dense<0.000000e+00> : vector<2000xf32>
    %reduce_sum3A_20 = vector.multi_reduction <add>, %add3A_19, %reduce_sum3A [1] : vector<2000x8xf32> to vector<2000xf32>
    %broadcast_in_dim3A = vector.shape_cast %reduce_sum3A_20 : vector<2000xf32> to vector<2000x1xf32>
    %max3A = arith.constant 1.000000e+00 : f32
    %max3A_21 = vector.broadcast %max3A : f32 to vector<2000x1xf32>
    %max3A_22 = arith.maximumf %broadcast_in_dim3A, %max3A_21 : vector<2000x1xf32>
    %get3A_23 = arith.constant 0 : index
    %get3A_24 = arith.constant 0 : index
    %get3A_25 = vector.load %arg4[%get3A_23, %get3A_24] : memref<8x128xf32, #tpu.memory_space<vmem>>, vector<8x128xf32>
    %dot_general3A = arith.constant dense<0.000000e+00> : vector<2000x128xf32>
    %dot_general3A_26 = tpu.matmul %add3A_19, %get3A_25, %dot_general3A {dimension_numbers = #tpu.dot_dimension_numbers<[1], [0], [0], [1], [0, 0, 1, 1], [], []>, transpose_lhs_hint = false} : vector<2000x8xf32>, vector<8x128xf32>, vector<2000x128xf32> -> vector<2000x128xf32>
    %sub3A = arith.subf %add3A, %dot_general3A_26 : vector<2000x128xf32>
    %div3A = vector.broadcast %max3A_22 : vector<2000x1xf32> to vector<2000x128xf32>
    %div3A_27 = arith.divf %sub3A, %div3A : vector<2000x128xf32>
    %get3A_28 = arith.constant 0 : index
    %get3A_29 = arith.constant 0 : index
    %get3A_30 = vector.load %arg1[%get3A_28, %get3A_29] : memref<2000x128xf32, #tpu.memory_space<vmem>>, vector<2000x128xf32>
    %get3A_31 = arith.constant 0 : index
    %get3A_32 = arith.constant 0 : index
    %get3A_33 = vector.load %arg6[%get3A_31, %get3A_32] : memref<128x128xf32, #tpu.memory_space<vmem>>, vector<128x128xf32>
    %get3A_34 = arith.constant 0 : index
    %get3A_35 = arith.constant 0 : index
    %get3A_36 = vector.load %arg7[%get3A_34, %get3A_35] : memref<128x128xf32, #tpu.memory_space<vmem>>, vector<128x128xf32>
    %add3A_37 = arith.addf %get3A_33, %get3A_36 : vector<128x128xf32>
    %get3A_38 = arith.constant 0 : index
    %get3A_39 = arith.constant 0 : index
    %get3A_40 = vector.load %arg5[%get3A_38, %get3A_39] : memref<128x128xf32, #tpu.memory_space<vmem>>, vector<128x128xf32>
    %dot_general3A_41 = arith.constant dense<0.000000e+00> : vector<2000x128xf32>
    %dot_general3A_42 = tpu.matmul %get3A_30, %get3A_40, %dot_general3A_41 {dimension_numbers = #tpu.dot_dimension_numbers<[1], [0], [0], [1], [0, 0, 1, 1], [], []>, transpose_lhs_hint = false} : vector<2000x128xf32>, vector<128x128xf32>, vector<2000x128xf32> -> vector<2000x128xf32>
    %dot_general3A_43 = arith.constant dense<0.000000e+00> : vector<2000x128xf32>
    %dot_general3A_44 = tpu.matmul %div3A_27, %add3A_37, %dot_general3A_43 {dimension_numbers = #tpu.dot_dimension_numbers<[1], [0], [0], [1], [0, 0, 1, 1], [], []>, transpose_lhs_hint = false} : vector<2000x128xf32>, vector<128x128xf32>, vector<2000x128xf32> -> vector<2000x128xf32>
    %add3A_45 = arith.addf %dot_general3A_42, %dot_general3A_44 : vector<2000x128xf32>
    %get3A_46 = arith.constant 0 : index
    %get3A_47 = arith.constant 0 : index
    %get3A_48 = vector.load %arg8[%get3A_46, %get3A_47] : memref<1x128xf32, #tpu.memory_space<vmem>>, vector<1x128xf32>
    %add3A_49 = vector.broadcast %get3A_48 : vector<1x128xf32> to vector<2000x128xf32>
    %add3A_50 = arith.addf %add3A_45, %add3A_49 : vector<2000x128xf32>
    %gt3A = arith.constant 0.000000e+00 : f32
    %gt3A_51 = vector.broadcast %gt3A : f32 to vector<2000x1xf32>
    %gt3A_52 = arith.cmpf ogt, %broadcast_in_dim3A, %gt3A_51 : vector<2000x1xf32>
    %jit3A = arith.constant 1.000000e+00 : f32
    %jit3A_53 = arith.constant 0.000000e+00 : f32
    %broadcast_in_dim3A_54 = vector.broadcast %jit3A : f32 to vector<2000x1xf32>
    %broadcast_in_dim3A_55 = vector.broadcast %jit3A_53 : f32 to vector<2000x1xf32>
    %select_n3A = arith.select %gt3A_52, %broadcast_in_dim3A_54, %broadcast_in_dim3A_55 : vector<2000x1xi1>, vector<2000x1xf32>
    %get3A_56 = arith.constant 0 : index
    %get3A_57 = arith.constant 0 : index
    %get3A_58 = vector.load %arg9[%get3A_56, %get3A_57] : memref<1x128xf32, #tpu.memory_space<vmem>>, vector<1x128xf32>
    %mul3A = vector.broadcast %select_n3A : vector<2000x1xf32> to vector<2000x128xf32>
    %mul3A_59 = vector.broadcast %get3A_58 : vector<1x128xf32> to vector<2000x128xf32>
    %mul3A_60 = arith.mulf %mul3A, %mul3A_59 : vector<2000x128xf32>
    %add3A_61 = arith.addf %add3A_50, %mul3A_60 : vector<2000x128xf32>
    %get3A_62 = arith.constant 0 : index
    %get3A_63 = arith.constant 0 : index
    %get3A_64 = vector.load %arg10[%get3A_62, %get3A_63] : memref<128x2xf32, #tpu.memory_space<vmem>>, vector<128x2xf32>
    %dot_general3A_65 = arith.constant dense<0.000000e+00> : vector<2000x2xf32>
    %dot_general3A_66 = tpu.matmul %add3A_61, %get3A_64, %dot_general3A_65 {dimension_numbers = #tpu.dot_dimension_numbers<[1], [0], [0], [1], [0, 0, 1, 1], [], []>, transpose_lhs_hint = false} : vector<2000x128xf32>, vector<128x2xf32>, vector<2000x2xf32> -> vector<2000x2xf32>
    %slice3A = vector.extract_strided_slice %dot_general3A_66 {offsets = [0, 0], sizes = [2000, 1], strides = [1, 1]} : vector<2000x2xf32> to vector<2000x1xf32>
    %swap3A = arith.constant 0 : index
    %swap3A_67 = arith.constant 0 : index
    %swap3A_68 = vector.load %arg11[%swap3A, %swap3A_67] : memref<2000x1xf32, #tpu.memory_space<vmem>>, vector<2000x1xf32>
    tpu.vector_store %arg11[%swap3A, %swap3A_67], %slice3A {strides = array<i32>} : memref<2000x1xf32, #tpu.memory_space<vmem>>, vector<2000x1xf32>,
    %slice3A_69 = vector.extract_strided_slice %dot_general3A_66 {offsets = [0, 1], sizes = [2000, 1], strides = [1, 1]} : vector<2000x2xf32> to vector<2000x1xf32>
    %swap3A_70 = arith.constant 0 : index
    %swap3A_71 = arith.constant 0 : index
    %swap3A_72 = vector.load %arg12[%swap3A_70, %swap3A_71] : memref<2000x1xf32, #tpu.memory_space<vmem>>, vector<2000x1xf32>
    tpu.vector_store %arg12[%swap3A_70, %swap3A_71], %slice3A_69 {strides = array<i32>} : memref<2000x1xf32, #tpu.memory_space<vmem>>, vector<2000x1xf32>,
    %eq3A = arith.constant 0 : i32
    %eq3A_73 = arith.cmpi eq, %arg0, %eq3A : i32
    %convert_element_type3A = arith.extui %eq3A_73 : i1 to i32
    %cond3A = arith.constant 0 : i32
    %cond3A_74 = arith.cmpi ne, %convert_element_type3A, %cond3A : i32
    scf.if %cond3A_74 {
      %broadcast_in_dim3A_88 = arith.constant 0.000000e+00 : f32
      %broadcast_in_dim3A_89 = vector.broadcast %broadcast_in_dim3A_88 : f32 to vector<1x128xf32>
      %swap3A_90 = arith.constant 0 : index
      %swap3A_91 = arith.constant 0 : index
      %swap3A_92 = vector.load %arg13[%swap3A_90, %swap3A_91] : memref<1x128xf32, #tpu.memory_space<vmem>>, vector<1x128xf32>
      tpu.vector_store %arg13[%swap3A_90, %swap3A_91], %broadcast_in_dim3A_89 {strides = array<i32>} : memref<1x128xf32, #tpu.memory_space<vmem>>, vector<1x128xf32>,
    } else {
    }
    %get3A_75 = arith.constant 0 : index
    %get3A_76 = arith.constant 0 : index
    %get3A_77 = vector.load %arg13[%get3A_75, %get3A_76] : memref<1x128xf32, #tpu.memory_space<vmem>>, vector<1x128xf32>
    %reduce_sum3A_78 = arith.constant dense<0.000000e+00> : vector<128xf32>
    %reduce_sum3A_79 = vector.multi_reduction <add>, %add3A_61, %reduce_sum3A_78 [0] : vector<2000x128xf32> to vector<128xf32>
    %broadcast_in_dim3A_80 = vector.shape_cast %reduce_sum3A_79 : vector<128xf32> to vector<1x128xf32>
    %mul3A_81 = arith.constant 9.99999974E-5 : f32
    %mul3A_82 = vector.broadcast %mul3A_81 : f32 to vector<1x128xf32>
    %mul3A_83 = arith.mulf %broadcast_in_dim3A_80, %mul3A_82 : vector<1x128xf32>
    %add3A_84 = arith.addf %get3A_77, %mul3A_83 : vector<1x128xf32>
    %swap3A_85 = arith.constant 0 : index
    %swap3A_86 = arith.constant 0 : index
    %swap3A_87 = vector.load %arg13[%swap3A_85, %swap3A_86] : memref<1x128xf32, #tpu.memory_space<vmem>>, vector<1x128xf32>
    tpu.vector_store %arg13[%swap3A_85, %swap3A_86], %add3A_84 {strides = array<i32>} : memref<1x128xf32, #tpu.memory_space<vmem>>, vector<1x128xf32>,
    return
  }
  func.func @transform_0(%arg0: i32) -> (i32, i32) {
    %c0_i32 = arith.constant 0 : i32
    %c0_i32_0 = arith.constant 0 : i32
    return %arg0, %c0_i32 : i32, i32
  }
  func.func @transform_1(%arg0: i32) -> (i32, i32, i32) {
    %c0_i32 = arith.constant 0 : i32
    %c0_i32_0 = arith.constant 0 : i32
    %c0_i32_1 = arith.constant 0 : i32
    return %c0_i32, %arg0, %c0_i32_0 : i32, i32, i32
  }
  func.func @transform_2(%arg0: i32) -> (i32, i32, i32) {
    %c0_i32 = arith.constant 0 : i32
    %c0_i32_0 = arith.constant 0 : i32
    %c0_i32_1 = arith.constant 0 : i32
    return %c0_i32, %arg0, %c0_i32_0 : i32, i32, i32
  }
  func.func @transform_3(%arg0: i32) -> (i32, i32) {
    %c0_i32 = arith.constant 0 : i32
    %c0_i32_0 = arith.constant 0 : i32
    %c0_i32_1 = arith.constant 0 : i32
    return %c0_i32, %c0_i32_0 : i32, i32
  }
  func.func @transform_4(%arg0: i32) -> (i32, i32) {
    %c0_i32 = arith.constant 0 : i32
    %c0_i32_0 = arith.constant 0 : i32
    %c0_i32_1 = arith.constant 0 : i32
    return %c0_i32, %c0_i32_0 : i32, i32
  }
  func.func @transform_5(%arg0: i32) -> (i32, i32) {
    %c0_i32 = arith.constant 0 : i32
    %c0_i32_0 = arith.constant 0 : i32
    %c0_i32_1 = arith.constant 0 : i32
    return %c0_i32, %c0_i32_0 : i32, i32
  }
  func.func @transform_6(%arg0: i32) -> (i32, i32) {
    %c0_i32 = arith.constant 0 : i32
    %c0_i32_0 = arith.constant 0 : i32
    %c0_i32_1 = arith.constant 0 : i32
    return %c0_i32, %c0_i32_0 : i32, i32
  }
  func.func @transform_7(%arg0: i32) -> (i32, i32) {
    %c0_i32 = arith.constant 0 : i32
    %c0_i32_0 = arith.constant 0 : i32
    %c0_i32_1 = arith.constant 0 : i32
    return %c0_i32, %c0_i32_0 : i32, i32
  }
  func.func @transform_8(%arg0: i32) -> (i32, i32) {
    %c0_i32 = arith.constant 0 : i32
    %c0_i32_0 = arith.constant 0 : i32
    %c0_i32_1 = arith.constant 0 : i32
    return %c0_i32, %c0_i32_0 : i32, i32
  }
  func.func @transform_9(%arg0: i32) -> (i32, i32) {
    %c0_i32 = arith.constant 0 : i32
    %c0_i32_0 = arith.constant 0 : i32
    %c0_i32_1 = arith.constant 0 : i32
    return %c0_i32, %c0_i32_0 : i32, i32
  }
  func.func @transform_10(%arg0: i32) -> (i32, i32) {
    %c0_i32 = arith.constant 0 : i32
    %c0_i32_0 = arith.constant 0 : i32
    return %arg0, %c0_i32 : i32, i32
  }
  func.func @transform_11(%arg0: i32) -> (i32, i32) {
    %c0_i32 = arith.constant 0 : i32
    %c0_i32_0 = arith.constant 0 : i32
    return %arg0, %c0_i32 : i32, i32
  }
  func.func @transform_12(%arg0: i32) -> (i32, i32) {
    %c0_i32 = arith.constant 0 : i32
    %c0_i32_0 = arith.constant 0 : i32
    %c0_i32_1 = arith.constant 0 : i32
    return %c0_i32, %c0_i32_0 : i32, i32
  }
}

module attributes {stable_mosaic.version = 14 : i64} {
  func.func @_softmax_body(%arg0: memref<2500x128xf32, #tpu.memory_space<vmem>>, %arg1: memref<2500x128xf32, #tpu.memory_space<vmem>>) attributes {dimension_semantics = [], scalar_prefetch = 0 : i64, scratch_operands = 0 : i64, tpu.core_type = #tpu.core_type<tc>} {
    %get3A = arith.constant 0 : index
    %get3A_0 = arith.constant 0 : index
    %get3A_1 = vector.load %arg0[%get3A, %get3A_0] : memref<2500x128xf32, #tpu.memory_space<vmem>>, vector<2500x128xf32>
    %reduce_max3A = vector.shape_cast %get3A_1 : vector<2500x128xf32> to vector<1x2500x128xf32>
    %reduce_max3A_2 = arith.constant dense<0xFF800000> : vector<1xf32>
    %reduce_max3A_3 = vector.multi_reduction <maximumf>, %reduce_max3A, %reduce_max3A_2 [1, 2] : vector<1x2500x128xf32> to vector<1xf32>
    %reduce_max3A_4 = vector.shape_cast %reduce_max3A_3 : vector<1xf32> to vector<1x1x1xf32>
    %reduce_max3A_5 = vector.extract %reduce_max3A_4[0, 0, 0] : f32 from vector<1x1x1xf32>
    %sub3A = vector.broadcast %reduce_max3A_5 : f32 to vector<2500x128xf32>
    %sub3A_6 = arith.subf %get3A_1, %sub3A : vector<2500x128xf32>
    %exp3A = math.exp %sub3A_6 : vector<2500x128xf32>
    %reduce_sum3A = vector.shape_cast %exp3A : vector<2500x128xf32> to vector<1x2500x128xf32>
    %reduce_sum3A_7 = arith.constant dense<0.000000e+00> : vector<1xf32>
    %reduce_sum3A_8 = vector.multi_reduction <add>, %reduce_sum3A, %reduce_sum3A_7 [1, 2] : vector<1x2500x128xf32> to vector<1xf32>
    %reduce_sum3A_9 = vector.shape_cast %reduce_sum3A_8 : vector<1xf32> to vector<1x1x1xf32>
    %reduce_sum3A_10 = vector.extract %reduce_sum3A_9[0, 0, 0] : f32 from vector<1x1x1xf32>
    %div3A = vector.broadcast %reduce_sum3A_10 : f32 to vector<2500x128xf32>
    %div3A_11 = arith.divf %exp3A, %div3A : vector<2500x128xf32>
    %swap3A = arith.constant 0 : index
    %swap3A_12 = arith.constant 0 : index
    %swap3A_13 = vector.load %arg1[%swap3A, %swap3A_12] : memref<2500x128xf32, #tpu.memory_space<vmem>>, vector<2500x128xf32>
    tpu.vector_store %arg1[%swap3A, %swap3A_12], %div3A_11 {strides = array<i32>} : memref<2500x128xf32, #tpu.memory_space<vmem>>, vector<2500x128xf32>,
    return
  }
}

</mosaic_0001>

<sc_bundles>
// kernel: kernel.10.cloned.1.call-start
scs
__scs_entry_jumppad:
0x0: {  	(pc) =	sbr.rel $0x88, $3  }
0x1: {  	(tag) =	ssettag $0x0;
	lr =	simm.s32 $0x1  }
0x2: {  	[smem:$0x3F96] =	sst lr;
	_ =	strace $0xD0000000  }
0x3: {  	_ = 	snop  }
0x4: {  	_ = 	snop  }
0x5: {  	_ = 	snop  }
0x6: {  	_ = 	snop  }
0x7: {  	_ = 	snop  }
__scs_overlays_trampoline_lowered:
0x8: {  	[smem:$0x3FA5] =	sst s0  }
0x9: {  	[smem:$0x3FA6] =	sst s1  }
0xa: {  	[smem:$0x3FA7] =	sst s2  }
0xb: {  	[smem:$0x3FA8] =	sst s3  }
0xc: {  	[smem:$0x3FA9] =	sst s4  }
0xd: {  	[smem:$0x3FAA] =	sst s5  }
0xe: {  	[smem:$0x3FAB] =	sst s6  }
0xf: {  	[smem:$0x3FAC] =	sst s7  }
0x10: {  	[smem:$0x3FAD] =	sst s8  }
0x11: {  	[smem:$0x3FAE] =	sst s9;
	s0 =	simm.s32 @!p0 $0x0  }
0x12: {  	s1 =	sld [smem:$0x3F94];
	s0 =	simm.s32 @p0 $0x1  }
0x13: {  	[smem:$0x3FAF] =	sst s0;
	s0 =	simm.s32 @!p1 $0x0  }
0x14: {  	s2 =	sld [smem:$0x3F93];
	s0 =	simm.s32 @p1 $0x1  }
0x15: {  	[smem:$0x3FB0] =	sst s0;
	s0 =	simm.s32 @!p2 $0x0  }
0x16: {  	s3 =	sld [smem:$0x3FDB];
	s0 =	simm.s32 @p2 $0x1  }
0x17: {  	s4 =	simm.s32 $0x1BF5;
	[smem:$0x3FB2] =	sst s0  }
0x18: {  	s0 =	sld [smem:$0x3F95];
	_ =	swait.ge [sflag:s4], $0x0  }
0x19: {  	s7 =	sld [smem:$0x3F96]  }
0x1a: {  	s8 =	sadd.s32 $0xFFFFE003, lr  }
0x1b: {  	s9 =	sadd.s32 $0xFFFFFEF7, lr;
	s5 =	simm.s32 $0xFFFFFFFF;
	p2 =	slt.u32 s8, $0xFFFFF086  }
0x1c: {  	p1 =	slt.u32 s9, $0xF7A;
	s5 =	simm.s32 @!p2 $0x0  }
0x1d: {  	s5 =	simm.s32 @p1 $0x1;
	p0 =	seq.s32 s7, s2  }
0x1e: {  	s7 =	smul.u32 @!p0 $0xF7A, s2;
	p2 =	seq.s32 @!p0 s5, $0x0  }
0x1f: {  	s9 =	smul.u32 $0xF7A, s1;
	s8 =	simm.s32 @!p0 $0x1BF5;
	p2 =	por !p2, p0  }
0x20: {  	[sflag:s8] =	ssyncset.s32 @!p0 $0xFFFFF086;
	s6 =	sadd.s32 @!p0 s3, s7;
	s7 =	simm.s32 @!p0 $0x108  }
0x21: {  	s3 =	sadd.s32 s3, s9;
	s6 =	sadd.s32 @!p0 $0x88, s6;
	s7 =	simm.s32 @p2 $0x1082  }
0x22: {  	[simem:s7], [sflag:s8] =	dma.local @!p0 [hbm:s6], $0xF7A  }
0x23: {  	s9 =	sor.u32 $0xD0000000, s2;
	s6 =	simm.s32 $0x108;
	_ =	swait.ge @!p0 [sflag:s8], $0x0  }
0x24: {  	s3 =	sadd.s32 $0x88, s3;
	s6 =	simm.s32 @!p1 $0x1082;
	[sflag:s4] =	ssyncset.s32 $0xFFFFF086  }
0x25: {  	[simem:s6], [sflag:s4] =	dma.local [hbm:s3], $0xF7A  }
0x26: {  	[smem:$0x3F96] =	sst s1;
	(tag) =	ssettag s2;
	_ =	strace s9  }
0x27: {  	s1 =	sld [smem:$0x3FA6]  }
0x28: {  	s2 =	sld [smem:$0x3FA7]  }
0x29: {  	s4 =	sld [smem:$0x3FA9]  }
0x2a: {  	p0 =	seq.s32 s5, $0x0;
	s5 =	sld [smem:$0x3FAA]  }
0x2b: {  	s6 =	sld [smem:$0x3FAB]  }
0x2c: {  	s7 =	sld [smem:$0x3FAC]  }
0x2d: {  	s3 =	simm.s32 $0x108;
	s8 =	sld [smem:$0x3FAD]  }
0x2e: {  	s3 =	simm.s32 @!p0 $0x1082;
	s9 =	sld [smem:$0x3FAE]  }
0x2f: {  	lr =	sadd.s32 s0, s3;
	s0 =	sld [smem:$0x3FA5]  }
0x30: {  	s3 =	sld [smem:$0x3FA8]  }
0x31: {  	[smem:$0x3FB1] =	sst s10  }
0x32: {  	s10 =	sld [smem:$0x3FAF];
	_ =	sdelay $0x3  }
0x33: {  	p0 =	seq.s32 s10, $0x1;
	s10 =	sld [smem:$0x3FB1];
	_ =	sdelay $0x3  }
0x34: {  	[smem:$0x3FB1] =	sst s10  }
0x35: {  	s10 =	sld [smem:$0x3FB0];
	_ =	sdelay $0x3  }
0x36: {  	p1 =	seq.s32 s10, $0x1;
	s10 =	sld [smem:$0x3FB1];
	_ =	sdelay $0x3  }
0x37: {  	[smem:$0x3FB1] =	sst s10  }
0x38: {  	s10 =	sld [smem:$0x3FB2]  }
0x39: {  	_ = 	snop;
	(pc) =	sbr.ind lr, $3  }
0x3a: {  	_ = 	snop  }
0x3b: {  	_ = 	snop  }
0x3c: {  	p2 =	seq.s32 s10, $0x1;
	s10 =	sld [smem:$0x3FB1]  }
0x3d: {  	_ =	shalt  }
0x3e: {  	_ =	shalt  }
0x3f: {  	_ =	shalt  }
0x40: {  	_ =	shalt  }
0x41: {  	_ =	shalt  }
0x42: {  	_ =	shalt  }
0x43: {  	_ =	shalt  }
0x44: {  	_ =	shalt  }
0x45: {  	_ =	shalt  }
0x46: {  	_ =	shalt  }
0x47: {  	_ =	shalt  }
0x48: {  	_ =	shalt  }
0x49: {  	_ =	shalt  }
0x4a: {  	_ =	shalt  }
0x4b: {  	_ =	shalt  }
0x4c: {  	_ =	shalt  }
0x4d: {  	_ =	shalt  }
0x4e: {  	_ =	shalt  }
0x4f: {  	_ =	shalt  }
0x50: {  	_ =	shalt  }
0x51: {  	_ =	shalt  }
0x52: {  	_ =	shalt  }
0x53: {  	_ =	shalt  }
0x54: {  	_ =	shalt  }
0x55: {  	_ =	shalt  }
0x56: {  	_ =	shalt  }
0x57: {  	_ =	shalt  }
0x58: {  	_ =	shalt  }
0x59: {  	_ =	shalt  }
0x5a: {  	_ =	shalt  }
0x5b: {  	_ =	shalt  }
0x5c: {  	_ =	shalt  }
0x5d: {  	_ =	shalt  }
0x5e: {  	_ =	shalt  }
0x5f: {  	_ =	shalt  }
0x60: {  	_ =	shalt  }
0x61: {  	_ =	shalt  }
0x62: {  	_ =	shalt  }
0x63: {  	_ =	shalt  }
0x64: {  	_ =	shalt  }
0x65: {  	_ =	shalt  }
0x66: {  	_ =	shalt  }
0x67: {  	_ =	shalt  }
0x68: {  	_ =	shalt  }
0x69: {  	_ =	shalt  }
0x6a: {  	_ =	shalt  }
0x6b: {  	_ =	shalt  }
0x6c: {  	_ =	shalt  }
0x6d: {  	_ =	shalt  }
0x6e: {  	_ =	shalt  }
0x6f: {  	_ =	shalt  }
0x70: {  	_ =	shalt  }
0x71: {  	_ =	shalt  }
0x72: {  	_ =	shalt  }
0x73: {  	_ =	shalt  }
0x74: {  	_ =	shalt  }
0x75: {  	_ =	shalt  }
0x76: {  	_ =	shalt  }
0x77: {  	_ =	shalt  }
0x78: {  	_ =	shalt  }
0x79: {  	_ =	shalt  }
0x7a: {  	_ =	shalt  }
0x7b: {  	_ =	shalt  }
0x7c: {  	_ =	shalt  }
0x7d: {  	_ =	shalt  }
0x7e: {  	_ =	shalt  }
0x7f: {  	_ =	shalt  }
0x80: {  	_ =	shalt  }
0x81: {  	_ =	shalt  }
0x82: {  	_ =	shalt  }
0x83: {  	_ =	shalt  }
0x84: {  	_ =	shalt  }
0x85: {  	_ =	shalt  }
0x86: {  	_ =	shalt  }
0x87: {  	_ =	shalt  }
.Lfunc_end0:
.L_simem_size_0:
called_computation.1_lowered:
.L_overlay_start_0:
0x88: {  	s2 =	sld [smem:$0x3FD9]  }
0x89: {  	s3 =	sld [smem:$0x3FFE];
	_ =	sdelay $0x1  }
0x8a: {  	s1 =	srdreg.scid  }
0x8b: {  	s0 =	sand.u32 $0x1, s1  }
0x8c: {  	s14 =	sshll.u32 s0, $0xA;
	s2 =	sadd.s32 s3, s2  }
0x8d: {  	s2 =	sadd.s32 s2, s14  }
0x8e: {  	[smem:$0x3FBD] =	sst s2  }
0x8f: {  	_ = 	snop  }
0x90: {  	s2 =	sld [smem:$0x3FD0];
	_ =	sdelay $0x2  }
0x91: {  	s15 =	simm.s32 $0xA;
	s4 =	simm.s32 $0x10  }
0x92: {  	[smem:s4], [sflag:s15] =	dma.local [hbm:s2], $0x1  }
0x93: {  	_ =	swait.eq [sflag:s15], $0x1  }
0x94: {  	[sflag:s15] =	ssyncset.done $0x0  }
0x95: {  	[sflag:s15] =	ssyncadd.s32 $0xFFFFFFFF  }
0x96: {  	s16 =	sld [smem:$0x11];
	(tm) =	ssettm $0x1  }
0x97: {  	s17 =	sld [smem:$0x3FFB];
	_ =	sdelay $0x3  }
0x98: {  	_ =	strace s17  }
0x99: {  	s3 =	sld [smem:$0x3FFC];
	_ =	sdelay $0x3  }
0x9a: {  	_ =	strace s3  }
0x9b: {  	s3 =	sld [smem:$0x3FFD];
	_ =	sdelay $0x3  }
0x9c: {  	_ =	strace s3  }
0x9d: {  	_ =	strace $0x8FFFFFFF  }
0x9e: {  	s18 =	sld [smem:$0x3FDB];
	_ =	sdelay $0x1  }
0x9f: {  	s19 =	simm.s32 $_scs_section_size  }
0xa0: {  	s5 =	simm.s32 $_size__tile_overlayer_lowered;
	s6 =	simm.s32 $_tile_overlayer_lowered  }
0xa1: {  	s22 =	simm.s32 $0x1BFF;
	s21 =	sshll.u32 s6, $0x1;
	s3 =	sadd.s32 s19, s18  }
0xa2: {  	s7 =	simm.s32 $0x0;
	s20 =	sshll.u32 s5, $0x1;
	s5 =	sadd.s32 s21, s3  }
0xa3: {  	[timem:s7], [sflag:s22] =	dma.local [hbm:s5], s20  }
0xa4: {  	_ =	swait.ge [sflag:s22], s20  }
0xa5: {  	s4 =	ssub.s32 $0x0, s20;
	[sflag:s22] =	ssyncset.done $0x0  }
0xa6: {  	[sflag:s22] =	ssyncadd.s32 s4;
	_ =	sdelay $0x1  }
0xa7: {  	s23 =	simm.s32 $0x1B8B  }
0xa8: {  	_ =	swait.ge [sflag:s23], $0x1  }
0xa9: {  	[sflag:s23] =	ssyncset.done $0x0  }
0xaa: {  	s25 =	simm.s32 $0x1B8E;
	s24 =	sld [smem:$0x3FFE];
	[sflag:s23] =	ssyncadd.s32 $0xFFFFFFFF  }
0xab: {  	s26 =	simm.s32 $execute0_lowered;
	[smem:$0x3FD2] =	sst s25  }
0xac: {  	s5 =	sshll.u32 s26, $0x1;
	_ =	strace $0x80000049;
	[dreg:$0x1] =	wrdreg $0xFFFFFFFF  }
0xad: {  	s28 =	simm.s32 $_size_execute0_lowered;
	s3 =	sadd.s32 s3, s5;
	[dreg:$0x0] =	wrdreg $0x0  }
0xae: {  	s5 =	sshll.u32 s28, $0x1;
	[dreg:$0x2] =	wrdreg s3  }
0xaf: {  	[dreg:$0x3] =	wrdreg s5  }
0xb0: {  	[dreg:$0x4] =	wrdreg $0xC0  }
0xb1: {  	_ =	task [dreg:s7], $0x5FFFF  }
0xb2: {  	[dreg:$0x1] =	wrdreg $0xFFFFFFFF  }
0xb3: {  	[dreg:$0x0] =	wrdreg $0x60  }
0xb4: {  	[dreg:$0x2] =	wrdreg s24  }
0xb5: {  	[dreg:$0x3] =	wrdreg s16  }
0xb6: {  	[dreg:$0x4] =	wrdreg $0x9  }
0xb7: {  	_ =	task.clear_ibuf [dreg:s7], $0x5FFFF;
	_ =	strace $0x90000049  }
0xb8: {  	s29 =	simm.s32 $0x9;
	_ =	strace $0x8000004B  }
0xb9: {  	_ =	swait.ge [sflag:s29], $0x1  }
0xba: {  	[sflag:s29] =	ssyncadd.s32 $0xFFFFFFFF  }
0xbb: {  	_ =	strace $0x9000004B  }
0xbc: {  	_ =	sfence  }
0xbd: {  	s30 =	sld [smem:$0x0];
	_ =	sdelay $0x2  }
0xbe: {  	s31 =	sshll.u32 s1, $0xD;
	s1 =	sshrl.u32 s1, $0x2  }
0xbf: {  	s3 =	sand.u32 $0x4000, s31;
	s1 =	sadd.s32 s1, s30  }
0xc0: {  	s0 =	sor.u32 s3, s0;
	s1 =	sshll.u32 s1, $0x11  }
0xc1: {  	s0 =	sor.u32 s1, s0  }
0xc2: {  	s0 =	sadd.s32 $0x8F2B, s0  }
0xc3: {  	[sflag:s0] =	ssyncadd.remote.s32 $0x1  }
0xc4: {  	_ =	sfence.sel $0xFFFF  }
0xc5: {  	[dreg:$0x0] =	wrdreg $0xFFFFFFFF;
	(pc) =	sbr.abs _section_cstart, $3  }
0xc6: {  	[dreg:$0x1] =	wrdreg $0xFFFFFFFF  }
0xc7: {  	_ =	task.clear_ibuf [dreg:s7], $0x2FFFF;
	_ =	strace $0x9FFFFFFF  }
0xc8: {  	(tm) =	ssettm $0x7FFFFFFF  }
0xc9: {  	_ =	shalt  }
tec
execute0_lowered:
.L_overlay_start_1:
0x0: {  	(tag) =	ssettag $0x1  }
0x1: {  	s5 =	rddreg [dreg:$0x0]  }
0x2: {  	s6 =	rddreg [dreg:$0x1]  }
0x3: {  	s0 =	rddreg [dreg:$0x2];
	s3 =	srdreg.scid  }
0x4: {  	s1 =	stileid.u32;
	s2 =	simm.s32 $0x0;
	s11 =	simm.s32 $0x4E20  }
0x5: {  	s12 =	simm.s32 $0x7530;
	s13 =	simm.s32 $0x9C40;
	s14 =	simm.s32 $0x0  }
0x6: {  	s3 =	sand.u32 $0x1, s3;
	s4 =	sshll.u32 s1, $0x1;
	[smem:$0x7FF] =	sst s2  }
0x7: {  	s4 =	sor.u32 s3, s4;
	_ =	strace $0x8000004A;
	s8 =	ssub.s32 $0x2, s3  }
0x8: {  	s3 =	sadd.s32 $0xC600, s5;
	s7 =	smul.u32 $0x4E2, s4;
	s9 =	sshrl.u32 s8, $0x1  }
0x9: {  	s4 =	sadd.s32 $0xCC00, s5;
	s8 =	ssub.s32 s8, s9;
	s9 =	simm.s32 $0x1  }
0xa: {  	s10 =	sadd.s32 s7, s5;
	s5 =	sadd.s32 s6, s7;
	s8 =	smax.u32 s8, $0x1  }
0xb: {  	s6 =	sadd.s32 $0x2800, s10;
	s7 =	sadd.s32 $0xD200, s10;
	s10 =	simm.s32 $0x2710  }
.LBB2_1:
0xc: {  	[tilespmem:s2], [sflag:$0x1] =	stream.linear.gather [hbm4b:s3+s2], $0x2710, $0x38;
	[tilespmem:$0xC350] =	vst v63  }
0xd: {  	_ =	swait.ge [sflag:s9], $0x2710  }
0xe: {  	[sflag:s9] =	ssyncset.done $0x0  }
0xf: {  	[sflag:s9] =	ssyncadd.s32 $0xFFFFD8F0  }
0x10: {  	[tilespmem:s10], [sflag:$0x1] =	stream.linear.gather [hbm4b:s4+s2], $0x2710, $0x38;
	[tilespmem:$0xC350] =	vst v63  }
0x11: {  	_ =	swait.ge [sflag:s9], $0x2710  }
0x12: {  	[sflag:s9] =	ssyncset.done $0x0  }
0x13: {  	[sflag:s9] =	ssyncadd.s32 $0xFFFFD8F0  }
0x14: {  	[tilespmem:s11], [sflag:$0x1] =	stream.linear.gather [hbm4b:s5+s2], $0x2710, $0x38;
	[tilespmem:$0xC350] =	vst v63  }
0x15: {  	_ =	swait.ge [sflag:s9], $0x2710  }
0x16: {  	[sflag:s9] =	ssyncset.done $0x0  }
0x17: {  	[sflag:s9] =	ssyncadd.s32 $0xFFFFD8F0  }
0x18: {  	[tilespmem:s12], [sflag:$0x1] =	stream.linear.gather [hbm4b:s6+s2], $0x2710, $0x38;
	[tilespmem:$0xC350] =	vst v63  }
0x19: {  	_ =	swait.ge [sflag:s9], $0x2710  }
0x1a: {  	[sflag:s9] =	ssyncset.done $0x0  }
0x1b: {  	s15 =	simm.s32 $0x0;
	[sflag:s9] =	ssyncadd.s32 $0xFFFFD8F0  }
0x1c: {  	v0 =	vld [tilespmem:s15+$0x7530]  }
0x1d: {  	v1 =	vld [tilespmem:s15+$0x4E20];
	_ =	sdelay $0x6  }
0x1e: {  	v0 =	vld.idx.msk [tilespmem:v0+s10+$0x0], $0xffff  }
0x1f: {  	s16 =	simm.s32 $0x10;
	v2 =	vld.idx.msk [tilespmem:v1+s2+$0x0], $0xffff  }
0x20: {  	s17 =	simm.s32 $0x80;
	v1 =	vld [tilespmem:s16+$0x7530]  }
.LBB2_2:
0x21: {  	p0 =	sne.s32 s17, $0x9C00;
	v3 =	vld [tilespmem:s16+$0x4E20];
	_ =	sdelay $0x3  }
0x22: {  	v0 =	vadd.f32 v0, v2  }
.Ltmp0:
0x23: {  	(pc) =	sbr.rel @p0 .LBB2_2-.Ltmp0, $4  }
0x24: {  	[tilespmem:s15+$0x9C40] =	vst v0;
	s15 =	smov.u32 s16  }
0x25: {  	v0 =	vld.idx.msk [tilespmem:v1+s10+$0x0], $0xffff  }
0x26: {  	s16 =	sshra.s32 s17, $0x2;
	v2 =	vld.idx.msk [tilespmem:v3+s2+$0x0], $0xffff  }
0x27: {  	s17 =	sadd.s32 $0x40, s17;
	v1 =	vld [tilespmem:s16+$0x7530]  }
0x28: {  	_ = 	snop  }
0x29: {  	v3 =	vld [tilespmem:s16+$0x4E20];
	_ =	sdelay $0x3  }
0x2a: {  	v0 =	vadd.f32 v0, v2;
	_ =	sdelay $0x1  }
0x2b: {  	[tilespmem:s15+$0x9C40] =	vst v0  }
0x2c: {  	v0 =	vld.idx.msk [tilespmem:v1+s10+$0x0], $0xffff  }
0x2d: {  	v63 =	vld.idx.msk [tilespmem:v3+s2+$0x0], $0xffff;
	_ =	sdelay $0x4  }
0x2e: {  	s14 =	sadd.s32 $0x1, s14;
	v0 =	vadd.f32 v0, v63  }
0x2f: {  	p0 =	sne.s32 s14, s8  }
.Ltmp1:
0x30: {  	[tilespmem:s16+$0x9C40] =	vst v0;
	(pc) =	sbr.rel @p0 .LBB2_1-.Ltmp1, $4  }
0x31: {  	[hbm4b:s7+s2] =	stream.linear.scatter [tilespmem:s13], [sflag:$0x1], $0x2710, $0x38;
	[tilespmem:$0xC350] =	vst v63  }
0x32: {  	_ =	swait.ge [sflag:s9], $0x2710  }
0x33: {  	[sflag:s9] =	ssyncset.done $0x0  }
0x34: {  	[sflag:s9] =	ssyncadd.s32 $0xFFFFD8F0  }
0x35: {  	_ =	sfence.sel $0x180000  }
0x36: {  	[bflag:$0x0] =	sbarrier.arrive $0xFFFF  }
0x37: {  	p0 =	sne.s32 s1, $0x0;
	_ =	strace $0x9000004A  }
0x38: {  	s0 =	sadd.s32 @!p0 $0x100000, s0;
	[bflag:$0x2] =	sbarrier.arrive $0xFFFF  }
0x39: {  	[sflag:s0] =	ssyncadd.tile.s32 @!p0 $0x1;
	_ =	shalt  }
.Lfunc_end2:
_tile_overlayer_lowered:
.L_overlay_start_2:
0x3a: {  	(tag) =	ssettag $0x2  }
0x3b: {  	s0 =	rddreg [dreg:$0x0];
	s2 =	stileid.u32  }
0x3c: {  	s1 =	rddreg [dreg:$0x1];
	p0 =	sne.s32 s2, $0x0  }
0x3d: {  	s3 =	rddreg [dreg:$0x2];
	[bflag:$0x3] =	sbarrier.arrive $0xFFFF;
	s2 =	simm.s32 @!p0 $0x1C01  }
0x3e: {  	[timem:s3], [sflag:s2] =	dma.local @!p0 [hbm:s0], s1  }
0x3f: {  	s0 =	simm.s32 @!p0 $0x1  }
0x40: {  	_ =	swait.ge @!p0 [sflag:s0], s1  }
0x41: {  	s1 =	ssub.s32 @!p0 $0x0, s1;
	[sflag:s0] =	ssyncset.done @!p0 $0x0  }
0x42: {  	[sflag:s0] =	ssyncadd.s32 @!p0 s1  }
0x43: {  	[bflag:$0x3] =	sbarrier.arrive $0xFFFF  }
0x44: {  	_ =	shalt  }

// kernel: kernel.7.cloned.1.call-start
scs
__scs_entry_jumppad:
0x0: {  	(pc) =	sbr.rel $0x88, $3  }
0x1: {  	(tag) =	ssettag $0x0;
	lr =	simm.s32 $0x1  }
0x2: {  	[smem:$0x3F96] =	sst lr;
	_ =	strace $0xD0000000  }
0x3: {  	_ = 	snop  }
0x4: {  	_ = 	snop  }
0x5: {  	_ = 	snop  }
0x6: {  	_ = 	snop  }
0x7: {  	_ = 	snop  }
__scs_overlays_trampoline_lowered:
0x8: {  	[smem:$0x3FA5] =	sst s0  }
0x9: {  	[smem:$0x3FA6] =	sst s1  }
0xa: {  	[smem:$0x3FA7] =	sst s2  }
0xb: {  	[smem:$0x3FA8] =	sst s3  }
0xc: {  	[smem:$0x3FA9] =	sst s4  }
0xd: {  	[smem:$0x3FAA] =	sst s5  }
0xe: {  	[smem:$0x3FAB] =	sst s6  }
0xf: {  	[smem:$0x3FAC] =	sst s7  }
0x10: {  	[smem:$0x3FAD] =	sst s8  }
0x11: {  	[smem:$0x3FAE] =	sst s9;
	s0 =	simm.s32 @!p0 $0x0  }
0x12: {  	s1 =	sld [smem:$0x3F94];
	s0 =	simm.s32 @p0 $0x1  }
0x13: {  	[smem:$0x3FAF] =	sst s0;
	s0 =	simm.s32 @!p1 $0x0  }
0x14: {  	s2 =	sld [smem:$0x3F93];
	s0 =	simm.s32 @p1 $0x1  }
0x15: {  	[smem:$0x3FB0] =	sst s0;
	s0 =	simm.s32 @!p2 $0x0  }
0x16: {  	s3 =	sld [smem:$0x3FDB];
	s0 =	simm.s32 @p2 $0x1  }
0x17: {  	s4 =	simm.s32 $0x1BF5;
	[smem:$0x3FB2] =	sst s0  }
0x18: {  	s0 =	sld [smem:$0x3F95];
	_ =	swait.ge [sflag:s4], $0x0  }
0x19: {  	s7 =	sld [smem:$0x3F96]  }
0x1a: {  	s8 =	sadd.s32 $0xFFFFE003, lr  }
0x1b: {  	s9 =	sadd.s32 $0xFFFFFEF7, lr;
	s5 =	simm.s32 $0xFFFFFFFF;
	p2 =	slt.u32 s8, $0xFFFFF086  }
0x1c: {  	p1 =	slt.u32 s9, $0xF7A;
	s5 =	simm.s32 @!p2 $0x0  }
0x1d: {  	s5 =	simm.s32 @p1 $0x1;
	p0 =	seq.s32 s7, s2  }
0x1e: {  	s7 =	smul.u32 @!p0 $0xF7A, s2;
	p2 =	seq.s32 @!p0 s5, $0x0  }
0x1f: {  	s9 =	smul.u32 $0xF7A, s1;
	s8 =	simm.s32 @!p0 $0x1BF5;
	p2 =	por !p2, p0  }
0x20: {  	[sflag:s8] =	ssyncset.s32 @!p0 $0xFFFFF086;
	s6 =	sadd.s32 @!p0 s3, s7;
	s7 =	simm.s32 @!p0 $0x108  }
0x21: {  	s3 =	sadd.s32 s3, s9;
	s6 =	sadd.s32 @!p0 $0x88, s6;
	s7 =	simm.s32 @p2 $0x1082  }
0x22: {  	[simem:s7], [sflag:s8] =	dma.local @!p0 [hbm:s6], $0xF7A  }
0x23: {  	s9 =	sor.u32 $0xD0000000, s2;
	s6 =	simm.s32 $0x108;
	_ =	swait.ge @!p0 [sflag:s8], $0x0  }
0x24: {  	s3 =	sadd.s32 $0x88, s3;
	s6 =	simm.s32 @!p1 $0x1082;
	[sflag:s4] =	ssyncset.s32 $0xFFFFF086  }
0x25: {  	[simem:s6], [sflag:s4] =	dma.local [hbm:s3], $0xF7A  }
0x26: {  	[smem:$0x3F96] =	sst s1;
	(tag) =	ssettag s2;
	_ =	strace s9  }
0x27: {  	s1 =	sld [smem:$0x3FA6]  }
0x28: {  	s2 =	sld [smem:$0x3FA7]  }
0x29: {  	s4 =	sld [smem:$0x3FA9]  }
0x2a: {  	p0 =	seq.s32 s5, $0x0;
	s5 =	sld [smem:$0x3FAA]  }
0x2b: {  	s6 =	sld [smem:$0x3FAB]  }
0x2c: {  	s7 =	sld [smem:$0x3FAC]  }
0x2d: {  	s3 =	simm.s32 $0x108;
	s8 =	sld [smem:$0x3FAD]  }
0x2e: {  	s3 =	simm.s32 @!p0 $0x1082;
	s9 =	sld [smem:$0x3FAE]  }
0x2f: {  	lr =	sadd.s32 s0, s3;
	s0 =	sld [smem:$0x3FA5]  }
0x30: {  	s3 =	sld [smem:$0x3FA8]  }
0x31: {  	[smem:$0x3FB1] =	sst s10  }
0x32: {  	s10 =	sld [smem:$0x3FAF];
	_ =	sdelay $0x3  }
0x33: {  	p0 =	seq.s32 s10, $0x1;
	s10 =	sld [smem:$0x3FB1];
	_ =	sdelay $0x3  }
0x34: {  	[smem:$0x3FB1] =	sst s10  }
0x35: {  	s10 =	sld [smem:$0x3FB0];
	_ =	sdelay $0x3  }
0x36: {  	p1 =	seq.s32 s10, $0x1;
	s10 =	sld [smem:$0x3FB1];
	_ =	sdelay $0x3  }
0x37: {  	[smem:$0x3FB1] =	sst s10  }
0x38: {  	s10 =	sld [smem:$0x3FB2]  }
0x39: {  	_ = 	snop;
	(pc) =	sbr.ind lr, $3  }
0x3a: {  	_ = 	snop  }
0x3b: {  	_ = 	snop  }
0x3c: {  	p2 =	seq.s32 s10, $0x1;
	s10 =	sld [smem:$0x3FB1]  }
0x3d: {  	_ =	shalt  }
0x3e: {  	_ =	shalt  }
0x3f: {  	_ =	shalt  }
0x40: {  	_ =	shalt  }
0x41: {  	_ =	shalt  }
0x42: {  	_ =	shalt  }
0x43: {  	_ =	shalt  }
0x44: {  	_ =	shalt  }
0x45: {  	_ =	shalt  }
0x46: {  	_ =	shalt  }
0x47: {  	_ =	shalt  }
0x48: {  	_ =	shalt  }
0x49: {  	_ =	shalt  }
0x4a: {  	_ =	shalt  }
0x4b: {  	_ =	shalt  }
0x4c: {  	_ =	shalt  }
0x4d: {  	_ =	shalt  }
0x4e: {  	_ =	shalt  }
0x4f: {  	_ =	shalt  }
0x50: {  	_ =	shalt  }
0x51: {  	_ =	shalt  }
0x52: {  	_ =	shalt  }
0x53: {  	_ =	shalt  }
0x54: {  	_ =	shalt  }
0x55: {  	_ =	shalt  }
0x56: {  	_ =	shalt  }
0x57: {  	_ =	shalt  }
0x58: {  	_ =	shalt  }
0x59: {  	_ =	shalt  }
0x5a: {  	_ =	shalt  }
0x5b: {  	_ =	shalt  }
0x5c: {  	_ =	shalt  }
0x5d: {  	_ =	shalt  }
0x5e: {  	_ =	shalt  }
0x5f: {  	_ =	shalt  }
0x60: {  	_ =	shalt  }
0x61: {  	_ =	shalt  }
0x62: {  	_ =	shalt  }
0x63: {  	_ =	shalt  }
0x64: {  	_ =	shalt  }
0x65: {  	_ =	shalt  }
0x66: {  	_ =	shalt  }
0x67: {  	_ =	shalt  }
0x68: {  	_ =	shalt  }
0x69: {  	_ =	shalt  }
0x6a: {  	_ =	shalt  }
0x6b: {  	_ =	shalt  }
0x6c: {  	_ =	shalt  }
0x6d: {  	_ =	shalt  }
0x6e: {  	_ =	shalt  }
0x6f: {  	_ =	shalt  }
0x70: {  	_ =	shalt  }
0x71: {  	_ =	shalt  }
0x72: {  	_ =	shalt  }
0x73: {  	_ =	shalt  }
0x74: {  	_ =	shalt  }
0x75: {  	_ =	shalt  }
0x76: {  	_ =	shalt  }
0x77: {  	_ =	shalt  }
0x78: {  	_ =	shalt  }
0x79: {  	_ =	shalt  }
0x7a: {  	_ =	shalt  }
0x7b: {  	_ =	shalt  }
0x7c: {  	_ =	shalt  }
0x7d: {  	_ =	shalt  }
0x7e: {  	_ =	shalt  }
0x7f: {  	_ =	shalt  }
0x80: {  	_ =	shalt  }
0x81: {  	_ =	shalt  }
0x82: {  	_ =	shalt  }
0x83: {  	_ =	shalt  }
0x84: {  	_ =	shalt  }
0x85: {  	_ =	shalt  }
0x86: {  	_ =	shalt  }
0x87: {  	_ =	shalt  }
.Lfunc_end0:
.L_simem_size_0:
called_computation_lowered:
.L_overlay_start_0:
0x88: {  	s2 =	sld [smem:$0x3FD9]  }
0x89: {  	s3 =	sld [smem:$0x3FFE];
	_ =	sdelay $0x1  }
0x8a: {  	s1 =	srdreg.scid  }
0x8b: {  	s0 =	sand.u32 $0x1, s1  }
0x8c: {  	s16 =	sshll.u32 s0, $0xA;
	s2 =	sadd.s32 s3, s2  }
0x8d: {  	s2 =	sadd.s32 s2, s16  }
0x8e: {  	[smem:$0x3FBD] =	sst s2  }
0x8f: {  	_ = 	snop  }
0x90: {  	(tm) =	ssettm $0x1  }
0x91: {  	s17 =	sld [smem:$0x3FFB];
	_ =	sdelay $0x3  }
0x92: {  	_ =	strace s17  }
0x93: {  	s2 =	sld [smem:$0x3FFC];
	_ =	sdelay $0x3  }
0x94: {  	_ =	strace s2  }
0x95: {  	s2 =	sld [smem:$0x3FFD];
	_ =	sdelay $0x3  }
0x96: {  	_ =	strace s2  }
0x97: {  	_ =	strace $0x8FFFFFFF  }
0x98: {  	s18 =	sld [smem:$0x3FDB];
	_ =	sdelay $0x1  }
0x99: {  	s19 =	simm.s32 $_scs_section_size  }
0x9a: {  	s4 =	simm.s32 $_size__tile_overlayer_lowered;
	s5 =	simm.s32 $_tile_overlayer_lowered  }
0x9b: {  	s22 =	simm.s32 $0x1BFF;
	s21 =	sshll.u32 s5, $0x1;
	s2 =	sadd.s32 s19, s18  }
0x9c: {  	s6 =	simm.s32 $0x0;
	s20 =	sshll.u32 s4, $0x1;
	s4 =	sadd.s32 s21, s2  }
0x9d: {  	[timem:s6], [sflag:s22] =	dma.local [hbm:s4], s20  }
0x9e: {  	_ =	swait.ge [sflag:s22], s20  }
0x9f: {  	s3 =	ssub.s32 $0x0, s20;
	[sflag:s22] =	ssyncset.done $0x0  }
0xa0: {  	[sflag:s22] =	ssyncadd.s32 s3;
	_ =	sdelay $0x1  }
0xa1: {  	s23 =	simm.s32 $0x1B8B  }
0xa2: {  	_ =	swait.ge [sflag:s23], $0x1  }
0xa3: {  	[sflag:s23] =	ssyncset.done $0x0  }
0xa4: {  	s25 =	simm.s32 $0x1B8E;
	s24 =	sld [smem:$0x3FFE];
	[sflag:s23] =	ssyncadd.s32 $0xFFFFFFFF  }
0xa5: {  	s26 =	simm.s32 $execute0_lowered;
	[smem:$0x3FD2] =	sst s25  }
0xa6: {  	s4 =	sshll.u32 s26, $0x1;
	_ =	strace $0x80000046;
	[dreg:$0x1] =	wrdreg $0xFFFFFFFF  }
0xa7: {  	s28 =	simm.s32 $_size_execute0_lowered;
	s2 =	sadd.s32 s2, s4;
	[dreg:$0x0] =	wrdreg $0x0  }
0xa8: {  	s4 =	sshll.u32 s28, $0x1;
	[dreg:$0x2] =	wrdreg s2  }
0xa9: {  	[dreg:$0x3] =	wrdreg s4  }
0xaa: {  	[dreg:$0x4] =	wrdreg $0xC0  }
0xab: {  	_ =	task [dreg:s6], $0x5FFFF  }
0xac: {  	[dreg:$0x1] =	wrdreg $0xFFFFFFFF  }
0xad: {  	[dreg:$0x0] =	wrdreg $0x60  }
0xae: {  	[dreg:$0x2] =	wrdreg s24  }
0xaf: {  	[dreg:$0x3] =	wrdreg $0x0  }
0xb0: {  	[dreg:$0x4] =	wrdreg $0x140000  }
0xb1: {  	[dreg:$0x5] =	wrdreg $0x9  }
0xb2: {  	_ =	task.clear_ibuf [dreg:s6], $0x6FFFF;
	_ =	strace $0x90000046  }
0xb3: {  	s29 =	simm.s32 $0x9;
	_ =	strace $0x80000048  }
0xb4: {  	_ =	swait.ge [sflag:s29], $0x1  }
0xb5: {  	[sflag:s29] =	ssyncadd.s32 $0xFFFFFFFF  }
0xb6: {  	_ =	strace $0x90000048  }
0xb7: {  	_ =	sfence  }
0xb8: {  	s30 =	sld [smem:$0x0];
	_ =	sdelay $0x2  }
0xb9: {  	s31 =	sshll.u32 s1, $0xD;
	s1 =	sshrl.u32 s1, $0x2  }
0xba: {  	s3 =	sand.u32 $0x4000, s31;
	s1 =	sadd.s32 s1, s30  }
0xbb: {  	s0 =	sor.u32 s3, s0;
	s1 =	sshll.u32 s1, $0x11  }
0xbc: {  	s0 =	sor.u32 s1, s0  }
0xbd: {  	s0 =	sadd.s32 $0x8F2B, s0  }
0xbe: {  	[sflag:s0] =	ssyncadd.remote.s32 $0x1  }
0xbf: {  	_ =	sfence.sel $0xFFFF  }
0xc0: {  	[dreg:$0x0] =	wrdreg $0xFFFFFFFF;
	(pc) =	sbr.abs _section_cstart, $3  }
0xc1: {  	[dreg:$0x1] =	wrdreg $0xFFFFFFFF  }
0xc2: {  	_ =	task.clear_ibuf [dreg:s6], $0x2FFFF;
	_ =	strace $0x9FFFFFFF  }
0xc3: {  	(tm) =	ssettm $0x7FFFFFFF  }
tec
execute0_lowered:
.L_overlay_start_1:
0x0: {  	(tag) =	ssettag $0x1  }
0x1: {  	s0 =	rddreg [dreg:$0x0]  }
0x2: {  	s1 =	rddreg [dreg:$0x1]  }
0x3: {  	s2 =	simm.s32 $0x0;
	s12 =	stileid.u32;
	s4 =	srdreg.scid  }
0x4: {  	s29 =	simm.s32 $0x1AB00;
	[smem:$0x7FF] =	sst s2;
	s6 =	smul.u32 $0x280, s12  }
0x5: {  	s3 =	sshll.u32 s12, $0x5;
	s4 =	sand.u32 $0x1, s4;
	s10 =	smul.u32 $0x14000, s12  }
0x6: {  	s7 =	sadd.s32 $0x5C200, s0;
	s8 =	sadd.s32 $0x52200, s0;
	s26 =	smul.u32 $0x140000, s4  }
0x7: {  	s5 =	sadd.s32 s3, s0;
	s24 =	ssub.s32 $0x2, s4;
	s15 =	smul.u32 $0x28000, s4  }
0x8: {  	s4 =	sshll.u32 s4, $0x4;
	s9 =	sshrl.u32 s24, $0x1;
	s11 =	sadd.s32 $0x80, s6  }
0x9: {  	s25 =	sadd.s32 $0x100, s6;
	s14 =	sadd.s32 $0x180, s6;
	s6 =	sadd.s32 $0x200, s6  }
0xa: {  	s4 =	sadd.s32 s4, s5;
	s3 =	ssub.s32 s24, s9;
	s9 =	smul.u32 $0x2800, s12  }
0xb: {  	s13 =	sshll.u32 s11, $0x7;
	s11 =	sshll.u32 s11, $0x4;
	s16 =	sshll.u32 s25, $0x7  }
0xc: {  	s17 =	sshll.u32 s25, $0x4;
	s18 =	sshll.u32 s14, $0x7;
	s14 =	sshll.u32 s14, $0x4  }
0xd: {  	s19 =	sshll.u32 s6, $0x7;
	s6 =	sshll.u32 s6, $0x4;
	s20 =	sadd.s32 s10, s26  }
0xe: {  	s30 =	sadd.s32 $0x47800, s4;
	s31 =	sadd.s32 $0xC600, s4;
	s21 =	sadd.s32 s26, s13  }
0xf: {  	s20 =	sshrl.u32 s20, $0x3;
	s24 =	sadd.s32 s26, s16;
	s25 =	sadd.s32 s26, s18  }
0x10: {  	s12 =	sadd.s32 s26, s19;
	s22 =	sadd.s32 s9, s15;
	s20 =	sadd.s32 s7, s20  }
0x11: {  	s21 =	sshrl.u32 s21, $0x3;
	s12 =	sshrl.u32 s12, $0x3;
	[dreg:$0x5] =	wrdreg s20  }
0x12: {  	s23 =	sshrl.u32 s22, $0x3;
	s21 =	sadd.s32 s7, s21;
	s22 =	sshrl.u32 s25, $0x3  }
0x13: {  	s25 =	sadd.s32 s15, s6;
	[dreg:$0x6] =	wrdreg s21;
	s26 =	sadd.s32 s7, s22  }
0x14: {  	s21 =	sshrl.u32 s24, $0x3;
	s23 =	sadd.s32 s8, s23;
	[dreg:$0x8] =	wrdreg s26  }
0x15: {  	s22 =	sadd.s32 s15, s17;
	s24 =	sadd.s32 s15, s14;
	[dreg:$0xa] =	wrdreg s23  }
0x16: {  	s21 =	sadd.s32 s7, s21;
	s7 =	sadd.s32 s7, s12;
	s12 =	rddreg [dreg:$0x2]  }
0x17: {  	s5 =	sshrl.u32 s22, $0x3;
	[dreg:$0x7] =	wrdreg s21;
	s21 =	sadd.s32 s15, s11  }
0x18: {  	[dreg:$0x9] =	wrdreg s7;
	s5 =	sadd.s32 s8, s5;
	s7 =	sshrl.u32 s21, $0x3  }
0x19: {  	[dreg:$0xc] =	wrdreg s5;
	s5 =	sshrl.u32 s24, $0x3;
	s7 =	sadd.s32 s8, s7  }
0x1a: {  	s26 =	sshrl.u32 s25, $0x3;
	s5 =	sadd.s32 s8, s5;
	[dreg:$0xb] =	wrdreg s7  }
0x1b: {  	s16 =	sadd.s32 s16, s1;
	[dreg:$0xd] =	wrdreg s5;
	s5 =	sadd.s32 s8, s26  }
0x1c: {  	s28 =	sadd.s32 s19, s1;
	s7 =	sadd.s32 $0x3D800, s4;
	[dreg:$0xe] =	wrdreg s5  }
0x1d: {  	s8 =	sadd.s32 $0x51A00, s0;
	_ =	strace $0x80000047;
	[dreg:$0x4] =	wrdreg s7  }
0x1e: {  	s15 =	sadd.s32 $0x16600, s0;
	s0 =	sadd.s32 $0x51800, s0;
	[dreg:$0xf] =	wrdreg s8  }
0x1f: {  	s23 =	sadd.s32 s10, s1;
	s10 =	sadd.s32 s9, s12;
	[dreg:$0x10] =	wrdreg s0  }
0x20: {  	s19 =	simm.s32 $0x5;
	s20 =	sadd.s32 s18, s1;
	[dreg:$0x19] =	wrdreg s10  }
0x21: {  	s18 =	simm.s32 $0x4;
	s22 =	smax.u32 s3, $0x1;
	[dreg:$0x13] =	wrdreg s16  }
0x22: {  	s3 =	simm.s32 $0x1EB00;
	s25 =	sadd.s32 s6, s12;
	[dreg:$0x15] =	wrdreg s20  }
0x23: {  	s6 =	simm.s32 $0x16900;
	s21 =	sadd.s32 s13, s1;
	[dreg:$0x1b] =	wrdreg s22  }
0x24: {  	s9 =	simm.s32 $0x16980;
	s26 =	sadd.s32 s17, s12;
	[dreg:$0x11] =	wrdreg s21  }
0x25: {  	s24 =	sadd.s32 s14, s12;
	s13 =	simm.s32 $0x1;
	[dreg:$0x14] =	wrdreg s26  }
0x26: {  	v0 =	vlaneseq.u32;
	s14 =	simm.s32 $0x80;
	s4 =	simm.s32 $0x1F300;
	[dreg:$0x16] =	wrdreg s23  }
0x27: {  	v0 =	vmul.u32 $0x10, v0;
	s17 =	simm.s32 $0x3;
	s5 =	simm.s32 $0x16800;
	[dreg:$0x17] =	wrdreg s24  }
0x28: {  	s7 =	sadd.s32 s11, s12;
	s11 =	simm.s32 $0x16B00;
	[dreg:$0x18] =	wrdreg s28  }
0x29: {  	v1 =	vimm.f32 $1.000000000e+00;
	v9 =	vimm.f32 $0.0e+00;
	v2 =	vor.u32 $0x100, v0;
	s0 =	simm.s32 $0x7;
	s22 =	simm.s32 $0x0;
	[dreg:$0x1a] =	wrdreg s25  }
0x2a: {  	v3 =	vor.u32 $0x200, v0;
	v4 =	vor.u32 $0x300, v0;
	v5 =	vor.u32 $0x400, v0;
	s8 =	simm.s32 $0x16880;
	s10 =	simm.s32 $0x16A80;
	[dreg:$0x1c] =	wrdreg s22  }
0x2b: {  	v6 =	vor.u32 $0x500, v0;
	v7 =	vor.u32 $0x600, v0;
	v8 =	vor.u32 $0x700, v0;
	s16 =	simm.s32 $0x2;
	s20 =	simm.s32 $0x6;
	[dreg:$0x12] =	wrdreg s7  }
.LBB2_1:
0x2c: {  	s22 =	rddreg [dreg:$0xf]  }
0x2d: {  	[tilespmem:s11], [sflag:$0x7] =	stream.linear.gather [hbm4b:s22+s2], $0x4000, $0x38;
	[tilespmem:$0x1FB00] =	vst v63  }
0x2e: {  	_ =	swait.ge [sflag:s0], $0x4000  }
0x2f: {  	[sflag:s0] =	ssyncset.done $0x0  }
0x30: {  	s22 =	rddreg [dreg:$0x10];
	[sflag:s0] =	ssyncadd.s32 $0xFFFFC000  }
0x31: {  	[tilespmem:s3], [sflag:$0x7] =	stream.linear.gather [hbm4b:s22+s2], $0x800, $0x38;
	[tilespmem:$0x1FB00] =	vst v63  }
0x32: {  	_ =	swait.ge [sflag:s0], $0x800  }
0x33: {  	[sflag:s0] =	ssyncset.done $0x0  }
0x34: {  	[sflag:s0] =	ssyncadd.s32 $0xFFFFF800  }
0x35: {  	[tilespmem:s4], [sflag:$0x7] =	stream.linear.gather [hbm4b:s22+s2], $0x800, $0x38;
	[tilespmem:$0x1FB00] =	vst v63  }
0x36: {  	_ =	swait.ge [sflag:s0], $0x800  }
0x37: {  	[sflag:s0] =	ssyncset.done $0x0  }
0x38: {  	[sflag:s0] =	ssyncadd.s32 $0xFFFFF800  }
0x39: {  	[spmem:s23] =	stream.linear.scatter [tilespmem:s11], [sflag:$0x7], $0x4000, $0x38;
	[tilespmem:$0x1FB00] =	vst v63  }
0x3a: {  	_ =	swait.ge [sflag:s0], $0x4000  }
0x3b: {  	s22 =	smov.u32 s7;
	s7 =	smov.u32 s26;
	[sflag:s0] =	ssyncset.done $0x0  }
0x3c: {  	s26 =	smov.u32 s21;
	s21 =	rddreg [dreg:$0x19];
	[sflag:s0] =	ssyncadd.s32 $0xFFFFC000  }
0x3d: {  	[spmem:s21] =	stream.linear.scatter [tilespmem:s3], [sflag:$0x7], $0x800, $0x38;
	[tilespmem:$0x1FB00] =	vst v63  }
0x3e: {  	s23 =	rddreg [dreg:$0x13];
	_ =	swait.ge [sflag:s0], $0x800  }
0x3f: {  	[sflag:s0] =	ssyncset.done $0x0  }
0x40: {  	[sflag:s0] =	ssyncadd.s32 $0xFFFFF800  }
0x41: {  	[spmem:s26] =	stream.linear.scatter [tilespmem:s11], [sflag:$0x7], $0x4000, $0x38;
	[tilespmem:$0x1FB00] =	vst v63  }
0x42: {  	_ =	swait.ge [sflag:s0], $0x4000  }
0x43: {  	[sflag:s0] =	ssyncset.done $0x0  }
0x44: {  	[sflag:s0] =	ssyncadd.s32 $0xFFFFC000  }
0x45: {  	[spmem:s22] =	stream.linear.scatter [tilespmem:s3], [sflag:$0x7], $0x800, $0x38;
	[tilespmem:$0x1FB00] =	vst v63  }
0x46: {  	_ =	swait.ge [sflag:s0], $0x800  }
0x47: {  	[sflag:s0] =	ssyncset.done $0x0  }
0x48: {  	[sflag:s0] =	ssyncadd.s32 $0xFFFFF800  }
0x49: {  	[spmem:s23] =	stream.linear.scatter [tilespmem:s11], [sflag:$0x7], $0x4000, $0x38;
	[tilespmem:$0x1FB00] =	vst v63  }
0x4a: {  	_ =	swait.ge [sflag:s0], $0x4000  }
0x4b: {  	[sflag:s0] =	ssyncset.done $0x0  }
0x4c: {  	[sflag:s0] =	ssyncadd.s32 $0xFFFFC000  }
0x4d: {  	[spmem:s7] =	stream.linear.scatter [tilespmem:s3], [sflag:$0x7], $0x800, $0x38;
	[tilespmem:$0x1FB00] =	vst v63  }
0x4e: {  	_ =	swait.ge [sflag:s0], $0x800  }
0x4f: {  	[sflag:s0] =	ssyncset.done $0x0  }
0x50: {  	s26 =	rddreg [dreg:$0x15];
	[sflag:s0] =	ssyncadd.s32 $0xFFFFF800  }
0x51: {  	[spmem:s26] =	stream.linear.scatter [tilespmem:s11], [sflag:$0x7], $0x4000, $0x38;
	[tilespmem:$0x1FB00] =	vst v63  }
0x52: {  	_ =	swait.ge [sflag:s0], $0x4000  }
0x53: {  	[sflag:s0] =	ssyncset.done $0x0  }
0x54: {  	[sflag:s0] =	ssyncadd.s32 $0xFFFFC000  }
0x55: {  	[spmem:s24] =	stream.linear.scatter [tilespmem:s3], [sflag:$0x7], $0x800, $0x38;
	[tilespmem:$0x1FB00] =	vst v63  }
0x56: {  	_ =	swait.ge [sflag:s0], $0x800  }
0x57: {  	[sflag:s0] =	ssyncset.done $0x0  }
0x58: {  	[sflag:s0] =	ssyncadd.s32 $0xFFFFF800  }
0x59: {  	[spmem:s28] =	stream.linear.scatter [tilespmem:s11], [sflag:$0x7], $0x4000, $0x38;
	[tilespmem:$0x1FB00] =	vst v63  }
0x5a: {  	_ =	swait.ge [sflag:s0], $0x4000  }
0x5b: {  	[sflag:s0] =	ssyncset.done $0x0  }
0x5c: {  	[sflag:s0] =	ssyncadd.s32 $0xFFFFC000  }
0x5d: {  	[spmem:s25] =	stream.linear.scatter [tilespmem:s3], [sflag:$0x7], $0x800, $0x38;
	[tilespmem:$0x1FB00] =	vst v63  }
0x5e: {  	_ =	swait.ge [sflag:s0], $0x800  }
0x5f: {  	[sflag:s0] =	ssyncset.done $0x0  }
0x60: {  	[sflag:s0] =	ssyncadd.s32 $0xFFFFF800  }
0x61: {  	s22 =	simm.s32 $0x0;
	s7 =	simm.s32 $0x16A00;
	[bflag:$0x0] =	sbarrier.arrive $0xFFFF  }
.LBB2_2:
0x62: {  	s23 =	rddreg [dreg:$0x4]  }
0x63: {  	s23 =	sadd.s32 s22, s23  }
0x64: {  	[tilespmem:s5], [sflag:$0x1] =	stream.linear.gather [hbm4b:s23+s2], $0x80, $0x38;
	[tilespmem:$0x1FB00] =	vst v63  }
0x65: {  	s24 =	sadd.s32 s22, s30  }
0x66: {  	[tilespmem:s6], [sflag:$0x1] =	stream.linear.gather [hbm4b:s24+s2], $0x80, $0x38;
	[tilespmem:$0x1FB00] =	vst v63  }
0x67: {  	s25 =	sadd.s32 s22, s31  }
0x68: {  	[tilespmem:s7], [sflag:$0x1] =	stream.linear.gather [hbm4b:s25+s2], $0x80, $0x38;
	[tilespmem:$0x1FB00] =	vst v63  }
0x69: {  	s23 =	sadd.s32 $0x200, s23  }
0x6a: {  	[tilespmem:s8], [sflag:$0x2] =	stream.linear.gather [hbm4b:s23+s2], $0x80, $0x38;
	[tilespmem:$0x1FB00] =	vst v63  }
0x6b: {  	s26 =	sadd.s32 $0x200, s24  }
0x6c: {  	[tilespmem:s9], [sflag:$0x2] =	stream.linear.gather [hbm4b:s26+s2], $0x80, $0x38;
	[tilespmem:$0x1FB00] =	vst v63  }
0x6d: {  	s28 =	sadd.s32 $0x200, s25  }
0x6e: {  	[tilespmem:s10], [sflag:$0x2] =	stream.linear.gather [hbm4b:s28+s2], $0x80, $0x38;
	[tilespmem:$0x1FB00] =	vst v63  }
0x6f: {  	_ =	swait.ge [sflag:s13], $0x80  }
0x70: {  	[sflag:s13] =	ssyncset.done $0x0  }
0x71: {  	[sflag:s13] =	ssyncadd.s32 $0xFFFFFF80  }
0x72: {  	_ =	swait.ge [sflag:s13], $0x80  }
0x73: {  	[sflag:s13] =	ssyncset.done $0x0  }
0x74: {  	[sflag:s13] =	ssyncadd.s32 $0xFFFFFF80  }
0x75: {  	_ =	swait.ge [sflag:s13], $0x80  }
0x76: {  	[sflag:s13] =	ssyncset.done $0x0  }
0x77: {  	[sflag:s13] =	ssyncadd.s32 $0xFFFFFF80  }
0x78: {  	[tilespmem:s11], [sflag:$0x3] =	stream.indirect.gather [hbm4b:s15+s14], $0x80, s5, s14, $0xb8;
	[tilespmem:$0x1FB00] =	vst v63  }
0x79: {  	_ =	swait.ge [sflag:s16], $0x80  }
0x7a: {  	[sflag:s16] =	ssyncset.done $0x0  }
0x7b: {  	[sflag:s16] =	ssyncadd.s32 $0xFFFFFF80  }
0x7c: {  	_ =	swait.ge [sflag:s16], $0x80  }
0x7d: {  	[sflag:s16] =	ssyncset.done $0x0  }
0x7e: {  	[sflag:s16] =	ssyncadd.s32 $0xFFFFFF80  }
0x7f: {  	_ =	swait.ge [sflag:s16], $0x80  }
0x80: {  	[sflag:s16] =	ssyncset.done $0x0  }
0x81: {  	[sflag:s16] =	ssyncadd.s32 $0xFFFFFF80  }
0x82: {  	[tilespmem:s29], [sflag:$0x4] =	stream.indirect.gather [hbm4b:s15+s14], $0x80, s8, s14, $0xb8;
	[tilespmem:$0x1FB00] =	vst v63  }
0x83: {  	v10 =	vld [tilespmem:$0x16A00];
	_ =	sdelay $0x4  }
0x84: {  	v10 =	vadd.s32 v0, v10;
	_ =	sdelay $0x4  }
0x85: {  	[tilespmem:v10+s3+$0x0] =	vst.idx.msk $0xffff, v1  }
0x86: {  	v10 =	vld [tilespmem:$0x16A10];
	_ =	sdelay $0x4  }
0x87: {  	v10 =	vadd.s32 v2, v10;
	_ =	sdelay $0x4  }
0x88: {  	[tilespmem:v10+s3+$0x0] =	vst.idx.msk $0xffff, v1  }
0x89: {  	v10 =	vld [tilespmem:$0x16A20];
	_ =	sdelay $0x4  }
0x8a: {  	v10 =	vadd.s32 v3, v10;
	_ =	sdelay $0x4  }
0x8b: {  	[tilespmem:v10+s3+$0x0] =	vst.idx.msk $0xffff, v1  }
0x8c: {  	v10 =	vld [tilespmem:$0x16A30];
	_ =	sdelay $0x4  }
0x8d: {  	v10 =	vadd.s32 v4, v10;
	_ =	sdelay $0x4  }
0x8e: {  	[tilespmem:v10+s3+$0x0] =	vst.idx.msk $0xffff, v1  }
0x8f: {  	v10 =	vld [tilespmem:$0x16A40];
	_ =	sdelay $0x4  }
0x90: {  	v10 =	vadd.s32 v5, v10;
	_ =	sdelay $0x4  }
0x91: {  	[tilespmem:v10+s3+$0x0] =	vst.idx.msk $0xffff, v1  }
0x92: {  	v10 =	vld [tilespmem:$0x16A50];
	_ =	sdelay $0x4  }
0x93: {  	v10 =	vadd.s32 v6, v10;
	_ =	sdelay $0x4  }
0x94: {  	[tilespmem:v10+s3+$0x0] =	vst.idx.msk $0xffff, v1  }
0x95: {  	v10 =	vld [tilespmem:$0x16A60];
	_ =	sdelay $0x4  }
0x96: {  	v10 =	vadd.s32 v7, v10;
	_ =	sdelay $0x4  }
0x97: {  	[tilespmem:v10+s3+$0x0] =	vst.idx.msk $0xffff, v1  }
0x98: {  	v10 =	vld [tilespmem:$0x16A70];
	_ =	sdelay $0x4  }
0x99: {  	v10 =	vadd.s32 v8, v10;
	_ =	sdelay $0x4  }
0x9a: {  	[tilespmem:v10+s3+$0x0] =	vst.idx.msk $0xffff, v1  }
0x9b: {  	v10 =	vld [tilespmem:$0x16A80];
	_ =	sdelay $0x4  }
0x9c: {  	v10 =	vadd.s32 v0, v10;
	_ =	sdelay $0x4  }
0x9d: {  	[tilespmem:v10+s4+$0x0] =	vst.idx.msk $0xffff, v1  }
0x9e: {  	v10 =	vld [tilespmem:$0x16A90];
	_ =	sdelay $0x4  }
0x9f: {  	v10 =	vadd.s32 v2, v10;
	_ =	sdelay $0x4  }
0xa0: {  	[tilespmem:v10+s4+$0x0] =	vst.idx.msk $0xffff, v1  }
0xa1: {  	v10 =	vld [tilespmem:$0x16AA0];
	_ =	sdelay $0x4  }
0xa2: {  	v10 =	vadd.s32 v3, v10;
	_ =	sdelay $0x4  }
0xa3: {  	[tilespmem:v10+s4+$0x0] =	vst.idx.msk $0xffff, v1  }
0xa4: {  	v10 =	vld [tilespmem:$0x16AB0];
	_ =	sdelay $0x4  }
0xa5: {  	v10 =	vadd.s32 v4, v10;
	_ =	sdelay $0x4  }
0xa6: {  	[tilespmem:v10+s4+$0x0] =	vst.idx.msk $0xffff, v1  }
0xa7: {  	v10 =	vld [tilespmem:$0x16AC0];
	_ =	sdelay $0x4  }
0xa8: {  	v10 =	vadd.s32 v5, v10;
	_ =	sdelay $0x4  }
0xa9: {  	[tilespmem:v10+s4+$0x0] =	vst.idx.msk $0xffff, v1  }
0xaa: {  	v10 =	vld [tilespmem:$0x16AD0];
	_ =	sdelay $0x4  }
0xab: {  	v10 =	vadd.s32 v6, v10;
	_ =	sdelay $0x4  }
0xac: {  	[tilespmem:v10+s4+$0x0] =	vst.idx.msk $0xffff, v1  }
0xad: {  	v10 =	vld [tilespmem:$0x16AE0];
	_ =	sdelay $0x4  }
0xae: {  	v10 =	vadd.s32 v7, v10;
	_ =	sdelay $0x4  }
0xaf: {  	[tilespmem:v10+s4+$0x0] =	vst.idx.msk $0xffff, v1  }
0xb0: {  	v10 =	vld [tilespmem:$0x16AF0];
	_ =	sdelay $0x4  }
0xb1: {  	v10 =	vadd.s32 v8, v10;
	_ =	sdelay $0x4  }
0xb2: {  	[tilespmem:v10+s4+$0x0] =	vst.idx.msk $0xffff, v1  }
0xb3: {  	_ =	swait.ge [sflag:s17], $0x4000  }
0xb4: {  	[sflag:s17] =	ssyncset.done $0x0  }
0xb5: {  	[sflag:s17] =	ssyncadd.s32 $0xFFFFC000  }
0xb6: {  	[spmem:s1] =	stream.indirect.scatter.add.f32 [tilespmem:s11], [sflag:$0x5], $0x80, s6, s14, $0xb8;
	[tilespmem:$0x1FB00] =	vst v63  }
0xb7: {  	_ = 	snop  }
0xb8: {  	[spmem:s12] =	stream.indirect.scatter.add.f32 [tilespmem:s3], [sflag:$0x5], $0x10, s6, s14, $0xb8;
	[tilespmem:$0x1FB00] =	vst v63  }
0xb9: {  	_ =	swait.ge [sflag:s18], $0x4000  }
0xba: {  	[sflag:s18] =	ssyncset.done $0x0  }
0xbb: {  	[sflag:s18] =	ssyncadd.s32 $0xFFFFC000  }
0xbc: {  	[spmem:s1] =	stream.indirect.scatter.add.f32 [tilespmem:s29], [sflag:$0x6], $0x80, s9, s14, $0xb8;
	[tilespmem:$0x1FB00] =	vst v63  }
0xbd: {  	_ = 	snop  }
0xbe: {  	[spmem:s12] =	stream.indirect.scatter.add.f32 [tilespmem:s4], [sflag:$0x6], $0x10, s9, s14, $0xb8;
	[tilespmem:$0x1FB00] =	vst v63  }
0xbf: {  	_ =	swait.ge [sflag:s19], $0x4000  }
0xc0: {  	[sflag:s19] =	ssyncset.done $0x0  }
0xc1: {  	[sflag:s19] =	ssyncadd.s32 $0xFFFFC000  }
0xc2: {  	_ =	swait.ge [sflag:s19], $0x800  }
0xc3: {  	[sflag:s19] =	ssyncset.done $0x0  }
0xc4: {  	[sflag:s19] =	ssyncadd.s32 $0xFFFFF800  }
0xc5: {  	_ =	swait.ge [sflag:s20], $0x4000  }
0xc6: {  	[sflag:s20] =	ssyncset.done $0x0  }
0xc7: {  	[sflag:s20] =	ssyncadd.s32 $0xFFFFC000  }
0xc8: {  	_ =	swait.ge [sflag:s20], $0x800  }
0xc9: {  	[sflag:s20] =	ssyncset.done $0x0  }
0xca: {  	[sflag:s20] =	ssyncadd.s32 $0xFFFFF800  }
0xcb: {  	v10 =	vld [tilespmem:$0x16A00];
	_ =	sdelay $0x4  }
0xcc: {  	v10 =	vadd.s32 v0, v10;
	_ =	sdelay $0x4  }
0xcd: {  	[tilespmem:v10+s3+$0x0] =	vst.idx.msk $0xffff, v9  }
0xce: {  	v10 =	vld [tilespmem:$0x16A10];
	_ =	sdelay $0x4  }
0xcf: {  	v10 =	vadd.s32 v2, v10;
	_ =	sdelay $0x4  }
0xd0: {  	[tilespmem:v10+s3+$0x0] =	vst.idx.msk $0xffff, v9  }
0xd1: {  	v10 =	vld [tilespmem:$0x16A20];
	_ =	sdelay $0x4  }
0xd2: {  	v10 =	vadd.s32 v3, v10;
	_ =	sdelay $0x4  }
0xd3: {  	[tilespmem:v10+s3+$0x0] =	vst.idx.msk $0xffff, v9  }
0xd4: {  	v10 =	vld [tilespmem:$0x16A30];
	_ =	sdelay $0x4  }
0xd5: {  	v10 =	vadd.s32 v4, v10;
	_ =	sdelay $0x4  }
0xd6: {  	[tilespmem:v10+s3+$0x0] =	vst.idx.msk $0xffff, v9  }
0xd7: {  	v10 =	vld [tilespmem:$0x16A40];
	_ =	sdelay $0x4  }
0xd8: {  	v10 =	vadd.s32 v5, v10;
	_ =	sdelay $0x4  }
0xd9: {  	[tilespmem:v10+s3+$0x0] =	vst.idx.msk $0xffff, v9  }
0xda: {  	v10 =	vld [tilespmem:$0x16A50];
	_ =	sdelay $0x4  }
0xdb: {  	v10 =	vadd.s32 v6, v10;
	_ =	sdelay $0x4  }
0xdc: {  	[tilespmem:v10+s3+$0x0] =	vst.idx.msk $0xffff, v9  }
0xdd: {  	v10 =	vld [tilespmem:$0x16A60];
	_ =	sdelay $0x4  }
0xde: {  	v10 =	vadd.s32 v7, v10;
	_ =	sdelay $0x4  }
0xdf: {  	[tilespmem:v10+s3+$0x0] =	vst.idx.msk $0xffff, v9  }
0xe0: {  	v10 =	vld [tilespmem:$0x16A70];
	_ =	sdelay $0x4  }
0xe1: {  	v10 =	vadd.s32 v8, v10;
	_ =	sdelay $0x4  }
0xe2: {  	[tilespmem:v10+s3+$0x0] =	vst.idx.msk $0xffff, v9  }
0xe3: {  	v10 =	vld [tilespmem:$0x16A80];
	_ =	sdelay $0x4  }
0xe4: {  	v10 =	vadd.s32 v0, v10;
	_ =	sdelay $0x4  }
0xe5: {  	[tilespmem:v10+s4+$0x0] =	vst.idx.msk $0xffff, v9  }
0xe6: {  	v10 =	vld [tilespmem:$0x16A90];
	_ =	sdelay $0x4  }
0xe7: {  	v10 =	vadd.s32 v2, v10;
	_ =	sdelay $0x4  }
0xe8: {  	[tilespmem:v10+s4+$0x0] =	vst.idx.msk $0xffff, v9  }
0xe9: {  	v10 =	vld [tilespmem:$0x16AA0];
	_ =	sdelay $0x4  }
0xea: {  	v10 =	vadd.s32 v3, v10;
	_ =	sdelay $0x4  }
0xeb: {  	[tilespmem:v10+s4+$0x0] =	vst.idx.msk $0xffff, v9  }
0xec: {  	v10 =	vld [tilespmem:$0x16AB0];
	_ =	sdelay $0x4  }
0xed: {  	v10 =	vadd.s32 v4, v10;
	_ =	sdelay $0x4  }
0xee: {  	[tilespmem:v10+s4+$0x0] =	vst.idx.msk $0xffff, v9  }
0xef: {  	v10 =	vld [tilespmem:$0x16AC0];
	_ =	sdelay $0x4  }
0xf0: {  	v10 =	vadd.s32 v5, v10;
	_ =	sdelay $0x4  }
0xf1: {  	[tilespmem:v10+s4+$0x0] =	vst.idx.msk $0xffff, v9  }
0xf2: {  	v10 =	vld [tilespmem:$0x16AD0];
	_ =	sdelay $0x4  }
0xf3: {  	v10 =	vadd.s32 v6, v10;
	_ =	sdelay $0x4  }
0xf4: {  	[tilespmem:v10+s4+$0x0] =	vst.idx.msk $0xffff, v9  }
0xf5: {  	v10 =	vld [tilespmem:$0x16AE0];
	_ =	sdelay $0x4  }
0xf6: {  	v10 =	vadd.s32 v7, v10;
	_ =	sdelay $0x4  }
0xf7: {  	[tilespmem:v10+s4+$0x0] =	vst.idx.msk $0xffff, v9  }
0xf8: {  	v10 =	vld [tilespmem:$0x16AF0];
	_ =	sdelay $0x4  }
0xf9: {  	p0 =	sne.s32 s22, $0x9C00;
	v10 =	vadd.s32 v8, v10  }
.Ltmp0:
0xfa: {  	_ = 	snop;
	(pc) =	sbr.rel @p0 .LBB2_2-.Ltmp0, $2  }
0xfb: {  	_ =	sdelay $0x2  }
0xfc: {  	s22 =	sadd.s32 $0x400, s22;
	[tilespmem:v10+s4+$0x0] =	vst.idx.msk $0xffff, v9  }
0xfd: {  	[bflag:$0x0] =	sbarrier.arrive $0xFFFF  }
0xfe: {  	s7 =	rddreg [dreg:$0x16]  }
0xff: {  	[tilespmem:s11], [sflag:$0x7] =	stream.linear.gather [spmem:s7], $0x4000, $0x38;
	[tilespmem:$0x1FB00] =	vst v63  }
0x100: {  	_ =	swait.ge [sflag:s0], $0x4000  }
0x101: {  	[sflag:s0] =	ssyncset.done $0x0  }
0x102: {  	s22 =	rddreg [dreg:$0x5];
	[sflag:s0] =	ssyncadd.s32 $0xFFFFC000  }
0x103: {  	[hbm4b:s22+s2] =	stream.linear.scatter [tilespmem:s11], [sflag:$0x7], $0x4000, $0x38;
	[tilespmem:$0x1FB00] =	vst v63  }
0x104: {  	_ =	swait.ge [sflag:s0], $0x4000  }
0x105: {  	[sflag:s0] =	ssyncset.done $0x0  }
0x106: {  	s21 =	rddreg [dreg:$0x19];
	[sflag:s0] =	ssyncadd.s32 $0xFFFFC000  }
0x107: {  	[tilespmem:s3], [sflag:$0x7] =	stream.linear.gather [spmem:s21], $0x800, $0x38;
	[tilespmem:$0x1FB00] =	vst v63  }
0x108: {  	_ =	swait.ge [sflag:s0], $0x800  }
0x109: {  	[sflag:s0] =	ssyncset.done $0x0  }
0x10a: {  	s21 =	rddreg [dreg:$0xa];
	[sflag:s0] =	ssyncadd.s32 $0xFFFFF800  }
0x10b: {  	[hbm4b:s21+s2] =	stream.linear.scatter [tilespmem:s3], [sflag:$0x7], $0x800, $0x38;
	[tilespmem:$0x1FB00] =	vst v63  }
0x10c: {  	_ =	swait.ge [sflag:s0], $0x800  }
0x10d: {  	[sflag:s0] =	ssyncset.done $0x0  }
0x10e: {  	s21 =	rddreg [dreg:$0x11];
	[sflag:s0] =	ssyncadd.s32 $0xFFFFF800  }
0x10f: {  	[tilespmem:s11], [sflag:$0x7] =	stream.linear.gather [spmem:s21], $0x4000, $0x38;
	[tilespmem:$0x1FB00] =	vst v63  }
0x110: {  	_ =	swait.ge [sflag:s0], $0x4000  }
0x111: {  	[sflag:s0] =	ssyncset.done $0x0  }
0x112: {  	s23 =	rddreg [dreg:$0x6];
	[sflag:s0] =	ssyncadd.s32 $0xFFFFC000  }
0x113: {  	[hbm4b:s23+s2] =	stream.linear.scatter [tilespmem:s11], [sflag:$0x7], $0x4000, $0x38;
	[tilespmem:$0x1FB00] =	vst v63  }
0x114: {  	_ =	swait.ge [sflag:s0], $0x4000  }
0x115: {  	[sflag:s0] =	ssyncset.done $0x0  }
0x116: {  	s7 =	rddreg [dreg:$0x12];
	[sflag:s0] =	ssyncadd.s32 $0xFFFFC000  }
0x117: {  	[tilespmem:s3], [sflag:$0x7] =	stream.linear.gather [spmem:s7], $0x800, $0x38;
	[tilespmem:$0x1FB00] =	vst v63  }
0x118: {  	_ =	swait.ge [sflag:s0], $0x800  }
0x119: {  	[sflag:s0] =	ssyncset.done $0x0  }
0x11a: {  	s24 =	rddreg [dreg:$0xb];
	[sflag:s0] =	ssyncadd.s32 $0xFFFFF800  }
0x11b: {  	[hbm4b:s24+s2] =	stream.linear.scatter [tilespmem:s3], [sflag:$0x7], $0x800, $0x38;
	[tilespmem:$0x1FB00] =	vst v63  }
0x11c: {  	_ =	swait.ge [sflag:s0], $0x800  }
0x11d: {  	[sflag:s0] =	ssyncset.done $0x0  }
0x11e: {  	s25 =	rddreg [dreg:$0x13];
	[sflag:s0] =	ssyncadd.s32 $0xFFFFF800  }
0x11f: {  	[tilespmem:s11], [sflag:$0x7] =	stream.linear.gather [spmem:s25], $0x4000, $0x38;
	[tilespmem:$0x1FB00] =	vst v63  }
0x120: {  	_ =	swait.ge [sflag:s0], $0x4000  }
0x121: {  	[sflag:s0] =	ssyncset.done $0x0  }
0x122: {  	s26 =	rddreg [dreg:$0x7];
	[sflag:s0] =	ssyncadd.s32 $0xFFFFC000  }
0x123: {  	[hbm4b:s26+s2] =	stream.linear.scatter [tilespmem:s11], [sflag:$0x7], $0x4000, $0x38;
	[tilespmem:$0x1FB00] =	vst v63  }
0x124: {  	_ =	swait.ge [sflag:s0], $0x4000  }
0x125: {  	[sflag:s0] =	ssyncset.done $0x0  }
0x126: {  	s26 =	rddreg [dreg:$0x14];
	[sflag:s0] =	ssyncadd.s32 $0xFFFFC000  }
0x127: {  	[tilespmem:s3], [sflag:$0x7] =	stream.linear.gather [spmem:s26], $0x800, $0x38;
	[tilespmem:$0x1FB00] =	vst v63  }
0x128: {  	_ =	swait.ge [sflag:s0], $0x800  }
0x129: {  	[sflag:s0] =	ssyncset.done $0x0  }
0x12a: {  	s23 =	rddreg [dreg:$0xc];
	[sflag:s0] =	ssyncadd.s32 $0xFFFFF800  }
0x12b: {  	[hbm4b:s23+s2] =	stream.linear.scatter [tilespmem:s3], [sflag:$0x7], $0x800, $0x38;
	[tilespmem:$0x1FB00] =	vst v63  }
0x12c: {  	_ =	swait.ge [sflag:s0], $0x800  }
0x12d: {  	[sflag:s0] =	ssyncset.done $0x0  }
0x12e: {  	s24 =	rddreg [dreg:$0x15];
	[sflag:s0] =	ssyncadd.s32 $0xFFFFF800  }
0x12f: {  	[tilespmem:s11], [sflag:$0x7] =	stream.linear.gather [spmem:s24], $0x4000, $0x38;
	[tilespmem:$0x1FB00] =	vst v63  }
0x130: {  	_ =	swait.ge [sflag:s0], $0x4000  }
0x131: {  	[sflag:s0] =	ssyncset.done $0x0  }
0x132: {  	s25 =	rddreg [dreg:$0x8];
	[sflag:s0] =	ssyncadd.s32 $0xFFFFC000  }
0x133: {  	[hbm4b:s25+s2] =	stream.linear.scatter [tilespmem:s11], [sflag:$0x7], $0x4000, $0x38;
	[tilespmem:$0x1FB00] =	vst v63  }
0x134: {  	_ =	swait.ge [sflag:s0], $0x4000  }
0x135: {  	[sflag:s0] =	ssyncset.done $0x0  }
0x136: {  	s24 =	rddreg [dreg:$0x17];
	[sflag:s0] =	ssyncadd.s32 $0xFFFFC000  }
0x137: {  	[tilespmem:s3], [sflag:$0x7] =	stream.linear.gather [spmem:s24], $0x800, $0x38;
	[tilespmem:$0x1FB00] =	vst v63  }
0x138: {  	_ =	swait.ge [sflag:s0], $0x800  }
0x139: {  	[sflag:s0] =	ssyncset.done $0x0  }
0x13a: {  	s23 =	rddreg [dreg:$0xd];
	[sflag:s0] =	ssyncadd.s32 $0xFFFFF800  }
0x13b: {  	[hbm4b:s23+s2] =	stream.linear.scatter [tilespmem:s3], [sflag:$0x7], $0x800, $0x38;
	[tilespmem:$0x1FB00] =	vst v63  }
0x13c: {  	_ =	swait.ge [sflag:s0], $0x800  }
0x13d: {  	[sflag:s0] =	ssyncset.done $0x0  }
0x13e: {  	s28 =	rddreg [dreg:$0x18];
	[sflag:s0] =	ssyncadd.s32 $0xFFFFF800  }
0x13f: {  	[tilespmem:s11], [sflag:$0x7] =	stream.linear.gather [spmem:s28], $0x4000, $0x38;
	[tilespmem:$0x1FB00] =	vst v63  }
0x140: {  	_ =	swait.ge [sflag:s0], $0x4000  }
0x141: {  	[sflag:s0] =	ssyncset.done $0x0  }
0x142: {  	s25 =	rddreg [dreg:$0x9];
	[sflag:s0] =	ssyncadd.s32 $0xFFFFC000  }
0x143: {  	[hbm4b:s25+s2] =	stream.linear.scatter [tilespmem:s11], [sflag:$0x7], $0x4000, $0x38;
	[tilespmem:$0x1FB00] =	vst v63  }
0x144: {  	_ =	swait.ge [sflag:s0], $0x4000  }
0x145: {  	[sflag:s0] =	ssyncset.done $0x0  }
0x146: {  	s25 =	rddreg [dreg:$0x1a];
	[sflag:s0] =	ssyncadd.s32 $0xFFFFC000  }
0x147: {  	[tilespmem:s3], [sflag:$0x7] =	stream.linear.gather [spmem:s25], $0x800, $0x38;
	[tilespmem:$0x1FB00] =	vst v63  }
0x148: {  	_ =	swait.ge [sflag:s0], $0x800  }
0x149: {  	[sflag:s0] =	ssyncset.done $0x0  }
0x14a: {  	s23 =	rddreg [dreg:$0xe];
	[sflag:s0] =	ssyncadd.s32 $0xFFFFF800  }
0x14b: {  	[hbm4b:s23+s2] =	stream.linear.scatter [tilespmem:s3], [sflag:$0x7], $0x800, $0x38;
	[tilespmem:$0x1FB00] =	vst v63  }
0x14c: {  	_ =	swait.ge [sflag:s0], $0x800  }
0x14d: {  	s23 =	rddreg [dreg:$0x1c]  }
0x14e: {  	s22 =	rddreg [dreg:$0x1b];
	s23 =	sadd.s32 $0x1, s23  }
0x14f: {  	p0 =	sne.s32 s23, s22  }
.Ltmp1:
0x150: {  	_ = 	snop;
	(pc) =	sbr.rel @p0 .LBB2_1-.Ltmp1, $3  }
0x151: {  	_ =	sdelay $0x1  }
0x152: {  	[sflag:s0] =	ssyncset.done $0x0;
	[dreg:$0x1c] =	wrdreg s23  }
0x153: {  	[sflag:s0] =	ssyncadd.s32 $0xFFFFF800;
	s23 =	rddreg [dreg:$0x16]  }
0x154: {  	_ =	sfence.sel $0x180000  }
0x155: {  	[bflag:$0x0] =	sbarrier.arrive $0xFFFF  }
0x156: {  	_ =	strace $0x90000047  }
0x157: {  	s0 =	stileid.u32;
	[bflag:$0x2] =	sbarrier.arrive $0xFFFF  }
0x158: {  	p0 =	sne.s32 s0, $0x0;
	s0 =	rddreg [dreg:$0x3]  }
0x159: {  	s0 =	sadd.s32 @!p0 $0x100000, s0  }
0x15a: {  	[sflag:s0] =	ssyncadd.tile.s32 @!p0 $0x1;
	_ =	shalt  }
.Lfunc_end2:
_tile_overlayer_lowered:
.L_overlay_start_2:
0x15b: {  	(tag) =	ssettag $0x2  }
0x15c: {  	s0 =	rddreg [dreg:$0x0];
	s2 =	stileid.u32  }
0x15d: {  	s1 =	rddreg [dreg:$0x1];
	p0 =	sne.s32 s2, $0x0  }
0x15e: {  	s3 =	rddreg [dreg:$0x2];
	[bflag:$0x3] =	sbarrier.arrive $0xFFFF;
	s2 =	simm.s32 @!p0 $0x1C07  }
0x15f: {  	[timem:s3], [sflag:s2] =	dma.local @!p0 [hbm:s0], s1  }
0x160: {  	s0 =	simm.s32 @!p0 $0x7  }
0x161: {  	_ =	swait.ge @!p0 [sflag:s0], s1  }
0x162: {  	s1 =	ssub.s32 @!p0 $0x0, s1;
	[sflag:s0] =	ssyncset.done @!p0 $0x0  }
0x163: {  	[sflag:s0] =	ssyncadd.s32 @!p0 s1  }
0x164: {  	[bflag:$0x3] =	sbarrier.arrive $0xFFFF  }
0x165: {  	_ =	shalt  }

</sc_bundles>
